<compile_context>
chip_gen: v7x
topology: tpu7x:2x2x1
jax: 0.10.2.dev20260603
libtpu: 0.0.44.dev20260713+nightly
codegen_flags: <defaults>
</compile_context>

<pallas_src>
import functools

import jax
import jax.numpy as jnp
import numpy as np
from jax import lax
from jax.experimental import pallas as pl
from jax.experimental.pallas import tpu as pltpu
from jax.experimental.pallas import tpu_sc as plsc

_K = 3
_TQ = 512
_NGRP = 256
_SW = 128
_NPAD = 20480
_D = 64
_DF = 128
_DCOL = 56
_NW = 32
_CH = 128
_BR = 1024

_BIG_I = 2**30
_INF = 3e38
_PAD_METRIC = 1e30


def _top3(d, iota):
    out = []
    for k in range(3):
        m = jnp.min(d, axis=1, keepdims=True)
        eq = d == m
        j = jnp.min(jnp.where(eq, iota, jnp.float32(_INF)),
                    axis=1, keepdims=True)
        if k < 2:
            d = jnp.where(iota == j, jnp.float32(_INF), d)
        out.append(j)
    return out


def _knn_body(q_ref, x_ref, gt_ref, i1_ref, i2_ref, i3_ref, *, n_real):
    q = q_ref[...]
    nt = _NPAD // _NGRP
    d = lax.dot_general(q, x_ref[...], (((1,), (0,)), ((), ())),
                        preferred_element_type=jnp.float32)
    gmin = d[:, 0:_NGRP]
    for t in range(1, nt):
        gmin = jnp.minimum(gmin, d[:, t * _NGRP:(t + 1) * _NGRP])
    giota = lax.broadcasted_iota(jnp.int32, (_TQ, _NGRP), 1).astype(jnp.float32)
    g1, g2, g3 = _top3(gmin, giota)
    ga, gb = jnp.minimum(g1, g2), jnp.maximum(g1, g2)
    gb, gc = jnp.minimum(gb, g3), jnp.maximum(gb, g3)
    ga, gb = jnp.minimum(ga, gb), jnp.maximum(ga, gb)
    gt = gt_ref[...]
    cands = []
    for g in (ga, gb, gc):
        oh = (giota == g).astype(jnp.float32)
        rows = lax.dot_general(oh, gt, (((1,), (0,)), ((), ())),
                               preferred_element_type=jnp.float32)
        dx = (q[:, 0:1] * rows[:, 0:_SW]
              + q[:, 1:2] * rows[:, _SW:2 * _SW]
              + q[:, 2:3] * rows[:, 2 * _SW:3 * _SW]
              + rows[:, 3 * _SW:4 * _SW])
        cands.append(dx)
    dc = jnp.concatenate(cands, axis=1)
    ciota = lax.broadcasted_iota(jnp.int32, (_TQ, 3 * _SW), 1).astype(jnp.float32)
    gai = ga.astype(jnp.int32)
    gbi = gb.astype(jnp.int32)
    gci = gc.astype(jnp.int32)
    outs = []
    for jf in _top3(dc, ciota):
        j = jf.astype(jnp.int32)
        lane = j & (_SW - 1)
        slot1 = j >= _SW
        slot2 = j >= 2 * _SW
        gsel = jnp.where(slot2, gci, jnp.where(slot1, gbi, gai))
        outs.append(lane * _NGRP + gsel)
    row = (pl.program_id(0) * _TQ
           + lax.broadcasted_iota(jnp.int32, (_TQ, 1), 0))
    pad = row >= n_real
    i1_ref[...] = jnp.where(pad, row, outs[0])
    i2_ref[...] = jnp.where(pad, row, outs[1])
    i3_ref[...] = jnp.where(pad, row, outs[2])


def _sc_stats_body(f_hbm, idx_hbm, out_hbm, idx_v, rows_v, q_v, out_v, sem):
    cid = lax.axis_index("c")
    sid = lax.axis_index("s")
    wid = sid * 2 + cid
    npw = _NPAD // _NW
    iota16 = lax.iota(jnp.int32, 16)
    dmask = iota16 < 3

    for cchunk in range(npw // _CH):
        pb = wid * npw + cchunk * _CH
        for j in range(_K):
            pltpu.sync_copy(idx_hbm.at[pl.ds(j * _NPAD + pb, _CH)], idx_v.at[j])
        copies = [pltpu.async_copy(f_hbm.at[idx_v.at[j]], rows_v.at[j], sem)
                  for j in range(_K)]
        pltpu.sync_copy(f_hbm.at[pl.ds(pb, _CH)], q_v)
        for c in copies:
            c.wait()

        def point(p, _):
            x1 = rows_v[0, p, pl.ds(0, 16)]
            x2 = rows_v[1, p, pl.ds(0, 16)]
            x3 = rows_v[2, p, pl.ds(0, 16)]
            qv = q_v[p, pl.ds(0, 16)]
            m = (x1 + x2 + x3) * jnp.float32(1.0 / 3.0)
            e1, e2, e3 = x1 - m, x2 - m, x3 - m
            var = (e1 * e1 + e2 * e2 + e3 * e3) * jnp.float32(0.5)
            g1, g2, g3 = qv - x1, qv - x2, qv - x3
            dv = g1 * g1 + g2 * g2 + g3 * g3
            out_v[p, pl.ds(0, 16)] = jnp.where(dmask, dv, var)
            for cc in (1, 2, 3):
                x1 = rows_v[0, p, pl.ds(cc * 16, 16)]
                x2 = rows_v[1, p, pl.ds(cc * 16, 16)]
                x3 = rows_v[2, p, pl.ds(cc * 16, 16)]
                m = (x1 + x2 + x3) * jnp.float32(1.0 / 3.0)
                e1, e2, e3 = x1 - m, x2 - m, x3 - m
                var = (e1 * e1 + e2 * e2 + e3 * e3) * jnp.float32(0.5)
                out_v[p, pl.ds(cc * 16, 16)] = var
            return 0

        lax.fori_loop(0, _CH, point, 0)
        pltpu.sync_copy(out_v, out_hbm.at[pl.ds(pb, _CH)])


def _reduce_body(v_ref, ws_ref, wl_ref, out_ref):
    v = v_ref[...]
    ws = ws_ref[0:1, :]
    wl = wl_ref[0:1, :]
    part = (jnp.sum(ws * jnp.sqrt(v), dtype=jnp.float32)
            + jnp.sum(wl * v, dtype=jnp.float32)).reshape(1, 1)
    acc = jnp.where(pl.program_id(0) == 0,
                    jnp.zeros((1, 1), jnp.float32), out_ref[...])
    out_ref[...] = acc + part


def _make_weights(n_real):
    ws = np.zeros(_D, np.float32)
    ws[3:7] = 1.0 / (4 * n_real)
    ws[7:10] = 1.0 / (3 * n_real)
    ws[10] = 1.0 / n_real
    ws[11:56] = 1.0 / (45 * n_real)
    wl = np.zeros(_D, np.float32)
    wl[0:3] = 1.0 / (_K * n_real)
    ws2 = np.broadcast_to(np.tile(ws, 2)[None, :], (8, 128))
    wl2 = np.broadcast_to(np.tile(wl, 2)[None, :], (8, 128))
    return jnp.asarray(ws2), jnp.asarray(wl2)


def kernel(gaussians_xyz, gaussians_rotations, gaussians_scales,
           gaussians_colors, gaussians_opacity):
    n = gaussians_xyz.shape[1]
    xyz = gaussians_xyz[0]
    pad = _NPAD - n

    xsq = jnp.sum(xyz * xyz, axis=1)
    xt = jnp.pad(xyz.T, ((0, 0), (0, pad)))
    xsqp = jnp.pad(xsq[None, :], ((0, 0), (0, pad)),
                   constant_values=_PAD_METRIC)
    x_aug = jnp.concatenate([xt, xsqp], axis=0)
    q_aug = jnp.pad(jnp.concatenate([-2.0 * xyz, jnp.ones((n, 1), jnp.float32)],
                                    axis=1), ((0, pad), (0, 0)))
    nt = _NPAD // _NGRP
    gx = jnp.pad(xt.reshape(3, nt, _NGRP).transpose(2, 0, 1),
                 ((0, 0), (0, 0), (0, _SW - nt))).reshape(_NGRP, 3 * _SW)
    gq = jnp.pad(xsqp.reshape(nt, _NGRP).T, ((0, 0), (0, _SW - nt)),
                 constant_values=_PAD_METRIC)
    gtab = jnp.concatenate([gx, gq], axis=1)

    knn = pl.pallas_call(
        functools.partial(_knn_body, n_real=n),
        grid=(_NPAD // _TQ,),
        in_specs=[
            pl.BlockSpec((_TQ, 4), lambda i: (i, 0)),
            pl.BlockSpec((4, _NPAD), lambda i: (0, 0)),
            pl.BlockSpec((_NGRP, 4 * _SW), lambda i: (0, 0)),
        ],
        out_specs=[
            pl.BlockSpec((_TQ, 1), lambda i: (i, 0)),
            pl.BlockSpec((_TQ, 1), lambda i: (i, 0)),
            pl.BlockSpec((_TQ, 1), lambda i: (i, 0)),
        ],
        out_shape=[jax.ShapeDtypeStruct((_NPAD, 1), jnp.int32)] * 3,
    )
    o1, o2, o3 = knn(q_aug, x_aug, gtab)
    idx_arr = jnp.stack([o1[:, 0], o2[:, 0], o3[:, 0]],
                        axis=0).reshape(-1)

    feats = jnp.concatenate([xyz, gaussians_rotations[0], gaussians_scales[0],
                             gaussians_opacity[0], gaussians_colors[0]],
                            axis=1)
    ftab = jnp.pad(feats, ((0, pad), (0, _DF - feats.shape[1])))

    mesh = plsc.VectorSubcoreMesh(core_axis_name="c", subcore_axis_name="s")
    stats = pl.kernel(
        _sc_stats_body,
        mesh=mesh,
        out_type=jax.ShapeDtypeStruct((_NPAD, _D), jnp.float32),
        scratch_types=[
            pltpu.VMEM((_K, _CH), jnp.int32),
            pltpu.VMEM((_K, _CH, _DF), jnp.float32),
            pltpu.VMEM((_CH, _DF), jnp.float32),
            pltpu.VMEM((_CH, _D), jnp.float32),
            pltpu.SemaphoreType.DMA,
        ],
    )(ftab, idx_arr)

    ws, wl = _make_weights(n)
    v2 = stats.reshape(_NPAD * _D // 128, 128)
    out = pl.pallas_call(
        _reduce_body,
        grid=(_NPAD * _D // 128 // _BR,),
        in_specs=[
            pl.BlockSpec((_BR, 128), lambda i: (i, 0)),
            pl.BlockSpec((8, 128), lambda i: (0, 0)),
            pl.BlockSpec((8, 128), lambda i: (0, 0)),
        ],
        out_specs=pl.BlockSpec((1, 1), lambda i: (0, 0)),
        out_shape=jax.ShapeDtypeStruct((1, 1), jnp.float32),
    )(v2, ws, wl)
    return out[0, 0]

# --- scband reference (transcript-rebuilt; emitter-appended) ---
"""Pipeline reference for scband-knnreg-39135742001605 (READ-ONLY COPY).

The authoritative reference and input builder live on the scoring server;
editing this copy changes nothing except your own understanding.
"""

import jax, jax.numpy as jnp
import numpy as np

K = 3
WEIGHT = 1.0
CHUNK = 2048


def knn_indices(xyz, k, chunk=CHUNK):
    # brute-force K nearest neighbors (self included), like pytorch3d knn_points
    n = xyz.shape[0]
    sq = jnp.sum(xyz * xyz, axis=1)
    idx_chunks = []
    for s in range(0, n, chunk):
        q = xyz[s:s + chunk]
        d = jnp.sum(q * q, axis=1)[:, None] - 2.0 * (q @ xyz.T) + sq[None, :]
        _, ind = jax.lax.top_k(-d, k)
        idx_chunks.append(ind)
    return jnp.concatenate(idx_chunks, axis=0)


def setup_inputs(seed: int = 0) -> dict:
    key = jax.random.key(seed)
    ks = jax.random.split(key, 5)
    B, N = 1, 20000
    return {
        "gaussians_xyz": jax.random.normal(ks[0], (B, N, 3), dtype=jnp.float32),
        "gaussians_rotations": jax.random.normal(ks[1], (B, N, 4), dtype=jnp.float32),
        "gaussians_scales": jax.random.normal(ks[2], (B, N, 3), dtype=jnp.float32),
        "gaussians_colors": jax.random.normal(ks[3], (B, N, 45), dtype=jnp.float32),
        "gaussians_opacity": jax.random.normal(ks[4], (B, N, 1), dtype=jnp.float32),
    }


def reference(gaussians_xyz, gaussians_rotations, gaussians_scales,
              gaussians_colors, gaussians_opacity):
    # training_stage assumed in {OPTIMIZE_GAUSSIANS}; 'warping_*' keys absent.
    batch_size = gaussians_xyz.shape[0]
    loss = jnp.float32(0.0)
    for i in range(batch_size):
        xyz = gaussians_xyz[i]
        rotations = gaussians_rotations[i]
        get_s = gaussians_scales[i]
        features_rest = gaussians_colors[i]
        get_o = gaussians_opacity[i]
        nn_ind = knn_indices(xyz, K)                      # [N, K]
        # squared distances of the K nearest (recomputed from indices)
        dist_sq = jnp.sum((xyz[:, None, :] - xyz[nn_ind]) ** 2, axis=-1)  # [N, K]
        q = rotations[nn_ind, :]                          # [N, K, 4]
        s = get_s[nn_ind, :]                              # [N, K, 3]
        o = get_o[nn_ind, :]                              # [N, K, 1]
        ch = features_rest[nn_ind, :]                     # [N, K, 45]
        # torch .std(dim=1) is Bessel-corrected (ddof=1)
        q_std = jnp.std(q, axis=1, ddof=1).mean()
        s_std = jnp.std(s, axis=1, ddof=1).mean()
        o_std = jnp.std(o, axis=1, ddof=1).mean()
        ch_std = jnp.std(ch, axis=1, ddof=1).mean()
        if ch.shape[-1] == 0:
            ch_std = jnp.zeros_like(ch_std)
        loss = loss + q_std + s_std + o_std + ch_std + dist_sq.mean()
    loss = loss / batch_size * WEIGHT
    return loss

if __name__ == "__main__":
    import jax
    _d = setup_inputs()
    print(jax.jit(kernel)(*tuple(_d.values())))

</pallas_src>

<mosaic_0001>
#map = affine_map<(d0, d1) -> (0, 0)>
#map1 = affine_map<(d0, d1) -> (0)>
module attributes {stable_mosaic.version = 14 : i64} {
  func.func @_sc_stats_body(%arg0: i32, %arg1: i32, %arg2: memref<20480x128xf32, #tpu.memory_space<hbm>>, %arg3: memref<61440xi32, #tpu.memory_space<hbm>>, %arg4: memref<20480x64xf32, #tpu.memory_space<hbm>>, %arg5: memref<3x128xi32, #tpu.memory_space<vmem>>, %arg6: memref<3x128x128xf32, #tpu.memory_space<vmem>>, %arg7: memref<128x128xf32, #tpu.memory_space<vmem>>, %arg8: memref<128x64xf32, #tpu.memory_space<vmem>>, %arg9: memref<!tpu.dma_semaphore, #tpu.memory_space<semaphore_mem>>) attributes {dimension_semantics = [#tpu.dimension_semantics<core_parallel>, #tpu.dimension_semantics<subcore_parallel>], iteration_bounds = array<i64: 2, 16>, scalar_prefetch = 0 : i64, scratch_operands = 5 : i64, tpu.core_type = #tpu.core_type<sc_vector_subcore>, window_params = [{transform_indices = #map}, {transform_indices = #map1}, {transform_indices = #map}]} {
    %mul3A = arith.constant 2 : i32
    %mul3A_0 = arith.muli %arg1, %mul3A : i32
    %add3A = arith.addi %mul3A_0, %arg0 : i32
    %iota3A = tpu.iota {dimensions = array<i32: 0>} : vector<16xi32>
    %lt3A = arith.constant 3 : i32
    %lt3A_1 = vector.broadcast %lt3A : i32 to vector<16xi32>
    %lt3A_2 = arith.cmpi slt, %iota3A, %lt3A_1 : vector<16xi32>
    %mul3A_3 = arith.constant 640 : i32
    %mul3A_4 = arith.muli %add3A, %mul3A_3 : i32
    %add3A_5 = arith.constant 0 : i32
    %add3A_6 = arith.addi %mul3A_4, %add3A_5 : i32
    %add3A_7 = arith.constant 0 : i32
    %add3A_8 = arith.addi %add3A_7, %add3A_6 : i32
    %run_scoped3A = arith.constant 0 : i32
    "tpu.region"() ({
      %run_scoped3A_459 = tpu.sem_alloc : memref<!tpu.dma_semaphore, #tpu.memory_space<semaphore_mem>>
      %dma_start3A_460 = arith.constant 0 : i32
      %dma_start3A_461 = tpu.memref_slice %arg5[%run_scoped3A, %dma_start3A_460] : memref<3x128xi32, #tpu.memory_space<vmem>> -> memref<1x128xi32, #tpu.memory_space<vmem>>
      %dma_start3A_462 = tpu.memref_squeeze %dma_start3A_461 : memref<1x128xi32, #tpu.memory_space<vmem>> -> memref<128xi32, #tpu.memory_space<vmem>>
      %dma_start3A_463 = tpu.memref_slice %arg3[%add3A_8] : memref<61440xi32, #tpu.memory_space<hbm>> -> memref<128xi32, #tpu.memory_space<hbm>>
      %dma_start3A_464 = arith.constant 0 : i32
      %dma_start3A_465 = tpu.memref_slice %arg5[%run_scoped3A, %dma_start3A_464] : memref<3x128xi32, #tpu.memory_space<vmem>> -> memref<1x128xi32, #tpu.memory_space<vmem>>
      %dma_start3A_466 = tpu.memref_squeeze %dma_start3A_465 : memref<1x128xi32, #tpu.memory_space<vmem>> -> memref<128xi32, #tpu.memory_space<vmem>>
      %dma_start3A_467 = tpu.memref_slice %arg3[%add3A_8] : memref<61440xi32, #tpu.memory_space<hbm>> -> memref<128xi32, #tpu.memory_space<hbm>>
      tpu.enqueue_dma source(%dma_start3A_467 : memref<128xi32, #tpu.memory_space<hbm>>) target(%dma_start3A_466 : memref<128xi32, #tpu.memory_space<vmem>>) target_semaphore(%run_scoped3A_459 : memref<!tpu.dma_semaphore, #tpu.memory_space<semaphore_mem>>)
      %dma_wait3A_468 = arith.constant 0 : i32
      %dma_wait3A_469 = tpu.memref_slice %arg5[%run_scoped3A, %dma_wait3A_468] : memref<3x128xi32, #tpu.memory_space<vmem>> -> memref<1x128xi32, #tpu.memory_space<vmem>>
      %dma_wait3A_470 = tpu.memref_squeeze %dma_wait3A_469 : memref<1x128xi32, #tpu.memory_space<vmem>> -> memref<128xi32, #tpu.memory_space<vmem>>
      %dma_wait3A_471 = tpu.memref_slice %arg3[%add3A_8] : memref<61440xi32, #tpu.memory_space<hbm>> -> memref<128xi32, #tpu.memory_space<hbm>>
      %dma_wait3A_472 = arith.constant 0 : i32
      %dma_wait3A_473 = tpu.memref_slice %arg5[%run_scoped3A, %dma_wait3A_472] : memref<3x128xi32, #tpu.memory_space<vmem>> -> memref<1x128xi32, #tpu.memory_space<vmem>>
      %dma_wait3A_474 = tpu.memref_squeeze %dma_wait3A_473 : memref<1x128xi32, #tpu.memory_space<vmem>> -> memref<128xi32, #tpu.memory_space<vmem>>
      %dma_wait3A_475 = tpu.memref_slice %arg3[%add3A_8] : memref<61440xi32, #tpu.memory_space<hbm>> -> memref<128xi32, #tpu.memory_space<hbm>>
      tpu.wait_dma2 semaphore(%run_scoped3A_459 : memref<!tpu.dma_semaphore, #tpu.memory_space<semaphore_mem>>) src(%dma_wait3A_475 : memref<128xi32, #tpu.memory_space<hbm>>) dst(%dma_wait3A_474 : memref<128xi32, #tpu.memory_space<vmem>>)
      tpu.yield
    }) : () -> ()
    %add3A_9 = arith.constant 20480 : i32
    %add3A_10 = arith.addi %add3A_9, %add3A_6 : i32
    %run_scoped3A_11 = arith.constant 1 : i32
    "tpu.region"() ({
      %run_scoped3A_459 = tpu.sem_alloc : memref<!tpu.dma_semaphore, #tpu.memory_space<semaphore_mem>>
      %dma_start3A_460 = arith.constant 0 : i32
      %dma_start3A_461 = tpu.memref_slice %arg5[%run_scoped3A_11, %dma_start3A_460] : memref<3x128xi32, #tpu.memory_space<vmem>> -> memref<1x128xi32, #tpu.memory_space<vmem>>
      %dma_start3A_462 = tpu.memref_squeeze %dma_start3A_461 : memref<1x128xi32, #tpu.memory_space<vmem>> -> memref<128xi32, #tpu.memory_space<vmem>>
      %dma_start3A_463 = tpu.memref_slice %arg3[%add3A_10] : memref<61440xi32, #tpu.memory_space<hbm>> -> memref<128xi32, #tpu.memory_space<hbm>>
      %dma_start3A_464 = arith.constant 0 : i32
      %dma_start3A_465 = tpu.memref_slice %arg5[%run_scoped3A_11, %dma_start3A_464] : memref<3x128xi32, #tpu.memory_space<vmem>> -> memref<1x128xi32, #tpu.memory_space<vmem>>
      %dma_start3A_466 = tpu.memref_squeeze %dma_start3A_465 : memref<1x128xi32, #tpu.memory_space<vmem>> -> memref<128xi32, #tpu.memory_space<vmem>>
      %dma_start3A_467 = tpu.memref_slice %arg3[%add3A_10] : memref<61440xi32, #tpu.memory_space<hbm>> -> memref<128xi32, #tpu.memory_space<hbm>>
      tpu.enqueue_dma source(%dma_start3A_467 : memref<128xi32, #tpu.memory_space<hbm>>) target(%dma_start3A_466 : memref<128xi32, #tpu.memory_space<vmem>>) target_semaphore(%run_scoped3A_459 : memref<!tpu.dma_semaphore, #tpu.memory_space<semaphore_mem>>)
      %dma_wait3A_468 = arith.constant 0 : i32
      %dma_wait3A_469 = tpu.memref_slice %arg5[%run_scoped3A_11, %dma_wait3A_468] : memref<3x128xi32, #tpu.memory_space<vmem>> -> memref<1x128xi32, #tpu.memory_space<vmem>>
      %dma_wait3A_470 = tpu.memref_squeeze %dma_wait3A_469 : memref<1x128xi32, #tpu.memory_space<vmem>> -> memref<128xi32, #tpu.memory_space<vmem>>
      %dma_wait3A_471 = tpu.memref_slice %arg3[%add3A_10] : memref<61440xi32, #tpu.memory_space<hbm>> -> memref<128xi32, #tpu.memory_space<hbm>>
      %dma_wait3A_472 = arith.constant 0 : i32
      %dma_wait3A_473 = tpu.memref_slice %arg5[%run_scoped3A_11, %dma_wait3A_472] : memref<3x128xi32, #tpu.memory_space<vmem>> -> memref<1x128xi32, #tpu.memory_space<vmem>>
      %dma_wait3A_474 = tpu.memref_squeeze %dma_wait3A_473 : memref<1x128xi32, #tpu.memory_space<vmem>> -> memref<128xi32, #tpu.memory_space<vmem>>
      %dma_wait3A_475 = tpu.memref_slice %arg3[%add3A_10] : memref<61440xi32, #tpu.memory_space<hbm>> -> memref<128xi32, #tpu.memory_space<hbm>>
      tpu.wait_dma2 semaphore(%run_scoped3A_459 : memref<!tpu.dma_semaphore, #tpu.memory_space<semaphore_mem>>) src(%dma_wait3A_475 : memref<128xi32, #tpu.memory_space<hbm>>) dst(%dma_wait3A_474 : memref<128xi32, #tpu.memory_space<vmem>>)
      tpu.yield
    }) : () -> ()
    %add3A_12 = arith.constant 40960 : i32
    %add3A_13 = arith.addi %add3A_12, %add3A_6 : i32
    %run_scoped3A_14 = arith.constant 2 : i32
    "tpu.region"() ({
      %run_scoped3A_459 = tpu.sem_alloc : memref<!tpu.dma_semaphore, #tpu.memory_space<semaphore_mem>>
      %dma_start3A_460 = arith.constant 0 : i32
      %dma_start3A_461 = tpu.memref_slice %arg5[%run_scoped3A_14, %dma_start3A_460] : memref<3x128xi32, #tpu.memory_space<vmem>> -> memref<1x128xi32, #tpu.memory_space<vmem>>
      %dma_start3A_462 = tpu.memref_squeeze %dma_start3A_461 : memref<1x128xi32, #tpu.memory_space<vmem>> -> memref<128xi32, #tpu.memory_space<vmem>>
      %dma_start3A_463 = tpu.memref_slice %arg3[%add3A_13] : memref<61440xi32, #tpu.memory_space<hbm>> -> memref<128xi32, #tpu.memory_space<hbm>>
      %dma_start3A_464 = arith.constant 0 : i32
      %dma_start3A_465 = tpu.memref_slice %arg5[%run_scoped3A_14, %dma_start3A_464] : memref<3x128xi32, #tpu.memory_space<vmem>> -> memref<1x128xi32, #tpu.memory_space<vmem>>
      %dma_start3A_466 = tpu.memref_squeeze %dma_start3A_465 : memref<1x128xi32, #tpu.memory_space<vmem>> -> memref<128xi32, #tpu.memory_space<vmem>>
      %dma_start3A_467 = tpu.memref_slice %arg3[%add3A_13] : memref<61440xi32, #tpu.memory_space<hbm>> -> memref<128xi32, #tpu.memory_space<hbm>>
      tpu.enqueue_dma source(%dma_start3A_467 : memref<128xi32, #tpu.memory_space<hbm>>) target(%dma_start3A_466 : memref<128xi32, #tpu.memory_space<vmem>>) target_semaphore(%run_scoped3A_459 : memref<!tpu.dma_semaphore, #tpu.memory_space<semaphore_mem>>)
      %dma_wait3A_468 = arith.constant 0 : i32
      %dma_wait3A_469 = tpu.memref_slice %arg5[%run_scoped3A_14, %dma_wait3A_468] : memref<3x128xi32, #tpu.memory_space<vmem>> -> memref<1x128xi32, #tpu.memory_space<vmem>>
      %dma_wait3A_470 = tpu.memref_squeeze %dma_wait3A_469 : memref<1x128xi32, #tpu.memory_space<vmem>> -> memref<128xi32, #tpu.memory_space<vmem>>
      %dma_wait3A_471 = tpu.memref_slice %arg3[%add3A_13] : memref<61440xi32, #tpu.memory_space<hbm>> -> memref<128xi32, #tpu.memory_space<hbm>>
      %dma_wait3A_472 = arith.constant 0 : i32
      %dma_wait3A_473 = tpu.memref_slice %arg5[%run_scoped3A_14, %dma_wait3A_472] : memref<3x128xi32, #tpu.memory_space<vmem>> -> memref<1x128xi32, #tpu.memory_space<vmem>>
      %dma_wait3A_474 = tpu.memref_squeeze %dma_wait3A_473 : memref<1x128xi32, #tpu.memory_space<vmem>> -> memref<128xi32, #tpu.memory_space<vmem>>
      %dma_wait3A_475 = tpu.memref_slice %arg3[%add3A_13] : memref<61440xi32, #tpu.memory_space<hbm>> -> memref<128xi32, #tpu.memory_space<hbm>>
      tpu.wait_dma2 semaphore(%run_scoped3A_459 : memref<!tpu.dma_semaphore, #tpu.memory_space<semaphore_mem>>) src(%dma_wait3A_475 : memref<128xi32, #tpu.memory_space<hbm>>) dst(%dma_wait3A_474 : memref<128xi32, #tpu.memory_space<vmem>>)
      tpu.yield
    }) : () -> ()
    %dma_start3A = arith.constant 0 : i32
    %dma_start3A_15 = arith.constant 0 : i32
    %dma_start3A_16 = arith.constant 0 : i32
    %dma_start3A_17 = arith.constant 0 : i32
    %dma_start3A_18 = tpu.memref_slice %arg6[%dma_start3A_15, %dma_start3A_16, %dma_start3A_17] : memref<3x128x128xf32, #tpu.memory_space<vmem>> -> memref<1x128x128xf32, #tpu.memory_space<vmem>>
    %dma_start3A_19 = tpu.memref_squeeze %dma_start3A_18 : memref<1x128x128xf32, #tpu.memory_space<vmem>> -> memref<128x128xf32, #tpu.memory_space<vmem>>
    %dma_start3A_20 = arith.constant 0 : i32
    %dma_start3A_21 = tpu.memref_slice %arg5[%dma_start3A, %dma_start3A_20] : memref<3x128xi32, #tpu.memory_space<vmem>> -> memref<1x128xi32, #tpu.memory_space<vmem>>
    %dma_start3A_22 = tpu.memref_squeeze %dma_start3A_21 : memref<1x128xi32, #tpu.memory_space<vmem>> -> memref<128xi32, #tpu.memory_space<vmem>>
    %dma_start3A_23 = arith.constant 0 : i32
    %dma_start3A_24 = arith.constant 0 : i32
    %dma_start3A_25 = tpu.memref_slice %arg2[%dma_start3A_23, %dma_start3A_24] : memref<20480x128xf32, #tpu.memory_space<hbm>> -> memref<20480x128xf32, #tpu.memory_space<hbm>>
    tpu.enqueue_indirect_dma source(%dma_start3A_25 : memref<20480x128xf32, #tpu.memory_space<hbm>>) target(%dma_start3A_19 : memref<128x128xf32, #tpu.memory_space<vmem>>) offsets(%dma_start3A_22 : memref<128xi32, #tpu.memory_space<vmem>>) semaphore(%arg9 : memref<!tpu.dma_semaphore, #tpu.memory_space<semaphore_mem>>)
    %dma_start3A_26 = arith.constant 1 : i32
    %dma_start3A_27 = arith.constant 1 : i32
    %dma_start3A_28 = arith.constant 0 : i32
    %dma_start3A_29 = arith.constant 0 : i32
    %dma_start3A_30 = tpu.memref_slice %arg6[%dma_start3A_27, %dma_start3A_28, %dma_start3A_29] : memref<3x128x128xf32, #tpu.memory_space<vmem>> -> memref<1x128x128xf32, #tpu.memory_space<vmem>>
    %dma_start3A_31 = tpu.memref_squeeze %dma_start3A_30 : memref<1x128x128xf32, #tpu.memory_space<vmem>> -> memref<128x128xf32, #tpu.memory_space<vmem>>
    %dma_start3A_32 = arith.constant 0 : i32
    %dma_start3A_33 = tpu.memref_slice %arg5[%dma_start3A_26, %dma_start3A_32] : memref<3x128xi32, #tpu.memory_space<vmem>> -> memref<1x128xi32, #tpu.memory_space<vmem>>
    %dma_start3A_34 = tpu.memref_squeeze %dma_start3A_33 : memref<1x128xi32, #tpu.memory_space<vmem>> -> memref<128xi32, #tpu.memory_space<vmem>>
    %dma_start3A_35 = arith.constant 0 : i32
    %dma_start3A_36 = arith.constant 0 : i32
    %dma_start3A_37 = tpu.memref_slice %arg2[%dma_start3A_35, %dma_start3A_36] : memref<20480x128xf32, #tpu.memory_space<hbm>> -> memref<20480x128xf32, #tpu.memory_space<hbm>>
    tpu.enqueue_indirect_dma source(%dma_start3A_37 : memref<20480x128xf32, #tpu.memory_space<hbm>>) target(%dma_start3A_31 : memref<128x128xf32, #tpu.memory_space<vmem>>) offsets(%dma_start3A_34 : memref<128xi32, #tpu.memory_space<vmem>>) semaphore(%arg9 : memref<!tpu.dma_semaphore, #tpu.memory_space<semaphore_mem>>)
    %dma_start3A_38 = arith.constant 2 : i32
    %dma_start3A_39 = arith.constant 2 : i32
    %dma_start3A_40 = arith.constant 0 : i32
    %dma_start3A_41 = arith.constant 0 : i32
    %dma_start3A_42 = tpu.memref_slice %arg6[%dma_start3A_39, %dma_start3A_40, %dma_start3A_41] : memref<3x128x128xf32, #tpu.memory_space<vmem>> -> memref<1x128x128xf32, #tpu.memory_space<vmem>>
    %dma_start3A_43 = tpu.memref_squeeze %dma_start3A_42 : memref<1x128x128xf32, #tpu.memory_space<vmem>> -> memref<128x128xf32, #tpu.memory_space<vmem>>
    %dma_start3A_44 = arith.constant 0 : i32
    %dma_start3A_45 = tpu.memref_slice %arg5[%dma_start3A_38, %dma_start3A_44] : memref<3x128xi32, #tpu.memory_space<vmem>> -> memref<1x128xi32, #tpu.memory_space<vmem>>
    %dma_start3A_46 = tpu.memref_squeeze %dma_start3A_45 : memref<1x128xi32, #tpu.memory_space<vmem>> -> memref<128xi32, #tpu.memory_space<vmem>>
    %dma_start3A_47 = arith.constant 0 : i32
    %dma_start3A_48 = arith.constant 0 : i32
    %dma_start3A_49 = tpu.memref_slice %arg2[%dma_start3A_47, %dma_start3A_48] : memref<20480x128xf32, #tpu.memory_space<hbm>> -> memref<20480x128xf32, #tpu.memory_space<hbm>>
    tpu.enqueue_indirect_dma source(%dma_start3A_49 : memref<20480x128xf32, #tpu.memory_space<hbm>>) target(%dma_start3A_43 : memref<128x128xf32, #tpu.memory_space<vmem>>) offsets(%dma_start3A_46 : memref<128xi32, #tpu.memory_space<vmem>>) semaphore(%arg9 : memref<!tpu.dma_semaphore, #tpu.memory_space<semaphore_mem>>)
    "tpu.region"() ({
      %run_scoped3A_459 = tpu.sem_alloc : memref<!tpu.dma_semaphore, #tpu.memory_space<semaphore_mem>>
      %dma_start3A_460 = arith.constant 0 : i32
      %dma_start3A_461 = tpu.memref_slice %arg2[%add3A_6, %dma_start3A_460] : memref<20480x128xf32, #tpu.memory_space<hbm>> -> memref<128x128xf32, #tpu.memory_space<hbm>>
      %dma_start3A_462 = arith.constant 0 : i32
      %dma_start3A_463 = tpu.memref_slice %arg2[%add3A_6, %dma_start3A_462] : memref<20480x128xf32, #tpu.memory_space<hbm>> -> memref<128x128xf32, #tpu.memory_space<hbm>>
      tpu.enqueue_dma source(%dma_start3A_463 : memref<128x128xf32, #tpu.memory_space<hbm>>) target(%arg7 : memref<128x128xf32, #tpu.memory_space<vmem>>) target_semaphore(%run_scoped3A_459 : memref<!tpu.dma_semaphore, #tpu.memory_space<semaphore_mem>>)
      %dma_wait3A_464 = arith.constant 0 : i32
      %dma_wait3A_465 = tpu.memref_slice %arg2[%add3A_6, %dma_wait3A_464] : memref<20480x128xf32, #tpu.memory_space<hbm>> -> memref<128x128xf32, #tpu.memory_space<hbm>>
      %dma_wait3A_466 = arith.constant 0 : i32
      %dma_wait3A_467 = tpu.memref_slice %arg2[%add3A_6, %dma_wait3A_466] : memref<20480x128xf32, #tpu.memory_space<hbm>> -> memref<128x128xf32, #tpu.memory_space<hbm>>
      tpu.wait_dma2 semaphore(%run_scoped3A_459 : memref<!tpu.dma_semaphore, #tpu.memory_space<semaphore_mem>>) src(%dma_wait3A_467 : memref<128x128xf32, #tpu.memory_space<hbm>>) dst(%arg7 : memref<128x128xf32, #tpu.memory_space<vmem>>)
      tpu.yield
    }) : () -> ()
    %dma_wait3A = arith.constant 0 : i32
    %dma_wait3A_50 = arith.constant 0 : i32
    %dma_wait3A_51 = arith.constant 0 : i32
    %dma_wait3A_52 = arith.constant 0 : i32
    %dma_wait3A_53 = tpu.memref_slice %arg6[%dma_wait3A_50, %dma_wait3A_51, %dma_wait3A_52] : memref<3x128x128xf32, #tpu.memory_space<vmem>> -> memref<1x128x128xf32, #tpu.memory_space<vmem>>
    %dma_wait3A_54 = tpu.memref_squeeze %dma_wait3A_53 : memref<1x128x128xf32, #tpu.memory_space<vmem>> -> memref<128x128xf32, #tpu.memory_space<vmem>>
    %dma_wait3A_55 = arith.constant 0 : i32
    %dma_wait3A_56 = tpu.memref_slice %arg5[%dma_wait3A, %dma_wait3A_55] : memref<3x128xi32, #tpu.memory_space<vmem>> -> memref<1x128xi32, #tpu.memory_space<vmem>>
    %dma_wait3A_57 = tpu.memref_squeeze %dma_wait3A_56 : memref<1x128xi32, #tpu.memory_space<vmem>> -> memref<128xi32, #tpu.memory_space<vmem>>
    %dma_wait3A_58 = arith.constant 0 : i32
    %dma_wait3A_59 = arith.constant 0 : i32
    %dma_wait3A_60 = tpu.memref_slice %arg2[%dma_wait3A_58, %dma_wait3A_59] : memref<20480x128xf32, #tpu.memory_space<hbm>> -> memref<20480x128xf32, #tpu.memory_space<hbm>>
    tpu.wait_indirect_dma semaphore(%arg9 : memref<!tpu.dma_semaphore, #tpu.memory_space<semaphore_mem>>) src(%dma_wait3A_60 : memref<20480x128xf32, #tpu.memory_space<hbm>>) dst(%dma_wait3A_54 : memref<128x128xf32, #tpu.memory_space<vmem>>)
    %dma_wait3A_61 = arith.constant 1 : i32
    %dma_wait3A_62 = arith.constant 1 : i32
    %dma_wait3A_63 = arith.constant 0 : i32
    %dma_wait3A_64 = arith.constant 0 : i32
    %dma_wait3A_65 = tpu.memref_slice %arg6[%dma_wait3A_62, %dma_wait3A_63, %dma_wait3A_64] : memref<3x128x128xf32, #tpu.memory_space<vmem>> -> memref<1x128x128xf32, #tpu.memory_space<vmem>>
    %dma_wait3A_66 = tpu.memref_squeeze %dma_wait3A_65 : memref<1x128x128xf32, #tpu.memory_space<vmem>> -> memref<128x128xf32, #tpu.memory_space<vmem>>
    %dma_wait3A_67 = arith.constant 0 : i32
    %dma_wait3A_68 = tpu.memref_slice %arg5[%dma_wait3A_61, %dma_wait3A_67] : memref<3x128xi32, #tpu.memory_space<vmem>> -> memref<1x128xi32, #tpu.memory_space<vmem>>
    %dma_wait3A_69 = tpu.memref_squeeze %dma_wait3A_68 : memref<1x128xi32, #tpu.memory_space<vmem>> -> memref<128xi32, #tpu.memory_space<vmem>>
    %dma_wait3A_70 = arith.constant 0 : i32
    %dma_wait3A_71 = arith.constant 0 : i32
    %dma_wait3A_72 = tpu.memref_slice %arg2[%dma_wait3A_70, %dma_wait3A_71] : memref<20480x128xf32, #tpu.memory_space<hbm>> -> memref<20480x128xf32, #tpu.memory_space<hbm>>
    tpu.wait_indirect_dma semaphore(%arg9 : memref<!tpu.dma_semaphore, #tpu.memory_space<semaphore_mem>>) src(%dma_wait3A_72 : memref<20480x128xf32, #tpu.memory_space<hbm>>) dst(%dma_wait3A_66 : memref<128x128xf32, #tpu.memory_space<vmem>>)
    %dma_wait3A_73 = arith.constant 2 : i32
    %dma_wait3A_74 = arith.constant 2 : i32
    %dma_wait3A_75 = arith.constant 0 : i32
    %dma_wait3A_76 = arith.constant 0 : i32
    %dma_wait3A_77 = tpu.memref_slice %arg6[%dma_wait3A_74, %dma_wait3A_75, %dma_wait3A_76] : memref<3x128x128xf32, #tpu.memory_space<vmem>> -> memref<1x128x128xf32, #tpu.memory_space<vmem>>
    %dma_wait3A_78 = tpu.memref_squeeze %dma_wait3A_77 : memref<1x128x128xf32, #tpu.memory_space<vmem>> -> memref<128x128xf32, #tpu.memory_space<vmem>>
    %dma_wait3A_79 = arith.constant 0 : i32
    %dma_wait3A_80 = tpu.memref_slice %arg5[%dma_wait3A_73, %dma_wait3A_79] : memref<3x128xi32, #tpu.memory_space<vmem>> -> memref<1x128xi32, #tpu.memory_space<vmem>>
    %dma_wait3A_81 = tpu.memref_squeeze %dma_wait3A_80 : memref<1x128xi32, #tpu.memory_space<vmem>> -> memref<128xi32, #tpu.memory_space<vmem>>
    %dma_wait3A_82 = arith.constant 0 : i32
    %dma_wait3A_83 = arith.constant 0 : i32
    %dma_wait3A_84 = tpu.memref_slice %arg2[%dma_wait3A_82, %dma_wait3A_83] : memref<20480x128xf32, #tpu.memory_space<hbm>> -> memref<20480x128xf32, #tpu.memory_space<hbm>>
    tpu.wait_indirect_dma semaphore(%arg9 : memref<!tpu.dma_semaphore, #tpu.memory_space<semaphore_mem>>) src(%dma_wait3A_84 : memref<20480x128xf32, #tpu.memory_space<hbm>>) dst(%dma_wait3A_78 : memref<128x128xf32, #tpu.memory_space<vmem>>)
    %scan3A = arith.constant 0 : i32
    %scan3A_85 = arith.constant 0 : i32
    %scan3A_86 = arith.constant 128 : i32
    %scan3A_87 = arith.addi %scan3A_85, %scan3A_86 : i32
    %scan3A_88 = arith.constant 1 : i32
    %scan3A_89 = scf.for %scan3A_459 = %scan3A_85 to %scan3A_87 step %scan3A_88 iter_args(%scan3A_460 = %scan3A) -> (i32)  : i32 {
      %get3A = arith.constant 0 : i32
      %get3A_461 = arith.index_cast %get3A : i32 to index
      %get3A_462 = arith.index_cast %scan3A_459 : i32 to index
      %get3A_463 = arith.constant 0 : index
      %get3A_464 = tpu.vector_load %arg6[%get3A_461, %get3A_462, %get3A_463] {strides = array<i32>} : memref<3x128x128xf32, #tpu.memory_space<vmem>>, vector<1x1x16xf32>,
      %get3A_465 = vector.shape_cast %get3A_464 : vector<1x1x16xf32> to vector<16xf32>
      %get3A_466 = arith.constant 1 : i32
      %get3A_467 = arith.index_cast %get3A_466 : i32 to index
      %get3A_468 = arith.index_cast %scan3A_459 : i32 to index
      %get3A_469 = arith.constant 0 : index
      %get3A_470 = tpu.vector_load %arg6[%get3A_467, %get3A_468, %get3A_469] {strides = array<i32>} : memref<3x128x128xf32, #tpu.memory_space<vmem>>, vector<1x1x16xf32>,
      %get3A_471 = vector.shape_cast %get3A_470 : vector<1x1x16xf32> to vector<16xf32>
      %get3A_472 = arith.constant 2 : i32
      %get3A_473 = arith.index_cast %get3A_472 : i32 to index
      %get3A_474 = arith.index_cast %scan3A_459 : i32 to index
      %get3A_475 = arith.constant 0 : index
      %get3A_476 = tpu.vector_load %arg6[%get3A_473, %get3A_474, %get3A_475] {strides = array<i32>} : memref<3x128x128xf32, #tpu.memory_space<vmem>>, vector<1x1x16xf32>,
      %get3A_477 = vector.shape_cast %get3A_476 : vector<1x1x16xf32> to vector<16xf32>
      %get3A_478 = arith.index_cast %scan3A_459 : i32 to index
      %get3A_479 = arith.constant 0 : index
      %get3A_480 = tpu.vector_load %arg7[%get3A_478, %get3A_479] {strides = array<i32>} : memref<128x128xf32, #tpu.memory_space<vmem>>, vector<1x16xf32>,
      %get3A_481 = vector.shape_cast %get3A_480 : vector<1x16xf32> to vector<16xf32>
      %add3A_482 = arith.addf %get3A_465, %get3A_471 : vector<16xf32>
      %add3A_483 = arith.addf %add3A_482, %get3A_477 : vector<16xf32>
      %mul3A_484 = arith.constant 0.333333343 : f32
      %mul3A_485 = vector.broadcast %mul3A_484 : f32 to vector<16xf32>
      %mul3A_486 = arith.mulf %add3A_483, %mul3A_485 : vector<16xf32>
      %sub3A = arith.subf %get3A_465, %mul3A_486 : vector<16xf32>
      %sub3A_487 = arith.subf %get3A_471, %mul3A_486 : vector<16xf32>
      %sub3A_488 = arith.subf %get3A_477, %mul3A_486 : vector<16xf32>
      %mul3A_489 = arith.mulf %sub3A, %sub3A : vector<16xf32>
      %mul3A_490 = arith.mulf %sub3A_487, %sub3A_487 : vector<16xf32>
      %add3A_491 = arith.addf %mul3A_489, %mul3A_490 : vector<16xf32>
      %mul3A_492 = arith.mulf %sub3A_488, %sub3A_488 : vector<16xf32>
      %add3A_493 = arith.addf %add3A_491, %mul3A_492 : vector<16xf32>
      %mul3A_494 = arith.constant 5.000000e-01 : f32
      %mul3A_495 = vector.broadcast %mul3A_494 : f32 to vector<16xf32>
      %mul3A_496 = arith.mulf %add3A_493, %mul3A_495 : vector<16xf32>
      %sub3A_497 = arith.subf %get3A_481, %get3A_465 : vector<16xf32>
      %sub3A_498 = arith.subf %get3A_481, %get3A_471 : vector<16xf32>
      %sub3A_499 = arith.subf %get3A_481, %get3A_477 : vector<16xf32>
      %mul3A_500 = arith.mulf %sub3A_497, %sub3A_497 : vector<16xf32>
      %mul3A_501 = arith.mulf %sub3A_498, %sub3A_498 : vector<16xf32>
      %add3A_502 = arith.addf %mul3A_500, %mul3A_501 : vector<16xf32>
      %mul3A_503 = arith.mulf %sub3A_499, %sub3A_499 : vector<16xf32>
      %add3A_504 = arith.addf %add3A_502, %mul3A_503 : vector<16xf32>
      %select_n3A = arith.select %lt3A_2, %add3A_504, %mul3A_496 : vector<16xi1>, vector<16xf32>
      %swap3A = arith.index_cast %scan3A_459 : i32 to index
      %swap3A_505 = arith.constant 0 : index
      %swap3A_506 = tpu.vector_load %arg8[%swap3A, %swap3A_505] {strides = array<i32>} : memref<128x64xf32, #tpu.memory_space<vmem>>, vector<1x16xf32>,
      %swap3A_507 = vector.shape_cast %swap3A_506 : vector<1x16xf32> to vector<16xf32>
      %swap3A_508 = vector.shape_cast %select_n3A : vector<16xf32> to vector<1x16xf32>
      tpu.vector_store %arg8[%swap3A, %swap3A_505], %swap3A_508 {strides = array<i32>} : memref<128x64xf32, #tpu.memory_space<vmem>>, vector<1x16xf32>,
      %get3A_509 = arith.constant 0 : i32
      %get3A_510 = arith.index_cast %get3A_509 : i32 to index
      %get3A_511 = arith.index_cast %scan3A_459 : i32 to index
      %get3A_512 = arith.constant 16 : index
      %get3A_513 = tpu.vector_load %arg6[%get3A_510, %get3A_511, %get3A_512] {strides = array<i32>} : memref<3x128x128xf32, #tpu.memory_space<vmem>>, vector<1x1x16xf32>,
      %get3A_514 = vector.shape_cast %get3A_513 : vector<1x1x16xf32> to vector<16xf32>
      %get3A_515 = arith.constant 1 : i32
      %get3A_516 = arith.index_cast %get3A_515 : i32 to index
      %get3A_517 = arith.index_cast %scan3A_459 : i32 to index
      %get3A_518 = arith.constant 16 : index
      %get3A_519 = tpu.vector_load %arg6[%get3A_516, %get3A_517, %get3A_518] {strides = array<i32>} : memref<3x128x128xf32, #tpu.memory_space<vmem>>, vector<1x1x16xf32>,
      %get3A_520 = vector.shape_cast %get3A_519 : vector<1x1x16xf32> to vector<16xf32>
      %get3A_521 = arith.constant 2 : i32
      %get3A_522 = arith.index_cast %get3A_521 : i32 to index
      %get3A_523 = arith.index_cast %scan3A_459 : i32 to index
      %get3A_524 = arith.constant 16 : index
      %get3A_525 = tpu.vector_load %arg6[%get3A_522, %get3A_523, %get3A_524] {strides = array<i32>} : memref<3x128x128xf32, #tpu.memory_space<vmem>>, vector<1x1x16xf32>,
      %get3A_526 = vector.shape_cast %get3A_525 : vector<1x1x16xf32> to vector<16xf32>
      %add3A_527 = arith.addf %get3A_514, %get3A_520 : vector<16xf32>
      %add3A_528 = arith.addf %add3A_527, %get3A_526 : vector<16xf32>
      %mul3A_529 = arith.constant 0.333333343 : f32
      %mul3A_530 = vector.broadcast %mul3A_529 : f32 to vector<16xf32>
      %mul3A_531 = arith.mulf %add3A_528, %mul3A_530 : vector<16xf32>
      %sub3A_532 = arith.subf %get3A_514, %mul3A_531 : vector<16xf32>
      %sub3A_533 = arith.subf %get3A_520, %mul3A_531 : vector<16xf32>
      %sub3A_534 = arith.subf %get3A_526, %mul3A_531 : vector<16xf32>
      %mul3A_535 = arith.mulf %sub3A_532, %sub3A_532 : vector<16xf32>
      %mul3A_536 = arith.mulf %sub3A_533, %sub3A_533 : vector<16xf32>
      %add3A_537 = arith.addf %mul3A_535, %mul3A_536 : vector<16xf32>
      %mul3A_538 = arith.mulf %sub3A_534, %sub3A_534 : vector<16xf32>
      %add3A_539 = arith.addf %add3A_537, %mul3A_538 : vector<16xf32>
      %mul3A_540 = arith.constant 5.000000e-01 : f32
      %mul3A_541 = vector.broadcast %mul3A_540 : f32 to vector<16xf32>
      %mul3A_542 = arith.mulf %add3A_539, %mul3A_541 : vector<16xf32>
      %swap3A_543 = arith.index_cast %scan3A_459 : i32 to index
      %swap3A_544 = arith.constant 16 : index
      %swap3A_545 = tpu.vector_load %arg8[%swap3A_543, %swap3A_544] {strides = array<i32>} : memref<128x64xf32, #tpu.memory_space<vmem>>, vector<1x16xf32>,
      %swap3A_546 = vector.shape_cast %swap3A_545 : vector<1x16xf32> to vector<16xf32>
      %swap3A_547 = vector.shape_cast %mul3A_542 : vector<16xf32> to vector<1x16xf32>
      tpu.vector_store %arg8[%swap3A_543, %swap3A_544], %swap3A_547 {strides = array<i32>} : memref<128x64xf32, #tpu.memory_space<vmem>>, vector<1x16xf32>,
      %get3A_548 = arith.constant 0 : i32
      %get3A_549 = arith.index_cast %get3A_548 : i32 to index
      %get3A_550 = arith.index_cast %scan3A_459 : i32 to index
      %get3A_551 = arith.constant 32 : index
      %get3A_552 = tpu.vector_load %arg6[%get3A_549, %get3A_550, %get3A_551] {strides = array<i32>} : memref<3x128x128xf32, #tpu.memory_space<vmem>>, vector<1x1x16xf32>,
      %get3A_553 = vector.shape_cast %get3A_552 : vector<1x1x16xf32> to vector<16xf32>
      %get3A_554 = arith.constant 1 : i32
      %get3A_555 = arith.index_cast %get3A_554 : i32 to index
      %get3A_556 = arith.index_cast %scan3A_459 : i32 to index
      %get3A_557 = arith.constant 32 : index
      %get3A_558 = tpu.vector_load %arg6[%get3A_555, %get3A_556, %get3A_557] {strides = array<i32>} : memref<3x128x128xf32, #tpu.memory_space<vmem>>, vector<1x1x16xf32>,
      %get3A_559 = vector.shape_cast %get3A_558 : vector<1x1x16xf32> to vector<16xf32>
      %get3A_560 = arith.constant 2 : i32
      %get3A_561 = arith.index_cast %get3A_560 : i32 to index
      %get3A_562 = arith.index_cast %scan3A_459 : i32 to index
      %get3A_563 = arith.constant 32 : index
      %get3A_564 = tpu.vector_load %arg6[%get3A_561, %get3A_562, %get3A_563] {strides = array<i32>} : memref<3x128x128xf32, #tpu.memory_space<vmem>>, vector<1x1x16xf32>,
      %get3A_565 = vector.shape_cast %get3A_564 : vector<1x1x16xf32> to vector<16xf32>
      %add3A_566 = arith.addf %get3A_553, %get3A_559 : vector<16xf32>
      %add3A_567 = arith.addf %add3A_566, %get3A_565 : vector<16xf32>
      %mul3A_568 = arith.constant 0.333333343 : f32
      %mul3A_569 = vector.broadcast %mul3A_568 : f32 to vector<16xf32>
      %mul3A_570 = arith.mulf %add3A_567, %mul3A_569 : vector<16xf32>
      %sub3A_571 = arith.subf %get3A_553, %mul3A_570 : vector<16xf32>
      %sub3A_572 = arith.subf %get3A_559, %mul3A_570 : vector<16xf32>
      %sub3A_573 = arith.subf %get3A_565, %mul3A_570 : vector<16xf32>
      %mul3A_574 = arith.mulf %sub3A_571, %sub3A_571 : vector<16xf32>
      %mul3A_575 = arith.mulf %sub3A_572, %sub3A_572 : vector<16xf32>
      %add3A_576 = arith.addf %mul3A_574, %mul3A_575 : vector<16xf32>
      %mul3A_577 = arith.mulf %sub3A_573, %sub3A_573 : vector<16xf32>
      %add3A_578 = arith.addf %add3A_576, %mul3A_577 : vector<16xf32>
      %mul3A_579 = arith.constant 5.000000e-01 : f32
      %mul3A_580 = vector.broadcast %mul3A_579 : f32 to vector<16xf32>
      %mul3A_581 = arith.mulf %add3A_578, %mul3A_580 : vector<16xf32>
      %swap3A_582 = arith.index_cast %scan3A_459 : i32 to index
      %swap3A_583 = arith.constant 32 : index
      %swap3A_584 = tpu.vector_load %arg8[%swap3A_582, %swap3A_583] {strides = array<i32>} : memref<128x64xf32, #tpu.memory_space<vmem>>, vector<1x16xf32>,
      %swap3A_585 = vector.shape_cast %swap3A_584 : vector<1x16xf32> to vector<16xf32>
      %swap3A_586 = vector.shape_cast %mul3A_581 : vector<16xf32> to vector<1x16xf32>
      tpu.vector_store %arg8[%swap3A_582, %swap3A_583], %swap3A_586 {strides = array<i32>} : memref<128x64xf32, #tpu.memory_space<vmem>>, vector<1x16xf32>,
      %get3A_587 = arith.constant 0 : i32
      %get3A_588 = arith.index_cast %get3A_587 : i32 to index
      %get3A_589 = arith.index_cast %scan3A_459 : i32 to index
      %get3A_590 = arith.constant 48 : index
      %get3A_591 = tpu.vector_load %arg6[%get3A_588, %get3A_589, %get3A_590] {strides = array<i32>} : memref<3x128x128xf32, #tpu.memory_space<vmem>>, vector<1x1x16xf32>,
      %get3A_592 = vector.shape_cast %get3A_591 : vector<1x1x16xf32> to vector<16xf32>
      %get3A_593 = arith.constant 1 : i32
      %get3A_594 = arith.index_cast %get3A_593 : i32 to index
      %get3A_595 = arith.index_cast %scan3A_459 : i32 to index
      %get3A_596 = arith.constant 48 : index
      %get3A_597 = tpu.vector_load %arg6[%get3A_594, %get3A_595, %get3A_596] {strides = array<i32>} : memref<3x128x128xf32, #tpu.memory_space<vmem>>, vector<1x1x16xf32>,
      %get3A_598 = vector.shape_cast %get3A_597 : vector<1x1x16xf32> to vector<16xf32>
      %get3A_599 = arith.constant 2 : i32
      %get3A_600 = arith.index_cast %get3A_599 : i32 to index
      %get3A_601 = arith.index_cast %scan3A_459 : i32 to index
      %get3A_602 = arith.constant 48 : index
      %get3A_603 = tpu.vector_load %arg6[%get3A_600, %get3A_601, %get3A_602] {strides = array<i32>} : memref<3x128x128xf32, #tpu.memory_space<vmem>>, vector<1x1x16xf32>,
      %get3A_604 = vector.shape_cast %get3A_603 : vector<1x1x16xf32> to vector<16xf32>
      %add3A_605 = arith.addf %get3A_592, %get3A_598 : vector<16xf32>
      %add3A_606 = arith.addf %add3A_605, %get3A_604 : vector<16xf32>
      %mul3A_607 = arith.constant 0.333333343 : f32
      %mul3A_608 = vector.broadcast %mul3A_607 : f32 to vector<16xf32>
      %mul3A_609 = arith.mulf %add3A_606, %mul3A_608 : vector<16xf32>
      %sub3A_610 = arith.subf %get3A_592, %mul3A_609 : vector<16xf32>
      %sub3A_611 = arith.subf %get3A_598, %mul3A_609 : vector<16xf32>
      %sub3A_612 = arith.subf %get3A_604, %mul3A_609 : vector<16xf32>
      %mul3A_613 = arith.mulf %sub3A_610, %sub3A_610 : vector<16xf32>
      %mul3A_614 = arith.mulf %sub3A_611, %sub3A_611 : vector<16xf32>
      %add3A_615 = arith.addf %mul3A_613, %mul3A_614 : vector<16xf32>
      %mul3A_616 = arith.mulf %sub3A_612, %sub3A_612 : vector<16xf32>
      %add3A_617 = arith.addf %add3A_615, %mul3A_616 : vector<16xf32>
      %mul3A_618 = arith.constant 5.000000e-01 : f32
      %mul3A_619 = vector.broadcast %mul3A_618 : f32 to vector<16xf32>
      %mul3A_620 = arith.mulf %add3A_617, %mul3A_619 : vector<16xf32>
      %swap3A_621 = arith.index_cast %scan3A_459 : i32 to index
      %swap3A_622 = arith.constant 48 : index
      %swap3A_623 = tpu.vector_load %arg8[%swap3A_621, %swap3A_622] {strides = array<i32>} : memref<128x64xf32, #tpu.memory_space<vmem>>, vector<1x16xf32>,
      %swap3A_624 = vector.shape_cast %swap3A_623 : vector<1x16xf32> to vector<16xf32>
      %swap3A_625 = vector.shape_cast %mul3A_620 : vector<16xf32> to vector<1x16xf32>
      tpu.vector_store %arg8[%swap3A_621, %swap3A_622], %swap3A_625 {strides = array<i32>} : memref<128x64xf32, #tpu.memory_space<vmem>>, vector<1x16xf32>,
      %scan3A_626 = arith.constant 0 : i32
      scf.yield %scan3A_626 : i32
    }
    %scan3A_90 = arith.constant 128 : i32
    "tpu.region"() ({
      %run_scoped3A_459 = tpu.sem_alloc : memref<!tpu.dma_semaphore, #tpu.memory_space<semaphore_mem>>
      %dma_start3A_460 = arith.constant 0 : i32
      %dma_start3A_461 = tpu.memref_slice %arg4[%add3A_6, %dma_start3A_460] : memref<20480x64xf32, #tpu.memory_space<hbm>> -> memref<128x64xf32, #tpu.memory_space<hbm>>
      %dma_start3A_462 = arith.constant 0 : i32
      %dma_start3A_463 = tpu.memref_slice %arg4[%add3A_6, %dma_start3A_462] : memref<20480x64xf32, #tpu.memory_space<hbm>> -> memref<128x64xf32, #tpu.memory_space<hbm>>
      tpu.enqueue_dma source(%arg8 : memref<128x64xf32, #tpu.memory_space<vmem>>) target(%dma_start3A_463 : memref<128x64xf32, #tpu.memory_space<hbm>>) target_semaphore(%run_scoped3A_459 : memref<!tpu.dma_semaphore, #tpu.memory_space<semaphore_mem>>)
      %dma_wait3A_464 = arith.constant 0 : i32
      %dma_wait3A_465 = tpu.memref_slice %arg4[%add3A_6, %dma_wait3A_464] : memref<20480x64xf32, #tpu.memory_space<hbm>> -> memref<128x64xf32, #tpu.memory_space<hbm>>
      %dma_wait3A_466 = arith.constant 0 : i32
      %dma_wait3A_467 = tpu.memref_slice %arg4[%add3A_6, %dma_wait3A_466] : memref<20480x64xf32, #tpu.memory_space<hbm>> -> memref<128x64xf32, #tpu.memory_space<hbm>>
      tpu.wait_dma2 semaphore(%run_scoped3A_459 : memref<!tpu.dma_semaphore, #tpu.memory_space<semaphore_mem>>) src(%arg8 : memref<128x64xf32, #tpu.memory_space<vmem>>) dst(%dma_wait3A_467 : memref<128x64xf32, #tpu.memory_space<hbm>>)
      tpu.yield
    }) : () -> ()
    %mul3A_91 = arith.constant 640 : i32
    %mul3A_92 = arith.muli %add3A, %mul3A_91 : i32
    %add3A_93 = arith.constant 128 : i32
    %add3A_94 = arith.addi %mul3A_92, %add3A_93 : i32
    %add3A_95 = arith.constant 0 : i32
    %add3A_96 = arith.addi %add3A_95, %add3A_94 : i32
    %run_scoped3A_97 = arith.constant 0 : i32
    "tpu.region"() ({
      %run_scoped3A_459 = tpu.sem_alloc : memref<!tpu.dma_semaphore, #tpu.memory_space<semaphore_mem>>
      %dma_start3A_460 = arith.constant 0 : i32
      %dma_start3A_461 = tpu.memref_slice %arg5[%run_scoped3A_97, %dma_start3A_460] : memref<3x128xi32, #tpu.memory_space<vmem>> -> memref<1x128xi32, #tpu.memory_space<vmem>>
      %dma_start3A_462 = tpu.memref_squeeze %dma_start3A_461 : memref<1x128xi32, #tpu.memory_space<vmem>> -> memref<128xi32, #tpu.memory_space<vmem>>
      %dma_start3A_463 = tpu.memref_slice %arg3[%add3A_96] : memref<61440xi32, #tpu.memory_space<hbm>> -> memref<128xi32, #tpu.memory_space<hbm>>
      %dma_start3A_464 = arith.constant 0 : i32
      %dma_start3A_465 = tpu.memref_slice %arg5[%run_scoped3A_97, %dma_start3A_464] : memref<3x128xi32, #tpu.memory_space<vmem>> -> memref<1x128xi32, #tpu.memory_space<vmem>>
      %dma_start3A_466 = tpu.memref_squeeze %dma_start3A_465 : memref<1x128xi32, #tpu.memory_space<vmem>> -> memref<128xi32, #tpu.memory_space<vmem>>
      %dma_start3A_467 = tpu.memref_slice %arg3[%add3A_96] : memref<61440xi32, #tpu.memory_space<hbm>> -> memref<128xi32, #tpu.memory_space<hbm>>
      tpu.enqueue_dma source(%dma_start3A_467 : memref<128xi32, #tpu.memory_space<hbm>>) target(%dma_start3A_466 : memref<128xi32, #tpu.memory_space<vmem>>) target_semaphore(%run_scoped3A_459 : memref<!tpu.dma_semaphore, #tpu.memory_space<semaphore_mem>>)
      %dma_wait3A_468 = arith.constant 0 : i32
      %dma_wait3A_469 = tpu.memref_slice %arg5[%run_scoped3A_97, %dma_wait3A_468] : memref<3x128xi32, #tpu.memory_space<vmem>> -> memref<1x128xi32, #tpu.memory_space<vmem>>
      %dma_wait3A_470 = tpu.memref_squeeze %dma_wait3A_469 : memref<1x128xi32, #tpu.memory_space<vmem>> -> memref<128xi32, #tpu.memory_space<vmem>>
      %dma_wait3A_471 = tpu.memref_slice %arg3[%add3A_96] : memref<61440xi32, #tpu.memory_space<hbm>> -> memref<128xi32, #tpu.memory_space<hbm>>
      %dma_wait3A_472 = arith.constant 0 : i32
      %dma_wait3A_473 = tpu.memref_slice %arg5[%run_scoped3A_97, %dma_wait3A_472] : memref<3x128xi32, #tpu.memory_space<vmem>> -> memref<1x128xi32, #tpu.memory_space<vmem>>
      %dma_wait3A_474 = tpu.memref_squeeze %dma_wait3A_473 : memref<1x128xi32, #tpu.memory_space<vmem>> -> memref<128xi32, #tpu.memory_space<vmem>>
      %dma_wait3A_475 = tpu.memref_slice %arg3[%add3A_96] : memref<61440xi32, #tpu.memory_space<hbm>> -> memref<128xi32, #tpu.memory_space<hbm>>
      tpu.wait_dma2 semaphore(%run_scoped3A_459 : memref<!tpu.dma_semaphore, #tpu.memory_space<semaphore_mem>>) src(%dma_wait3A_475 : memref<128xi32, #tpu.memory_space<hbm>>) dst(%dma_wait3A_474 : memref<128xi32, #tpu.memory_space<vmem>>)
      tpu.yield
    }) : () -> ()
    %add3A_98 = arith.constant 20480 : i32
    %add3A_99 = arith.addi %add3A_98, %add3A_94 : i32
    %run_scoped3A_100 = arith.constant 1 : i32
    "tpu.region"() ({
      %run_scoped3A_459 = tpu.sem_alloc : memref<!tpu.dma_semaphore, #tpu.memory_space<semaphore_mem>>
      %dma_start3A_460 = arith.constant 0 : i32
      %dma_start3A_461 = tpu.memref_slice %arg5[%run_scoped3A_100, %dma_start3A_460] : memref<3x128xi32, #tpu.memory_space<vmem>> -> memref<1x128xi32, #tpu.memory_space<vmem>>
      %dma_start3A_462 = tpu.memref_squeeze %dma_start3A_461 : memref<1x128xi32, #tpu.memory_space<vmem>> -> memref<128xi32, #tpu.memory_space<vmem>>
      %dma_start3A_463 = tpu.memref_slice %arg3[%add3A_99] : memref<61440xi32, #tpu.memory_space<hbm>> -> memref<128xi32, #tpu.memory_space<hbm>>
      %dma_start3A_464 = arith.constant 0 : i32
      %dma_start3A_465 = tpu.memref_slice %arg5[%run_scoped3A_100, %dma_start3A_464] : memref<3x128xi32, #tpu.memory_space<vmem>> -> memref<1x128xi32, #tpu.memory_space<vmem>>
      %dma_start3A_466 = tpu.memref_squeeze %dma_start3A_465 : memref<1x128xi32, #tpu.memory_space<vmem>> -> memref<128xi32, #tpu.memory_space<vmem>>
      %dma_start3A_467 = tpu.memref_slice %arg3[%add3A_99] : memref<61440xi32, #tpu.memory_space<hbm>> -> memref<128xi32, #tpu.memory_space<hbm>>
      tpu.enqueue_dma source(%dma_start3A_467 : memref<128xi32, #tpu.memory_space<hbm>>) target(%dma_start3A_466 : memref<128xi32, #tpu.memory_space<vmem>>) target_semaphore(%run_scoped3A_459 : memref<!tpu.dma_semaphore, #tpu.memory_space<semaphore_mem>>)
      %dma_wait3A_468 = arith.constant 0 : i32
      %dma_wait3A_469 = tpu.memref_slice %arg5[%run_scoped3A_100, %dma_wait3A_468] : memref<3x128xi32, #tpu.memory_space<vmem>> -> memref<1x128xi32, #tpu.memory_space<vmem>>
      %dma_wait3A_470 = tpu.memref_squeeze %dma_wait3A_469 : memref<1x128xi32, #tpu.memory_space<vmem>> -> memref<128xi32, #tpu.memory_space<vmem>>
      %dma_wait3A_471 = tpu.memref_slice %arg3[%add3A_99] : memref<61440xi32, #tpu.memory_space<hbm>> -> memref<128xi32, #tpu.memory_space<hbm>>
      %dma_wait3A_472 = arith.constant 0 : i32
      %dma_wait3A_473 = tpu.memref_slice %arg5[%run_scoped3A_100, %dma_wait3A_472] : memref<3x128xi32, #tpu.memory_space<vmem>> -> memref<1x128xi32, #tpu.memory_space<vmem>>
      %dma_wait3A_474 = tpu.memref_squeeze %dma_wait3A_473 : memref<1x128xi32, #tpu.memory_space<vmem>> -> memref<128xi32, #tpu.memory_space<vmem>>
      %dma_wait3A_475 = tpu.memref_slice %arg3[%add3A_99] : memref<61440xi32, #tpu.memory_space<hbm>> -> memref<128xi32, #tpu.memory_space<hbm>>
      tpu.wait_dma2 semaphore(%run_scoped3A_459 : memref<!tpu.dma_semaphore, #tpu.memory_space<semaphore_mem>>) src(%dma_wait3A_475 : memref<128xi32, #tpu.memory_space<hbm>>) dst(%dma_wait3A_474 : memref<128xi32, #tpu.memory_space<vmem>>)
      tpu.yield
    }) : () -> ()
    %add3A_101 = arith.constant 40960 : i32
    %add3A_102 = arith.addi %add3A_101, %add3A_94 : i32
    %run_scoped3A_103 = arith.constant 2 : i32
    "tpu.region"() ({
      %run_scoped3A_459 = tpu.sem_alloc : memref<!tpu.dma_semaphore, #tpu.memory_space<semaphore_mem>>
      %dma_start3A_460 = arith.constant 0 : i32
      %dma_start3A_461 = tpu.memref_slice %arg5[%run_scoped3A_103, %dma_start3A_460] : memref<3x128xi32, #tpu.memory_space<vmem>> -> memref<1x128xi32, #tpu.memory_space<vmem>>
      %dma_start3A_462 = tpu.memref_squeeze %dma_start3A_461 : memref<1x128xi32, #tpu.memory_space<vmem>> -> memref<128xi32, #tpu.memory_space<vmem>>
      %dma_start3A_463 = tpu.memref_slice %arg3[%add3A_102] : memref<61440xi32, #tpu.memory_space<hbm>> -> memref<128xi32, #tpu.memory_space<hbm>>
      %dma_start3A_464 = arith.constant 0 : i32
      %dma_start3A_465 = tpu.memref_slice %arg5[%run_scoped3A_103, %dma_start3A_464] : memref<3x128xi32, #tpu.memory_space<vmem>> -> memref<1x128xi32, #tpu.memory_space<vmem>>
      %dma_start3A_466 = tpu.memref_squeeze %dma_start3A_465 : memref<1x128xi32, #tpu.memory_space<vmem>> -> memref<128xi32, #tpu.memory_space<vmem>>
      %dma_start3A_467 = tpu.memref_slice %arg3[%add3A_102] : memref<61440xi32, #tpu.memory_space<hbm>> -> memref<128xi32, #tpu.memory_space<hbm>>
      tpu.enqueue_dma source(%dma_start3A_467 : memref<128xi32, #tpu.memory_space<hbm>>) target(%dma_start3A_466 : memref<128xi32, #tpu.memory_space<vmem>>) target_semaphore(%run_scoped3A_459 : memref<!tpu.dma_semaphore, #tpu.memory_space<semaphore_mem>>)
      %dma_wait3A_468 = arith.constant 0 : i32
      %dma_wait3A_469 = tpu.memref_slice %arg5[%run_scoped3A_103, %dma_wait3A_468] : memref<3x128xi32, #tpu.memory_space<vmem>> -> memref<1x128xi32, #tpu.memory_space<vmem>>
      %dma_wait3A_470 = tpu.memref_squeeze %dma_wait3A_469 : memref<1x128xi32, #tpu.memory_space<vmem>> -> memref<128xi32, #tpu.memory_space<vmem>>
      %dma_wait3A_471 = tpu.memref_slice %arg3[%add3A_102] : memref<61440xi32, #tpu.memory_space<hbm>> -> memref<128xi32, #tpu.memory_space<hbm>>
      %dma_wait3A_472 = arith.constant 0 : i32
      %dma_wait3A_473 = tpu.memref_slice %arg5[%run_scoped3A_103, %dma_wait3A_472] : memref<3x128xi32, #tpu.memory_space<vmem>> -> memref<1x128xi32, #tpu.memory_space<vmem>>
      %dma_wait3A_474 = tpu.memref_squeeze %dma_wait3A_473 : memref<1x128xi32, #tpu.memory_space<vmem>> -> memref<128xi32, #tpu.memory_space<vmem>>
      %dma_wait3A_475 = tpu.memref_slice %arg3[%add3A_102] : memref<61440xi32, #tpu.memory_space<hbm>> -> memref<128xi32, #tpu.memory_space<hbm>>
      tpu.wait_dma2 semaphore(%run_scoped3A_459 : memref<!tpu.dma_semaphore, #tpu.memory_space<semaphore_mem>>) src(%dma_wait3A_475 : memref<128xi32, #tpu.memory_space<hbm>>) dst(%dma_wait3A_474 : memref<128xi32, #tpu.memory_space<vmem>>)
      tpu.yield
    }) : () -> ()
    %dma_start3A_104 = arith.constant 0 : i32
    %dma_start3A_105 = arith.constant 0 : i32
    %dma_start3A_106 = arith.constant 0 : i32
    %dma_start3A_107 = arith.constant 0 : i32
    %dma_start3A_108 = tpu.memref_slice %arg6[%dma_start3A_105, %dma_start3A_106, %dma_start3A_107] : memref<3x128x128xf32, #tpu.memory_space<vmem>> -> memref<1x128x128xf32, #tpu.memory_space<vmem>>
    %dma_start3A_109 = tpu.memref_squeeze %dma_start3A_108 : memref<1x128x128xf32, #tpu.memory_space<vmem>> -> memref<128x128xf32, #tpu.memory_space<vmem>>
    %dma_start3A_110 = arith.constant 0 : i32
    %dma_start3A_111 = tpu.memref_slice %arg5[%dma_start3A_104, %dma_start3A_110] : memref<3x128xi32, #tpu.memory_space<vmem>> -> memref<1x128xi32, #tpu.memory_space<vmem>>
    %dma_start3A_112 = tpu.memref_squeeze %dma_start3A_111 : memref<1x128xi32, #tpu.memory_space<vmem>> -> memref<128xi32, #tpu.memory_space<vmem>>
    %dma_start3A_113 = arith.constant 0 : i32
    %dma_start3A_114 = arith.constant 0 : i32
    %dma_start3A_115 = tpu.memref_slice %arg2[%dma_start3A_113, %dma_start3A_114] : memref<20480x128xf32, #tpu.memory_space<hbm>> -> memref<20480x128xf32, #tpu.memory_space<hbm>>
    tpu.enqueue_indirect_dma source(%dma_start3A_115 : memref<20480x128xf32, #tpu.memory_space<hbm>>) target(%dma_start3A_109 : memref<128x128xf32, #tpu.memory_space<vmem>>) offsets(%dma_start3A_112 : memref<128xi32, #tpu.memory_space<vmem>>) semaphore(%arg9 : memref<!tpu.dma_semaphore, #tpu.memory_space<semaphore_mem>>)
    %dma_start3A_116 = arith.constant 1 : i32
    %dma_start3A_117 = arith.constant 1 : i32
    %dma_start3A_118 = arith.constant 0 : i32
    %dma_start3A_119 = arith.constant 0 : i32
    %dma_start3A_120 = tpu.memref_slice %arg6[%dma_start3A_117, %dma_start3A_118, %dma_start3A_119] : memref<3x128x128xf32, #tpu.memory_space<vmem>> -> memref<1x128x128xf32, #tpu.memory_space<vmem>>
    %dma_start3A_121 = tpu.memref_squeeze %dma_start3A_120 : memref<1x128x128xf32, #tpu.memory_space<vmem>> -> memref<128x128xf32, #tpu.memory_space<vmem>>
    %dma_start3A_122 = arith.constant 0 : i32
    %dma_start3A_123 = tpu.memref_slice %arg5[%dma_start3A_116, %dma_start3A_122] : memref<3x128xi32, #tpu.memory_space<vmem>> -> memref<1x128xi32, #tpu.memory_space<vmem>>
    %dma_start3A_124 = tpu.memref_squeeze %dma_start3A_123 : memref<1x128xi32, #tpu.memory_space<vmem>> -> memref<128xi32, #tpu.memory_space<vmem>>
    %dma_start3A_125 = arith.constant 0 : i32
    %dma_start3A_126 = arith.constant 0 : i32
    %dma_start3A_127 = tpu.memref_slice %arg2[%dma_start3A_125, %dma_start3A_126] : memref<20480x128xf32, #tpu.memory_space<hbm>> -> memref<20480x128xf32, #tpu.memory_space<hbm>>
    tpu.enqueue_indirect_dma source(%dma_start3A_127 : memref<20480x128xf32, #tpu.memory_space<hbm>>) target(%dma_start3A_121 : memref<128x128xf32, #tpu.memory_space<vmem>>) offsets(%dma_start3A_124 : memref<128xi32, #tpu.memory_space<vmem>>) semaphore(%arg9 : memref<!tpu.dma_semaphore, #tpu.memory_space<semaphore_mem>>)
    %dma_start3A_128 = arith.constant 2 : i32
    %dma_start3A_129 = arith.constant 2 : i32
    %dma_start3A_130 = arith.constant 0 : i32
    %dma_start3A_131 = arith.constant 0 : i32
    %dma_start3A_132 = tpu.memref_slice %arg6[%dma_start3A_129, %dma_start3A_130, %dma_start3A_131] : memref<3x128x128xf32, #tpu.memory_space<vmem>> -> memref<1x128x128xf32, #tpu.memory_space<vmem>>
    %dma_start3A_133 = tpu.memref_squeeze %dma_start3A_132 : memref<1x128x128xf32, #tpu.memory_space<vmem>> -> memref<128x128xf32, #tpu.memory_space<vmem>>
    %dma_start3A_134 = arith.constant 0 : i32
    %dma_start3A_135 = tpu.memref_slice %arg5[%dma_start3A_128, %dma_start3A_134] : memref<3x128xi32, #tpu.memory_space<vmem>> -> memref<1x128xi32, #tpu.memory_space<vmem>>
    %dma_start3A_136 = tpu.memref_squeeze %dma_start3A_135 : memref<1x128xi32, #tpu.memory_space<vmem>> -> memref<128xi32, #tpu.memory_space<vmem>>
    %dma_start3A_137 = arith.constant 0 : i32
    %dma_start3A_138 = arith.constant 0 : i32
    %dma_start3A_139 = tpu.memref_slice %arg2[%dma_start3A_137, %dma_start3A_138] : memref<20480x128xf32, #tpu.memory_space<hbm>> -> memref<20480x128xf32, #tpu.memory_space<hbm>>
    tpu.enqueue_indirect_dma source(%dma_start3A_139 : memref<20480x128xf32, #tpu.memory_space<hbm>>) target(%dma_start3A_133 : memref<128x128xf32, #tpu.memory_space<vmem>>) offsets(%dma_start3A_136 : memref<128xi32, #tpu.memory_space<vmem>>) semaphore(%arg9 : memref<!tpu.dma_semaphore, #tpu.memory_space<semaphore_mem>>)
    "tpu.region"() ({
      %run_scoped3A_459 = tpu.sem_alloc : memref<!tpu.dma_semaphore, #tpu.memory_space<semaphore_mem>>
      %dma_start3A_460 = arith.constant 0 : i32
      %dma_start3A_461 = tpu.memref_slice %arg2[%add3A_94, %dma_start3A_460] : memref<20480x128xf32, #tpu.memory_space<hbm>> -> memref<128x128xf32, #tpu.memory_space<hbm>>
      %dma_start3A_462 = arith.constant 0 : i32
      %dma_start3A_463 = tpu.memref_slice %arg2[%add3A_94, %dma_start3A_462] : memref<20480x128xf32, #tpu.memory_space<hbm>> -> memref<128x128xf32, #tpu.memory_space<hbm>>
      tpu.enqueue_dma source(%dma_start3A_463 : memref<128x128xf32, #tpu.memory_space<hbm>>) target(%arg7 : memref<128x128xf32, #tpu.memory_space<vmem>>) target_semaphore(%run_scoped3A_459 : memref<!tpu.dma_semaphore, #tpu.memory_space<semaphore_mem>>)
      %dma_wait3A_464 = arith.constant 0 : i32
      %dma_wait3A_465 = tpu.memref_slice %arg2[%add3A_94, %dma_wait3A_464] : memref<20480x128xf32, #tpu.memory_space<hbm>> -> memref<128x128xf32, #tpu.memory_space<hbm>>
      %dma_wait3A_466 = arith.constant 0 : i32
      %dma_wait3A_467 = tpu.memref_slice %arg2[%add3A_94, %dma_wait3A_466] : memref<20480x128xf32, #tpu.memory_space<hbm>> -> memref<128x128xf32, #tpu.memory_space<hbm>>
      tpu.wait_dma2 semaphore(%run_scoped3A_459 : memref<!tpu.dma_semaphore, #tpu.memory_space<semaphore_mem>>) src(%dma_wait3A_467 : memref<128x128xf32, #tpu.memory_space<hbm>>) dst(%arg7 : memref<128x128xf32, #tpu.memory_space<vmem>>)
      tpu.yield
    }) : () -> ()
    %dma_wait3A_140 = arith.constant 0 : i32
    %dma_wait3A_141 = arith.constant 0 : i32
    %dma_wait3A_142 = arith.constant 0 : i32
    %dma_wait3A_143 = arith.constant 0 : i32
    %dma_wait3A_144 = tpu.memref_slice %arg6[%dma_wait3A_141, %dma_wait3A_142, %dma_wait3A_143] : memref<3x128x128xf32, #tpu.memory_space<vmem>> -> memref<1x128x128xf32, #tpu.memory_space<vmem>>
    %dma_wait3A_145 = tpu.memref_squeeze %dma_wait3A_144 : memref<1x128x128xf32, #tpu.memory_space<vmem>> -> memref<128x128xf32, #tpu.memory_space<vmem>>
    %dma_wait3A_146 = arith.constant 0 : i32
    %dma_wait3A_147 = tpu.memref_slice %arg5[%dma_wait3A_140, %dma_wait3A_146] : memref<3x128xi32, #tpu.memory_space<vmem>> -> memref<1x128xi32, #tpu.memory_space<vmem>>
    %dma_wait3A_148 = tpu.memref_squeeze %dma_wait3A_147 : memref<1x128xi32, #tpu.memory_space<vmem>> -> memref<128xi32, #tpu.memory_space<vmem>>
    %dma_wait3A_149 = arith.constant 0 : i32
    %dma_wait3A_150 = arith.constant 0 : i32
    %dma_wait3A_151 = tpu.memref_slice %arg2[%dma_wait3A_149, %dma_wait3A_150] : memref<20480x128xf32, #tpu.memory_space<hbm>> -> memref<20480x128xf32, #tpu.memory_space<hbm>>
    tpu.wait_indirect_dma semaphore(%arg9 : memref<!tpu.dma_semaphore, #tpu.memory_space<semaphore_mem>>) src(%dma_wait3A_151 : memref<20480x128xf32, #tpu.memory_space<hbm>>) dst(%dma_wait3A_145 : memref<128x128xf32, #tpu.memory_space<vmem>>)
    %dma_wait3A_152 = arith.constant 1 : i32
    %dma_wait3A_153 = arith.constant 1 : i32
    %dma_wait3A_154 = arith.constant 0 : i32
    %dma_wait3A_155 = arith.constant 0 : i32
    %dma_wait3A_156 = tpu.memref_slice %arg6[%dma_wait3A_153, %dma_wait3A_154, %dma_wait3A_155] : memref<3x128x128xf32, #tpu.memory_space<vmem>> -> memref<1x128x128xf32, #tpu.memory_space<vmem>>
    %dma_wait3A_157 = tpu.memref_squeeze %dma_wait3A_156 : memref<1x128x128xf32, #tpu.memory_space<vmem>> -> memref<128x128xf32, #tpu.memory_space<vmem>>
    %dma_wait3A_158 = arith.constant 0 : i32
    %dma_wait3A_159 = tpu.memref_slice %arg5[%dma_wait3A_152, %dma_wait3A_158] : memref<3x128xi32, #tpu.memory_space<vmem>> -> memref<1x128xi32, #tpu.memory_space<vmem>>
    %dma_wait3A_160 = tpu.memref_squeeze %dma_wait3A_159 : memref<1x128xi32, #tpu.memory_space<vmem>> -> memref<128xi32, #tpu.memory_space<vmem>>
    %dma_wait3A_161 = arith.constant 0 : i32
    %dma_wait3A_162 = arith.constant 0 : i32
    %dma_wait3A_163 = tpu.memref_slice %arg2[%dma_wait3A_161, %dma_wait3A_162] : memref<20480x128xf32, #tpu.memory_space<hbm>> -> memref<20480x128xf32, #tpu.memory_space<hbm>>
    tpu.wait_indirect_dma semaphore(%arg9 : memref<!tpu.dma_semaphore, #tpu.memory_space<semaphore_mem>>) src(%dma_wait3A_163 : memref<20480x128xf32, #tpu.memory_space<hbm>>) dst(%dma_wait3A_157 : memref<128x128xf32, #tpu.memory_space<vmem>>)
    %dma_wait3A_164 = arith.constant 2 : i32
    %dma_wait3A_165 = arith.constant 2 : i32
    %dma_wait3A_166 = arith.constant 0 : i32
    %dma_wait3A_167 = arith.constant 0 : i32
    %dma_wait3A_168 = tpu.memref_slice %arg6[%dma_wait3A_165, %dma_wait3A_166, %dma_wait3A_167] : memref<3x128x128xf32, #tpu.memory_space<vmem>> -> memref<1x128x128xf32, #tpu.memory_space<vmem>>
    %dma_wait3A_169 = tpu.memref_squeeze %dma_wait3A_168 : memref<1x128x128xf32, #tpu.memory_space<vmem>> -> memref<128x128xf32, #tpu.memory_space<vmem>>
    %dma_wait3A_170 = arith.constant 0 : i32
    %dma_wait3A_171 = tpu.memref_slice %arg5[%dma_wait3A_164, %dma_wait3A_170] : memref<3x128xi32, #tpu.memory_space<vmem>> -> memref<1x128xi32, #tpu.memory_space<vmem>>
    %dma_wait3A_172 = tpu.memref_squeeze %dma_wait3A_171 : memref<1x128xi32, #tpu.memory_space<vmem>> -> memref<128xi32, #tpu.memory_space<vmem>>
    %dma_wait3A_173 = arith.constant 0 : i32
    %dma_wait3A_174 = arith.constant 0 : i32
    %dma_wait3A_175 = tpu.memref_slice %arg2[%dma_wait3A_173, %dma_wait3A_174] : memref<20480x128xf32, #tpu.memory_space<hbm>> -> memref<20480x128xf32, #tpu.memory_space<hbm>>
    tpu.wait_indirect_dma semaphore(%arg9 : memref<!tpu.dma_semaphore, #tpu.memory_space<semaphore_mem>>) src(%dma_wait3A_175 : memref<20480x128xf32, #tpu.memory_space<hbm>>) dst(%dma_wait3A_169 : memref<128x128xf32, #tpu.memory_space<vmem>>)
    %scan3A_176 = arith.constant 0 : i32
    %scan3A_177 = arith.constant 0 : i32
    %scan3A_178 = arith.constant 128 : i32
    %scan3A_179 = arith.addi %scan3A_177, %scan3A_178 : i32
    %scan3A_180 = arith.constant 1 : i32
    %scan3A_181 = scf.for %scan3A_459 = %scan3A_177 to %scan3A_179 step %scan3A_180 iter_args(%scan3A_460 = %scan3A_176) -> (i32)  : i32 {
      %get3A = arith.constant 0 : i32
      %get3A_461 = arith.index_cast %get3A : i32 to index
      %get3A_462 = arith.index_cast %scan3A_459 : i32 to index
      %get3A_463 = arith.constant 0 : index
      %get3A_464 = tpu.vector_load %arg6[%get3A_461, %get3A_462, %get3A_463] {strides = array<i32>} : memref<3x128x128xf32, #tpu.memory_space<vmem>>, vector<1x1x16xf32>,
      %get3A_465 = vector.shape_cast %get3A_464 : vector<1x1x16xf32> to vector<16xf32>
      %get3A_466 = arith.constant 1 : i32
      %get3A_467 = arith.index_cast %get3A_466 : i32 to index
      %get3A_468 = arith.index_cast %scan3A_459 : i32 to index
      %get3A_469 = arith.constant 0 : index
      %get3A_470 = tpu.vector_load %arg6[%get3A_467, %get3A_468, %get3A_469] {strides = array<i32>} : memref<3x128x128xf32, #tpu.memory_space<vmem>>, vector<1x1x16xf32>,
      %get3A_471 = vector.shape_cast %get3A_470 : vector<1x1x16xf32> to vector<16xf32>
      %get3A_472 = arith.constant 2 : i32
      %get3A_473 = arith.index_cast %get3A_472 : i32 to index
      %get3A_474 = arith.index_cast %scan3A_459 : i32 to index
      %get3A_475 = arith.constant 0 : index
      %get3A_476 = tpu.vector_load %arg6[%get3A_473, %get3A_474, %get3A_475] {strides = array<i32>} : memref<3x128x128xf32, #tpu.memory_space<vmem>>, vector<1x1x16xf32>,
      %get3A_477 = vector.shape_cast %get3A_476 : vector<1x1x16xf32> to vector<16xf32>
      %get3A_478 = arith.index_cast %scan3A_459 : i32 to index
      %get3A_479 = arith.constant 0 : index
      %get3A_480 = tpu.vector_load %arg7[%get3A_478, %get3A_479] {strides = array<i32>} : memref<128x128xf32, #tpu.memory_space<vmem>>, vector<1x16xf32>,
      %get3A_481 = vector.shape_cast %get3A_480 : vector<1x16xf32> to vector<16xf32>
      %add3A_482 = arith.addf %get3A_465, %get3A_471 : vector<16xf32>
      %add3A_483 = arith.addf %add3A_482, %get3A_477 : vector<16xf32>
      %mul3A_484 = arith.constant 0.333333343 : f32
      %mul3A_485 = vector.broadcast %mul3A_484 : f32 to vector<16xf32>
      %mul3A_486 = arith.mulf %add3A_483, %mul3A_485 : vector<16xf32>
      %sub3A = arith.subf %get3A_465, %mul3A_486 : vector<16xf32>
      %sub3A_487 = arith.subf %get3A_471, %mul3A_486 : vector<16xf32>
      %sub3A_488 = arith.subf %get3A_477, %mul3A_486 : vector<16xf32>
      %mul3A_489 = arith.mulf %sub3A, %sub3A : vector<16xf32>
      %mul3A_490 = arith.mulf %sub3A_487, %sub3A_487 : vector<16xf32>
      %add3A_491 = arith.addf %mul3A_489, %mul3A_490 : vector<16xf32>
      %mul3A_492 = arith.mulf %sub3A_488, %sub3A_488 : vector<16xf32>
      %add3A_493 = arith.addf %add3A_491, %mul3A_492 : vector<16xf32>
      %mul3A_494 = arith.constant 5.000000e-01 : f32
      %mul3A_495 = vector.broadcast %mul3A_494 : f32 to vector<16xf32>
      %mul3A_496 = arith.mulf %add3A_493, %mul3A_495 : vector<16xf32>
      %sub3A_497 = arith.subf %get3A_481, %get3A_465 : vector<16xf32>
      %sub3A_498 = arith.subf %get3A_481, %get3A_471 : vector<16xf32>
      %sub3A_499 = arith.subf %get3A_481, %get3A_477 : vector<16xf32>
      %mul3A_500 = arith.mulf %sub3A_497, %sub3A_497 : vector<16xf32>
      %mul3A_501 = arith.mulf %sub3A_498, %sub3A_498 : vector<16xf32>
      %add3A_502 = arith.addf %mul3A_500, %mul3A_501 : vector<16xf32>
      %mul3A_503 = arith.mulf %sub3A_499, %sub3A_499 : vector<16xf32>
      %add3A_504 = arith.addf %add3A_502, %mul3A_503 : vector<16xf32>
      %select_n3A = arith.select %lt3A_2, %add3A_504, %mul3A_496 : vector<16xi1>, vector<16xf32>
      %swap3A = arith.index_cast %scan3A_459 : i32 to index
      %swap3A_505 = arith.constant 0 : index
      %swap3A_506 = tpu.vector_load %arg8[%swap3A, %swap3A_505] {strides = array<i32>} : memref<128x64xf32, #tpu.memory_space<vmem>>, vector<1x16xf32>,
      %swap3A_507 = vector.shape_cast %swap3A_506 : vector<1x16xf32> to vector<16xf32>
      %swap3A_508 = vector.shape_cast %select_n3A : vector<16xf32> to vector<1x16xf32>
      tpu.vector_store %arg8[%swap3A, %swap3A_505], %swap3A_508 {strides = array<i32>} : memref<128x64xf32, #tpu.memory_space<vmem>>, vector<1x16xf32>,
      %get3A_509 = arith.constant 0 : i32
      %get3A_510 = arith.index_cast %get3A_509 : i32 to index
      %get3A_511 = arith.index_cast %scan3A_459 : i32 to index
      %get3A_512 = arith.constant 16 : index
      %get3A_513 = tpu.vector_load %arg6[%get3A_510, %get3A_511, %get3A_512] {strides = array<i32>} : memref<3x128x128xf32, #tpu.memory_space<vmem>>, vector<1x1x16xf32>,
      %get3A_514 = vector.shape_cast %get3A_513 : vector<1x1x16xf32> to vector<16xf32>
      %get3A_515 = arith.constant 1 : i32
      %get3A_516 = arith.index_cast %get3A_515 : i32 to index
      %get3A_517 = arith.index_cast %scan3A_459 : i32 to index
      %get3A_518 = arith.constant 16 : index
      %get3A_519 = tpu.vector_load %arg6[%get3A_516, %get3A_517, %get3A_518] {strides = array<i32>} : memref<3x128x128xf32, #tpu.memory_space<vmem>>, vector<1x1x16xf32>,
      %get3A_520 = vector.shape_cast %get3A_519 : vector<1x1x16xf32> to vector<16xf32>
      %get3A_521 = arith.constant 2 : i32
      %get3A_522 = arith.index_cast %get3A_521 : i32 to index
      %get3A_523 = arith.index_cast %scan3A_459 : i32 to index
      %get3A_524 = arith.constant 16 : index
      %get3A_525 = tpu.vector_load %arg6[%get3A_522, %get3A_523, %get3A_524] {strides = array<i32>} : memref<3x128x128xf32, #tpu.memory_space<vmem>>, vector<1x1x16xf32>,
      %get3A_526 = vector.shape_cast %get3A_525 : vector<1x1x16xf32> to vector<16xf32>
      %add3A_527 = arith.addf %get3A_514, %get3A_520 : vector<16xf32>
      %add3A_528 = arith.addf %add3A_527, %get3A_526 : vector<16xf32>
      %mul3A_529 = arith.constant 0.333333343 : f32
      %mul3A_530 = vector.broadcast %mul3A_529 : f32 to vector<16xf32>
      %mul3A_531 = arith.mulf %add3A_528, %mul3A_530 : vector<16xf32>
      %sub3A_532 = arith.subf %get3A_514, %mul3A_531 : vector<16xf32>
      %sub3A_533 = arith.subf %get3A_520, %mul3A_531 : vector<16xf32>
      %sub3A_534 = arith.subf %get3A_526, %mul3A_531 : vector<16xf32>
      %mul3A_535 = arith.mulf %sub3A_532, %sub3A_532 : vector<16xf32>
      %mul3A_536 = arith.mulf %sub3A_533, %sub3A_533 : vector<16xf32>
      %add3A_537 = arith.addf %mul3A_535, %mul3A_536 : vector<16xf32>
      %mul3A_538 = arith.mulf %sub3A_534, %sub3A_534 : vector<16xf32>
      %add3A_539 = arith.addf %add3A_537, %mul3A_538 : vector<16xf32>
      %mul3A_540 = arith.constant 5.000000e-01 : f32
      %mul3A_541 = vector.broadcast %mul3A_540 : f32 to vector<16xf32>
      %mul3A_542 = arith.mulf %add3A_539, %mul3A_541 : vector<16xf32>
      %swap3A_543 = arith.index_cast %scan3A_459 : i32 to index
      %swap3A_544 = arith.constant 16 : index
      %swap3A_545 = tpu.vector_load %arg8[%swap3A_543, %swap3A_544] {strides = array<i32>} : memref<128x64xf32, #tpu.memory_space<vmem>>, vector<1x16xf32>,
      %swap3A_546 = vector.shape_cast %swap3A_545 : vector<1x16xf32> to vector<16xf32>
      %swap3A_547 = vector.shape_cast %mul3A_542 : vector<16xf32> to vector<1x16xf32>
      tpu.vector_store %arg8[%swap3A_543, %swap3A_544], %swap3A_547 {strides = array<i32>} : memref<128x64xf32, #tpu.memory_space<vmem>>, vector<1x16xf32>,
      %get3A_548 = arith.constant 0 : i32
      %get3A_549 = arith.index_cast %get3A_548 : i32 to index
      %get3A_550 = arith.index_cast %scan3A_459 : i32 to index
      %get3A_551 = arith.constant 32 : index
      %get3A_552 = tpu.vector_load %arg6[%get3A_549, %get3A_550, %get3A_551] {strides = array<i32>} : memref<3x128x128xf32, #tpu.memory_space<vmem>>, vector<1x1x16xf32>,
      %get3A_553 = vector.shape_cast %get3A_552 : vector<1x1x16xf32> to vector<16xf32>
      %get3A_554 = arith.constant 1 : i32
      %get3A_555 = arith.index_cast %get3A_554 : i32 to index
      %get3A_556 = arith.index_cast %scan3A_459 : i32 to index
      %get3A_557 = arith.constant 32 : index
      %get3A_558 = tpu.vector_load %arg6[%get3A_555, %get3A_556, %get3A_557] {strides = array<i32>} : memref<3x128x128xf32, #tpu.memory_space<vmem>>, vector<1x1x16xf32>,
      %get3A_559 = vector.shape_cast %get3A_558 : vector<1x1x16xf32> to vector<16xf32>
      %get3A_560 = arith.constant 2 : i32
      %get3A_561 = arith.index_cast %get3A_560 : i32 to index
      %get3A_562 = arith.index_cast %scan3A_459 : i32 to index
      %get3A_563 = arith.constant 32 : index
      %get3A_564 = tpu.vector_load %arg6[%get3A_561, %get3A_562, %get3A_563] {strides = array<i32>} : memref<3x128x128xf32, #tpu.memory_space<vmem>>, vector<1x1x16xf32>,
      %get3A_565 = vector.shape_cast %get3A_564 : vector<1x1x16xf32> to vector<16xf32>
      %add3A_566 = arith.addf %get3A_553, %get3A_559 : vector<16xf32>
      %add3A_567 = arith.addf %add3A_566, %get3A_565 : vector<16xf32>
      %mul3A_568 = arith.constant 0.333333343 : f32
      %mul3A_569 = vector.broadcast %mul3A_568 : f32 to vector<16xf32>
      %mul3A_570 = arith.mulf %add3A_567, %mul3A_569 : vector<16xf32>
      %sub3A_571 = arith.subf %get3A_553, %mul3A_570 : vector<16xf32>
      %sub3A_572 = arith.subf %get3A_559, %mul3A_570 : vector<16xf32>
      %sub3A_573 = arith.subf %get3A_565, %mul3A_570 : vector<16xf32>
      %mul3A_574 = arith.mulf %sub3A_571, %sub3A_571 : vector<16xf32>
      %mul3A_575 = arith.mulf %sub3A_572, %sub3A_572 : vector<16xf32>
      %add3A_576 = arith.addf %mul3A_574, %mul3A_575 : vector<16xf32>
      %mul3A_577 = arith.mulf %sub3A_573, %sub3A_573 : vector<16xf32>
      %add3A_578 = arith.addf %add3A_576, %mul3A_577 : vector<16xf32>
      %mul3A_579 = arith.constant 5.000000e-01 : f32
      %mul3A_580 = vector.broadcast %mul3A_579 : f32 to vector<16xf32>
      %mul3A_581 = arith.mulf %add3A_578, %mul3A_580 : vector<16xf32>
      %swap3A_582 = arith.index_cast %scan3A_459 : i32 to index
      %swap3A_583 = arith.constant 32 : index
      %swap3A_584 = tpu.vector_load %arg8[%swap3A_582, %swap3A_583] {strides = array<i32>} : memref<128x64xf32, #tpu.memory_space<vmem>>, vector<1x16xf32>,
      %swap3A_585 = vector.shape_cast %swap3A_584 : vector<1x16xf32> to vector<16xf32>
      %swap3A_586 = vector.shape_cast %mul3A_581 : vector<16xf32> to vector<1x16xf32>
      tpu.vector_store %arg8[%swap3A_582, %swap3A_583], %swap3A_586 {strides = array<i32>} : memref<128x64xf32, #tpu.memory_space<vmem>>, vector<1x16xf32>,
      %get3A_587 = arith.constant 0 : i32
      %get3A_588 = arith.index_cast %get3A_587 : i32 to index
      %get3A_589 = arith.index_cast %scan3A_459 : i32 to index
      %get3A_590 = arith.constant 48 : index
      %get3A_591 = tpu.vector_load %arg6[%get3A_588, %get3A_589, %get3A_590] {strides = array<i32>} : memref<3x128x128xf32, #tpu.memory_space<vmem>>, vector<1x1x16xf32>,
      %get3A_592 = vector.shape_cast %get3A_591 : vector<1x1x16xf32> to vector<16xf32>
      %get3A_593 = arith.constant 1 : i32
      %get3A_594 = arith.index_cast %get3A_593 : i32 to index
      %get3A_595 = arith.index_cast %scan3A_459 : i32 to index
      %get3A_596 = arith.constant 48 : index
      %get3A_597 = tpu.vector_load %arg6[%get3A_594, %get3A_595, %get3A_596] {strides = array<i32>} : memref<3x128x128xf32, #tpu.memory_space<vmem>>, vector<1x1x16xf32>,
      %get3A_598 = vector.shape_cast %get3A_597 : vector<1x1x16xf32> to vector<16xf32>
      %get3A_599 = arith.constant 2 : i32
      %get3A_600 = arith.index_cast %get3A_599 : i32 to index
      %get3A_601 = arith.index_cast %scan3A_459 : i32 to index
      %get3A_602 = arith.constant 48 : index
      %get3A_603 = tpu.vector_load %arg6[%get3A_600, %get3A_601, %get3A_602] {strides = array<i32>} : memref<3x128x128xf32, #tpu.memory_space<vmem>>, vector<1x1x16xf32>,
      %get3A_604 = vector.shape_cast %get3A_603 : vector<1x1x16xf32> to vector<16xf32>
      %add3A_605 = arith.addf %get3A_592, %get3A_598 : vector<16xf32>
      %add3A_606 = arith.addf %add3A_605, %get3A_604 : vector<16xf32>
      %mul3A_607 = arith.constant 0.333333343 : f32
      %mul3A_608 = vector.broadcast %mul3A_607 : f32 to vector<16xf32>
      %mul3A_609 = arith.mulf %add3A_606, %mul3A_608 : vector<16xf32>
      %sub3A_610 = arith.subf %get3A_592, %mul3A_609 : vector<16xf32>
      %sub3A_611 = arith.subf %get3A_598, %mul3A_609 : vector<16xf32>
      %sub3A_612 = arith.subf %get3A_604, %mul3A_609 : vector<16xf32>
      %mul3A_613 = arith.mulf %sub3A_610, %sub3A_610 : vector<16xf32>
      %mul3A_614 = arith.mulf %sub3A_611, %sub3A_611 : vector<16xf32>
      %add3A_615 = arith.addf %mul3A_613, %mul3A_614 : vector<16xf32>
      %mul3A_616 = arith.mulf %sub3A_612, %sub3A_612 : vector<16xf32>
      %add3A_617 = arith.addf %add3A_615, %mul3A_616 : vector<16xf32>
      %mul3A_618 = arith.constant 5.000000e-01 : f32
      %mul3A_619 = vector.broadcast %mul3A_618 : f32 to vector<16xf32>
      %mul3A_620 = arith.mulf %add3A_617, %mul3A_619 : vector<16xf32>
      %swap3A_621 = arith.index_cast %scan3A_459 : i32 to index
      %swap3A_622 = arith.constant 48 : index
      %swap3A_623 = tpu.vector_load %arg8[%swap3A_621, %swap3A_622] {strides = array<i32>} : memref<128x64xf32, #tpu.memory_space<vmem>>, vector<1x16xf32>,
      %swap3A_624 = vector.shape_cast %swap3A_623 : vector<1x16xf32> to vector<16xf32>
      %swap3A_625 = vector.shape_cast %mul3A_620 : vector<16xf32> to vector<1x16xf32>
      tpu.vector_store %arg8[%swap3A_621, %swap3A_622], %swap3A_625 {strides = array<i32>} : memref<128x64xf32, #tpu.memory_space<vmem>>, vector<1x16xf32>,
      %scan3A_626 = arith.constant 0 : i32
      scf.yield %scan3A_626 : i32
    }
    %scan3A_182 = arith.constant 128 : i32
    "tpu.region"() ({
      %run_scoped3A_459 = tpu.sem_alloc : memref<!tpu.dma_semaphore, #tpu.memory_space<semaphore_mem>>
      %dma_start3A_460 = arith.constant 0 : i32
      %dma_start3A_461 = tpu.memref_slice %arg4[%add3A_94, %dma_start3A_460] : memref<20480x64xf32, #tpu.memory_space<hbm>> -> memref<128x64xf32, #tpu.memory_space<hbm>>
      %dma_start3A_462 = arith.constant 0 : i32
      %dma_start3A_463 = tpu.memref_slice %arg4[%add3A_94, %dma_start3A_462] : memref<20480x64xf32, #tpu.memory_space<hbm>> -> memref<128x64xf32, #tpu.memory_space<hbm>>
      tpu.enqueue_dma source(%arg8 : memref<128x64xf32, #tpu.memory_space<vmem>>) target(%dma_start3A_463 : memref<128x64xf32, #tpu.memory_space<hbm>>) target_semaphore(%run_scoped3A_459 : memref<!tpu.dma_semaphore, #tpu.memory_space<semaphore_mem>>)
      %dma_wait3A_464 = arith.constant 0 : i32
      %dma_wait3A_465 = tpu.memref_slice %arg4[%add3A_94, %dma_wait3A_464] : memref<20480x64xf32, #tpu.memory_space<hbm>> -> memref<128x64xf32, #tpu.memory_space<hbm>>
      %dma_wait3A_466 = arith.constant 0 : i32
      %dma_wait3A_467 = tpu.memref_slice %arg4[%add3A_94, %dma_wait3A_466] : memref<20480x64xf32, #tpu.memory_space<hbm>> -> memref<128x64xf32, #tpu.memory_space<hbm>>
      tpu.wait_dma2 semaphore(%run_scoped3A_459 : memref<!tpu.dma_semaphore, #tpu.memory_space<semaphore_mem>>) src(%arg8 : memref<128x64xf32, #tpu.memory_space<vmem>>) dst(%dma_wait3A_467 : memref<128x64xf32, #tpu.memory_space<hbm>>)
      tpu.yield
    }) : () -> ()
    %mul3A_183 = arith.constant 640 : i32
    %mul3A_184 = arith.muli %add3A, %mul3A_183 : i32
    %add3A_185 = arith.constant 256 : i32
    %add3A_186 = arith.addi %mul3A_184, %add3A_185 : i32
    %add3A_187 = arith.constant 0 : i32
    %add3A_188 = arith.addi %add3A_187, %add3A_186 : i32
    %run_scoped3A_189 = arith.constant 0 : i32
    "tpu.region"() ({
      %run_scoped3A_459 = tpu.sem_alloc : memref<!tpu.dma_semaphore, #tpu.memory_space<semaphore_mem>>
      %dma_start3A_460 = arith.constant 0 : i32
      %dma_start3A_461 = tpu.memref_slice %arg5[%run_scoped3A_189, %dma_start3A_460] : memref<3x128xi32, #tpu.memory_space<vmem>> -> memref<1x128xi32, #tpu.memory_space<vmem>>
      %dma_start3A_462 = tpu.memref_squeeze %dma_start3A_461 : memref<1x128xi32, #tpu.memory_space<vmem>> -> memref<128xi32, #tpu.memory_space<vmem>>
      %dma_start3A_463 = tpu.memref_slice %arg3[%add3A_188] : memref<61440xi32, #tpu.memory_space<hbm>> -> memref<128xi32, #tpu.memory_space<hbm>>
      %dma_start3A_464 = arith.constant 0 : i32
      %dma_start3A_465 = tpu.memref_slice %arg5[%run_scoped3A_189, %dma_start3A_464] : memref<3x128xi32, #tpu.memory_space<vmem>> -> memref<1x128xi32, #tpu.memory_space<vmem>>
      %dma_start3A_466 = tpu.memref_squeeze %dma_start3A_465 : memref<1x128xi32, #tpu.memory_space<vmem>> -> memref<128xi32, #tpu.memory_space<vmem>>
      %dma_start3A_467 = tpu.memref_slice %arg3[%add3A_188] : memref<61440xi32, #tpu.memory_space<hbm>> -> memref<128xi32, #tpu.memory_space<hbm>>
      tpu.enqueue_dma source(%dma_start3A_467 : memref<128xi32, #tpu.memory_space<hbm>>) target(%dma_start3A_466 : memref<128xi32, #tpu.memory_space<vmem>>) target_semaphore(%run_scoped3A_459 : memref<!tpu.dma_semaphore, #tpu.memory_space<semaphore_mem>>)
      %dma_wait3A_468 = arith.constant 0 : i32
      %dma_wait3A_469 = tpu.memref_slice %arg5[%run_scoped3A_189, %dma_wait3A_468] : memref<3x128xi32, #tpu.memory_space<vmem>> -> memref<1x128xi32, #tpu.memory_space<vmem>>
      %dma_wait3A_470 = tpu.memref_squeeze %dma_wait3A_469 : memref<1x128xi32, #tpu.memory_space<vmem>> -> memref<128xi32, #tpu.memory_space<vmem>>
      %dma_wait3A_471 = tpu.memref_slice %arg3[%add3A_188] : memref<61440xi32, #tpu.memory_space<hbm>> -> memref<128xi32, #tpu.memory_space<hbm>>
      %dma_wait3A_472 = arith.constant 0 : i32
      %dma_wait3A_473 = tpu.memref_slice %arg5[%run_scoped3A_189, %dma_wait3A_472] : memref<3x128xi32, #tpu.memory_space<vmem>> -> memref<1x128xi32, #tpu.memory_space<vmem>>
      %dma_wait3A_474 = tpu.memref_squeeze %dma_wait3A_473 : memref<1x128xi32, #tpu.memory_space<vmem>> -> memref<128xi32, #tpu.memory_space<vmem>>
      %dma_wait3A_475 = tpu.memref_slice %arg3[%add3A_188] : memref<61440xi32, #tpu.memory_space<hbm>> -> memref<128xi32, #tpu.memory_space<hbm>>
      tpu.wait_dma2 semaphore(%run_scoped3A_459 : memref<!tpu.dma_semaphore, #tpu.memory_space<semaphore_mem>>) src(%dma_wait3A_475 : memref<128xi32, #tpu.memory_space<hbm>>) dst(%dma_wait3A_474 : memref<128xi32, #tpu.memory_space<vmem>>)
      tpu.yield
    }) : () -> ()
    %add3A_190 = arith.constant 20480 : i32
    %add3A_191 = arith.addi %add3A_190, %add3A_186 : i32
    %run_scoped3A_192 = arith.constant 1 : i32
    "tpu.region"() ({
      %run_scoped3A_459 = tpu.sem_alloc : memref<!tpu.dma_semaphore, #tpu.memory_space<semaphore_mem>>
      %dma_start3A_460 = arith.constant 0 : i32
      %dma_start3A_461 = tpu.memref_slice %arg5[%run_scoped3A_192, %dma_start3A_460] : memref<3x128xi32, #tpu.memory_space<vmem>> -> memref<1x128xi32, #tpu.memory_space<vmem>>
      %dma_start3A_462 = tpu.memref_squeeze %dma_start3A_461 : memref<1x128xi32, #tpu.memory_space<vmem>> -> memref<128xi32, #tpu.memory_space<vmem>>
      %dma_start3A_463 = tpu.memref_slice %arg3[%add3A_191] : memref<61440xi32, #tpu.memory_space<hbm>> -> memref<128xi32, #tpu.memory_space<hbm>>
      %dma_start3A_464 = arith.constant 0 : i32
      %dma_start3A_465 = tpu.memref_slice %arg5[%run_scoped3A_192, %dma_start3A_464] : memref<3x128xi32, #tpu.memory_space<vmem>> -> memref<1x128xi32, #tpu.memory_space<vmem>>
      %dma_start3A_466 = tpu.memref_squeeze %dma_start3A_465 : memref<1x128xi32, #tpu.memory_space<vmem>> -> memref<128xi32, #tpu.memory_space<vmem>>
      %dma_start3A_467 = tpu.memref_slice %arg3[%add3A_191] : memref<61440xi32, #tpu.memory_space<hbm>> -> memref<128xi32, #tpu.memory_space<hbm>>
      tpu.enqueue_dma source(%dma_start3A_467 : memref<128xi32, #tpu.memory_space<hbm>>) target(%dma_start3A_466 : memref<128xi32, #tpu.memory_space<vmem>>) target_semaphore(%run_scoped3A_459 : memref<!tpu.dma_semaphore, #tpu.memory_space<semaphore_mem>>)
      %dma_wait3A_468 = arith.constant 0 : i32
      %dma_wait3A_469 = tpu.memref_slice %arg5[%run_scoped3A_192, %dma_wait3A_468] : memref<3x128xi32, #tpu.memory_space<vmem>> -> memref<1x128xi32, #tpu.memory_space<vmem>>
      %dma_wait3A_470 = tpu.memref_squeeze %dma_wait3A_469 : memref<1x128xi32, #tpu.memory_space<vmem>> -> memref<128xi32, #tpu.memory_space<vmem>>
      %dma_wait3A_471 = tpu.memref_slice %arg3[%add3A_191] : memref<61440xi32, #tpu.memory_space<hbm>> -> memref<128xi32, #tpu.memory_space<hbm>>
      %dma_wait3A_472 = arith.constant 0 : i32
      %dma_wait3A_473 = tpu.memref_slice %arg5[%run_scoped3A_192, %dma_wait3A_472] : memref<3x128xi32, #tpu.memory_space<vmem>> -> memref<1x128xi32, #tpu.memory_space<vmem>>
      %dma_wait3A_474 = tpu.memref_squeeze %dma_wait3A_473 : memref<1x128xi32, #tpu.memory_space<vmem>> -> memref<128xi32, #tpu.memory_space<vmem>>
      %dma_wait3A_475 = tpu.memref_slice %arg3[%add3A_191] : memref<61440xi32, #tpu.memory_space<hbm>> -> memref<128xi32, #tpu.memory_space<hbm>>
      tpu.wait_dma2 semaphore(%run_scoped3A_459 : memref<!tpu.dma_semaphore, #tpu.memory_space<semaphore_mem>>) src(%dma_wait3A_475 : memref<128xi32, #tpu.memory_space<hbm>>) dst(%dma_wait3A_474 : memref<128xi32, #tpu.memory_space<vmem>>)
      tpu.yield
    }) : () -> ()
    %add3A_193 = arith.constant 40960 : i32
    %add3A_194 = arith.addi %add3A_193, %add3A_186 : i32
    %run_scoped3A_195 = arith.constant 2 : i32
    "tpu.region"() ({
      %run_scoped3A_459 = tpu.sem_alloc : memref<!tpu.dma_semaphore, #tpu.memory_space<semaphore_mem>>
      %dma_start3A_460 = arith.constant 0 : i32
      %dma_start3A_461 = tpu.memref_slice %arg5[%run_scoped3A_195, %dma_start3A_460] : memref<3x128xi32, #tpu.memory_space<vmem>> -> memref<1x128xi32, #tpu.memory_space<vmem>>
      %dma_start3A_462 = tpu.memref_squeeze %dma_start3A_461 : memref<1x128xi32, #tpu.memory_space<vmem>> -> memref<128xi32, #tpu.memory_space<vmem>>
      %dma_start3A_463 = tpu.memref_slice %arg3[%add3A_194] : memref<61440xi32, #tpu.memory_space<hbm>> -> memref<128xi32, #tpu.memory_space<hbm>>
      %dma_start3A_464 = arith.constant 0 : i32
      %dma_start3A_465 = tpu.memref_slice %arg5[%run_scoped3A_195, %dma_start3A_464] : memref<3x128xi32, #tpu.memory_space<vmem>> -> memref<1x128xi32, #tpu.memory_space<vmem>>
      %dma_start3A_466 = tpu.memref_squeeze %dma_start3A_465 : memref<1x128xi32, #tpu.memory_space<vmem>> -> memref<128xi32, #tpu.memory_space<vmem>>
      %dma_start3A_467 = tpu.memref_slice %arg3[%add3A_194] : memref<61440xi32, #tpu.memory_space<hbm>> -> memref<128xi32, #tpu.memory_space<hbm>>
      tpu.enqueue_dma source(%dma_start3A_467 : memref<128xi32, #tpu.memory_space<hbm>>) target(%dma_start3A_466 : memref<128xi32, #tpu.memory_space<vmem>>) target_semaphore(%run_scoped3A_459 : memref<!tpu.dma_semaphore, #tpu.memory_space<semaphore_mem>>)
      %dma_wait3A_468 = arith.constant 0 : i32
      %dma_wait3A_469 = tpu.memref_slice %arg5[%run_scoped3A_195, %dma_wait3A_468] : memref<3x128xi32, #tpu.memory_space<vmem>> -> memref<1x128xi32, #tpu.memory_space<vmem>>
      %dma_wait3A_470 = tpu.memref_squeeze %dma_wait3A_469 : memref<1x128xi32, #tpu.memory_space<vmem>> -> memref<128xi32, #tpu.memory_space<vmem>>
      %dma_wait3A_471 = tpu.memref_slice %arg3[%add3A_194] : memref<61440xi32, #tpu.memory_space<hbm>> -> memref<128xi32, #tpu.memory_space<hbm>>
      %dma_wait3A_472 = arith.constant 0 : i32
      %dma_wait3A_473 = tpu.memref_slice %arg5[%run_scoped3A_195, %dma_wait3A_472] : memref<3x128xi32, #tpu.memory_space<vmem>> -> memref<1x128xi32, #tpu.memory_space<vmem>>
      %dma_wait3A_474 = tpu.memref_squeeze %dma_wait3A_473 : memref<1x128xi32, #tpu.memory_space<vmem>> -> memref<128xi32, #tpu.memory_space<vmem>>
      %dma_wait3A_475 = tpu.memref_slice %arg3[%add3A_194] : memref<61440xi32, #tpu.memory_space<hbm>> -> memref<128xi32, #tpu.memory_space<hbm>>
      tpu.wait_dma2 semaphore(%run_scoped3A_459 : memref<!tpu.dma_semaphore, #tpu.memory_space<semaphore_mem>>) src(%dma_wait3A_475 : memref<128xi32, #tpu.memory_space<hbm>>) dst(%dma_wait3A_474 : memref<128xi32, #tpu.memory_space<vmem>>)
      tpu.yield
    }) : () -> ()
    %dma_start3A_196 = arith.constant 0 : i32
    %dma_start3A_197 = arith.constant 0 : i32
    %dma_start3A_198 = arith.constant 0 : i32
    %dma_start3A_199 = arith.constant 0 : i32
    %dma_start3A_200 = tpu.memref_slice %arg6[%dma_start3A_197, %dma_start3A_198, %dma_start3A_199] : memref<3x128x128xf32, #tpu.memory_space<vmem>> -> memref<1x128x128xf32, #tpu.memory_space<vmem>>
    %dma_start3A_201 = tpu.memref_squeeze %dma_start3A_200 : memref<1x128x128xf32, #tpu.memory_space<vmem>> -> memref<128x128xf32, #tpu.memory_space<vmem>>
    %dma_start3A_202 = arith.constant 0 : i32
    %dma_start3A_203 = tpu.memref_slice %arg5[%dma_start3A_196, %dma_start3A_202] : memref<3x128xi32, #tpu.memory_space<vmem>> -> memref<1x128xi32, #tpu.memory_space<vmem>>
    %dma_start3A_204 = tpu.memref_squeeze %dma_start3A_203 : memref<1x128xi32, #tpu.memory_space<vmem>> -> memref<128xi32, #tpu.memory_space<vmem>>
    %dma_start3A_205 = arith.constant 0 : i32
    %dma_start3A_206 = arith.constant 0 : i32
    %dma_start3A_207 = tpu.memref_slice %arg2[%dma_start3A_205, %dma_start3A_206] : memref<20480x128xf32, #tpu.memory_space<hbm>> -> memref<20480x128xf32, #tpu.memory_space<hbm>>
    tpu.enqueue_indirect_dma source(%dma_start3A_207 : memref<20480x128xf32, #tpu.memory_space<hbm>>) target(%dma_start3A_201 : memref<128x128xf32, #tpu.memory_space<vmem>>) offsets(%dma_start3A_204 : memref<128xi32, #tpu.memory_space<vmem>>) semaphore(%arg9 : memref<!tpu.dma_semaphore, #tpu.memory_space<semaphore_mem>>)
    %dma_start3A_208 = arith.constant 1 : i32
    %dma_start3A_209 = arith.constant 1 : i32
    %dma_start3A_210 = arith.constant 0 : i32
    %dma_start3A_211 = arith.constant 0 : i32
    %dma_start3A_212 = tpu.memref_slice %arg6[%dma_start3A_209, %dma_start3A_210, %dma_start3A_211] : memref<3x128x128xf32, #tpu.memory_space<vmem>> -> memref<1x128x128xf32, #tpu.memory_space<vmem>>
    %dma_start3A_213 = tpu.memref_squeeze %dma_start3A_212 : memref<1x128x128xf32, #tpu.memory_space<vmem>> -> memref<128x128xf32, #tpu.memory_space<vmem>>
    %dma_start3A_214 = arith.constant 0 : i32
    %dma_start3A_215 = tpu.memref_slice %arg5[%dma_start3A_208, %dma_start3A_214] : memref<3x128xi32, #tpu.memory_space<vmem>> -> memref<1x128xi32, #tpu.memory_space<vmem>>
    %dma_start3A_216 = tpu.memref_squeeze %dma_start3A_215 : memref<1x128xi32, #tpu.memory_space<vmem>> -> memref<128xi32, #tpu.memory_space<vmem>>
    %dma_start3A_217 = arith.constant 0 : i32
    %dma_start3A_218 = arith.constant 0 : i32
    %dma_start3A_219 = tpu.memref_slice %arg2[%dma_start3A_217, %dma_start3A_218] : memref<20480x128xf32, #tpu.memory_space<hbm>> -> memref<20480x128xf32, #tpu.memory_space<hbm>>
    tpu.enqueue_indirect_dma source(%dma_start3A_219 : memref<20480x128xf32, #tpu.memory_space<hbm>>) target(%dma_start3A_213 : memref<128x128xf32, #tpu.memory_space<vmem>>) offsets(%dma_start3A_216 : memref<128xi32, #tpu.memory_space<vmem>>) semaphore(%arg9 : memref<!tpu.dma_semaphore, #tpu.memory_space<semaphore_mem>>)
    %dma_start3A_220 = arith.constant 2 : i32
    %dma_start3A_221 = arith.constant 2 : i32
    %dma_start3A_222 = arith.constant 0 : i32
    %dma_start3A_223 = arith.constant 0 : i32
    %dma_start3A_224 = tpu.memref_slice %arg6[%dma_start3A_221, %dma_start3A_222, %dma_start3A_223] : memref<3x128x128xf32, #tpu.memory_space<vmem>> -> memref<1x128x128xf32, #tpu.memory_space<vmem>>
    %dma_start3A_225 = tpu.memref_squeeze %dma_start3A_224 : memref<1x128x128xf32, #tpu.memory_space<vmem>> -> memref<128x128xf32, #tpu.memory_space<vmem>>
    %dma_start3A_226 = arith.constant 0 : i32
    %dma_start3A_227 = tpu.memref_slice %arg5[%dma_start3A_220, %dma_start3A_226] : memref<3x128xi32, #tpu.memory_space<vmem>> -> memref<1x128xi32, #tpu.memory_space<vmem>>
    %dma_start3A_228 = tpu.memref_squeeze %dma_start3A_227 : memref<1x128xi32, #tpu.memory_space<vmem>> -> memref<128xi32, #tpu.memory_space<vmem>>
    %dma_start3A_229 = arith.constant 0 : i32
    %dma_start3A_230 = arith.constant 0 : i32
    %dma_start3A_231 = tpu.memref_slice %arg2[%dma_start3A_229, %dma_start3A_230] : memref<20480x128xf32, #tpu.memory_space<hbm>> -> memref<20480x128xf32, #tpu.memory_space<hbm>>
    tpu.enqueue_indirect_dma source(%dma_start3A_231 : memref<20480x128xf32, #tpu.memory_space<hbm>>) target(%dma_start3A_225 : memref<128x128xf32, #tpu.memory_space<vmem>>) offsets(%dma_start3A_228 : memref<128xi32, #tpu.memory_space<vmem>>) semaphore(%arg9 : memref<!tpu.dma_semaphore, #tpu.memory_space<semaphore_mem>>)
    "tpu.region"() ({
      %run_scoped3A_459 = tpu.sem_alloc : memref<!tpu.dma_semaphore, #tpu.memory_space<semaphore_mem>>
      %dma_start3A_460 = arith.constant 0 : i32
      %dma_start3A_461 = tpu.memref_slice %arg2[%add3A_186, %dma_start3A_460] : memref<20480x128xf32, #tpu.memory_space<hbm>> -> memref<128x128xf32, #tpu.memory_space<hbm>>
      %dma_start3A_462 = arith.constant 0 : i32
      %dma_start3A_463 = tpu.memref_slice %arg2[%add3A_186, %dma_start3A_462] : memref<20480x128xf32, #tpu.memory_space<hbm>> -> memref<128x128xf32, #tpu.memory_space<hbm>>
      tpu.enqueue_dma source(%dma_start3A_463 : memref<128x128xf32, #tpu.memory_space<hbm>>) target(%arg7 : memref<128x128xf32, #tpu.memory_space<vmem>>) target_semaphore(%run_scoped3A_459 : memref<!tpu.dma_semaphore, #tpu.memory_space<semaphore_mem>>)
      %dma_wait3A_464 = arith.constant 0 : i32
      %dma_wait3A_465 = tpu.memref_slice %arg2[%add3A_186, %dma_wait3A_464] : memref<20480x128xf32, #tpu.memory_space<hbm>> -> memref<128x128xf32, #tpu.memory_space<hbm>>
      %dma_wait3A_466 = arith.constant 0 : i32
      %dma_wait3A_467 = tpu.memref_slice %arg2[%add3A_186, %dma_wait3A_466] : memref<20480x128xf32, #tpu.memory_space<hbm>> -> memref<128x128xf32, #tpu.memory_space<hbm>>
      tpu.wait_dma2 semaphore(%run_scoped3A_459 : memref<!tpu.dma_semaphore, #tpu.memory_space<semaphore_mem>>) src(%dma_wait3A_467 : memref<128x128xf32, #tpu.memory_space<hbm>>) dst(%arg7 : memref<128x128xf32, #tpu.memory_space<vmem>>)
      tpu.yield
    }) : () -> ()
    %dma_wait3A_232 = arith.constant 0 : i32
    %dma_wait3A_233 = arith.constant 0 : i32
    %dma_wait3A_234 = arith.constant 0 : i32
    %dma_wait3A_235 = arith.constant 0 : i32
    %dma_wait3A_236 = tpu.memref_slice %arg6[%dma_wait3A_233, %dma_wait3A_234, %dma_wait3A_235] : memref<3x128x128xf32, #tpu.memory_space<vmem>> -> memref<1x128x128xf32, #tpu.memory_space<vmem>>
    %dma_wait3A_237 = tpu.memref_squeeze %dma_wait3A_236 : memref<1x128x128xf32, #tpu.memory_space<vmem>> -> memref<128x128xf32, #tpu.memory_space<vmem>>
    %dma_wait3A_238 = arith.constant 0 : i32
    %dma_wait3A_239 = tpu.memref_slice %arg5[%dma_wait3A_232, %dma_wait3A_238] : memref<3x128xi32, #tpu.memory_space<vmem>> -> memref<1x128xi32, #tpu.memory_space<vmem>>
    %dma_wait3A_240 = tpu.memref_squeeze %dma_wait3A_239 : memref<1x128xi32, #tpu.memory_space<vmem>> -> memref<128xi32, #tpu.memory_space<vmem>>
    %dma_wait3A_241 = arith.constant 0 : i32
    %dma_wait3A_242 = arith.constant 0 : i32
    %dma_wait3A_243 = tpu.memref_slice %arg2[%dma_wait3A_241, %dma_wait3A_242] : memref<20480x128xf32, #tpu.memory_space<hbm>> -> memref<20480x128xf32, #tpu.memory_space<hbm>>
    tpu.wait_indirect_dma semaphore(%arg9 : memref<!tpu.dma_semaphore, #tpu.memory_space<semaphore_mem>>) src(%dma_wait3A_243 : memref<20480x128xf32, #tpu.memory_space<hbm>>) dst(%dma_wait3A_237 : memref<128x128xf32, #tpu.memory_space<vmem>>)
    %dma_wait3A_244 = arith.constant 1 : i32
    %dma_wait3A_245 = arith.constant 1 : i32
    %dma_wait3A_246 = arith.constant 0 : i32
    %dma_wait3A_247 = arith.constant 0 : i32
    %dma_wait3A_248 = tpu.memref_slice %arg6[%dma_wait3A_245, %dma_wait3A_246, %dma_wait3A_247] : memref<3x128x128xf32, #tpu.memory_space<vmem>> -> memref<1x128x128xf32, #tpu.memory_space<vmem>>
    %dma_wait3A_249 = tpu.memref_squeeze %dma_wait3A_248 : memref<1x128x128xf32, #tpu.memory_space<vmem>> -> memref<128x128xf32, #tpu.memory_space<vmem>>
    %dma_wait3A_250 = arith.constant 0 : i32
    %dma_wait3A_251 = tpu.memref_slice %arg5[%dma_wait3A_244, %dma_wait3A_250] : memref<3x128xi32, #tpu.memory_space<vmem>> -> memref<1x128xi32, #tpu.memory_space<vmem>>
    %dma_wait3A_252 = tpu.memref_squeeze %dma_wait3A_251 : memref<1x128xi32, #tpu.memory_space<vmem>> -> memref<128xi32, #tpu.memory_space<vmem>>
    %dma_wait3A_253 = arith.constant 0 : i32
    %dma_wait3A_254 = arith.constant 0 : i32
    %dma_wait3A_255 = tpu.memref_slice %arg2[%dma_wait3A_253, %dma_wait3A_254] : memref<20480x128xf32, #tpu.memory_space<hbm>> -> memref<20480x128xf32, #tpu.memory_space<hbm>>
    tpu.wait_indirect_dma semaphore(%arg9 : memref<!tpu.dma_semaphore, #tpu.memory_space<semaphore_mem>>) src(%dma_wait3A_255 : memref<20480x128xf32, #tpu.memory_space<hbm>>) dst(%dma_wait3A_249 : memref<128x128xf32, #tpu.memory_space<vmem>>)
    %dma_wait3A_256 = arith.constant 2 : i32
    %dma_wait3A_257 = arith.constant 2 : i32
    %dma_wait3A_258 = arith.constant 0 : i32
    %dma_wait3A_259 = arith.constant 0 : i32
    %dma_wait3A_260 = tpu.memref_slice %arg6[%dma_wait3A_257, %dma_wait3A_258, %dma_wait3A_259] : memref<3x128x128xf32, #tpu.memory_space<vmem>> -> memref<1x128x128xf32, #tpu.memory_space<vmem>>
    %dma_wait3A_261 = tpu.memref_squeeze %dma_wait3A_260 : memref<1x128x128xf32, #tpu.memory_space<vmem>> -> memref<128x128xf32, #tpu.memory_space<vmem>>
    %dma_wait3A_262 = arith.constant 0 : i32
    %dma_wait3A_263 = tpu.memref_slice %arg5[%dma_wait3A_256, %dma_wait3A_262] : memref<3x128xi32, #tpu.memory_space<vmem>> -> memref<1x128xi32, #tpu.memory_space<vmem>>
    %dma_wait3A_264 = tpu.memref_squeeze %dma_wait3A_263 : memref<1x128xi32, #tpu.memory_space<vmem>> -> memref<128xi32, #tpu.memory_space<vmem>>
    %dma_wait3A_265 = arith.constant 0 : i32
    %dma_wait3A_266 = arith.constant 0 : i32
    %dma_wait3A_267 = tpu.memref_slice %arg2[%dma_wait3A_265, %dma_wait3A_266] : memref<20480x128xf32, #tpu.memory_space<hbm>> -> memref<20480x128xf32, #tpu.memory_space<hbm>>
    tpu.wait_indirect_dma semaphore(%arg9 : memref<!tpu.dma_semaphore, #tpu.memory_space<semaphore_mem>>) src(%dma_wait3A_267 : memref<20480x128xf32, #tpu.memory_space<hbm>>) dst(%dma_wait3A_261 : memref<128x128xf32, #tpu.memory_space<vmem>>)
    %scan3A_268 = arith.constant 0 : i32
    %scan3A_269 = arith.constant 0 : i32
    %scan3A_270 = arith.constant 128 : i32
    %scan3A_271 = arith.addi %scan3A_269, %scan3A_270 : i32
    %scan3A_272 = arith.constant 1 : i32
    %scan3A_273 = scf.for %scan3A_459 = %scan3A_269 to %scan3A_271 step %scan3A_272 iter_args(%scan3A_460 = %scan3A_268) -> (i32)  : i32 {
      %get3A = arith.constant 0 : i32
      %get3A_461 = arith.index_cast %get3A : i32 to index
      %get3A_462 = arith.index_cast %scan3A_459 : i32 to index
      %get3A_463 = arith.constant 0 : index
      %get3A_464 = tpu.vector_load %arg6[%get3A_461, %get3A_462, %get3A_463] {strides = array<i32>} : memref<3x128x128xf32, #tpu.memory_space<vmem>>, vector<1x1x16xf32>,
      %get3A_465 = vector.shape_cast %get3A_464 : vector<1x1x16xf32> to vector<16xf32>
      %get3A_466 = arith.constant 1 : i32
      %get3A_467 = arith.index_cast %get3A_466 : i32 to index
      %get3A_468 = arith.index_cast %scan3A_459 : i32 to index
      %get3A_469 = arith.constant 0 : index
      %get3A_470 = tpu.vector_load %arg6[%get3A_467, %get3A_468, %get3A_469] {strides = array<i32>} : memref<3x128x128xf32, #tpu.memory_space<vmem>>, vector<1x1x16xf32>,
      %get3A_471 = vector.shape_cast %get3A_470 : vector<1x1x16xf32> to vector<16xf32>
      %get3A_472 = arith.constant 2 : i32
      %get3A_473 = arith.index_cast %get3A_472 : i32 to index
      %get3A_474 = arith.index_cast %scan3A_459 : i32 to index
      %get3A_475 = arith.constant 0 : index
      %get3A_476 = tpu.vector_load %arg6[%get3A_473, %get3A_474, %get3A_475] {strides = array<i32>} : memref<3x128x128xf32, #tpu.memory_space<vmem>>, vector<1x1x16xf32>,
      %get3A_477 = vector.shape_cast %get3A_476 : vector<1x1x16xf32> to vector<16xf32>
      %get3A_478 = arith.index_cast %scan3A_459 : i32 to index
      %get3A_479 = arith.constant 0 : index
      %get3A_480 = tpu.vector_load %arg7[%get3A_478, %get3A_479] {strides = array<i32>} : memref<128x128xf32, #tpu.memory_space<vmem>>, vector<1x16xf32>,
      %get3A_481 = vector.shape_cast %get3A_480 : vector<1x16xf32> to vector<16xf32>
      %add3A_482 = arith.addf %get3A_465, %get3A_471 : vector<16xf32>
      %add3A_483 = arith.addf %add3A_482, %get3A_477 : vector<16xf32>
      %mul3A_484 = arith.constant 0.333333343 : f32
      %mul3A_485 = vector.broadcast %mul3A_484 : f32 to vector<16xf32>
      %mul3A_486 = arith.mulf %add3A_483, %mul3A_485 : vector<16xf32>
      %sub3A = arith.subf %get3A_465, %mul3A_486 : vector<16xf32>
      %sub3A_487 = arith.subf %get3A_471, %mul3A_486 : vector<16xf32>
      %sub3A_488 = arith.subf %get3A_477, %mul3A_486 : vector<16xf32>
      %mul3A_489 = arith.mulf %sub3A, %sub3A : vector<16xf32>
      %mul3A_490 = arith.mulf %sub3A_487, %sub3A_487 : vector<16xf32>
      %add3A_491 = arith.addf %mul3A_489, %mul3A_490 : vector<16xf32>
      %mul3A_492 = arith.mulf %sub3A_488, %sub3A_488 : vector<16xf32>
      %add3A_493 = arith.addf %add3A_491, %mul3A_492 : vector<16xf32>
      %mul3A_494 = arith.constant 5.000000e-01 : f32
      %mul3A_495 = vector.broadcast %mul3A_494 : f32 to vector<16xf32>
      %mul3A_496 = arith.mulf %add3A_493, %mul3A_495 : vector<16xf32>
      %sub3A_497 = arith.subf %get3A_481, %get3A_465 : vector<16xf32>
      %sub3A_498 = arith.subf %get3A_481, %get3A_471 : vector<16xf32>
      %sub3A_499 = arith.subf %get3A_481, %get3A_477 : vector<16xf32>
      %mul3A_500 = arith.mulf %sub3A_497, %sub3A_497 : vector<16xf32>
      %mul3A_501 = arith.mulf %sub3A_498, %sub3A_498 : vector<16xf32>
      %add3A_502 = arith.addf %mul3A_500, %mul3A_501 : vector<16xf32>
      %mul3A_503 = arith.mulf %sub3A_499, %sub3A_499 : vector<16xf32>
      %add3A_504 = arith.addf %add3A_502, %mul3A_503 : vector<16xf32>
      %select_n3A = arith.select %lt3A_2, %add3A_504, %mul3A_496 : vector<16xi1>, vector<16xf32>
      %swap3A = arith.index_cast %scan3A_459 : i32 to index
      %swap3A_505 = arith.constant 0 : index
      %swap3A_506 = tpu.vector_load %arg8[%swap3A, %swap3A_505] {strides = array<i32>} : memref<128x64xf32, #tpu.memory_space<vmem>>, vector<1x16xf32>,
      %swap3A_507 = vector.shape_cast %swap3A_506 : vector<1x16xf32> to vector<16xf32>
      %swap3A_508 = vector.shape_cast %select_n3A : vector<16xf32> to vector<1x16xf32>
      tpu.vector_store %arg8[%swap3A, %swap3A_505], %swap3A_508 {strides = array<i32>} : memref<128x64xf32, #tpu.memory_space<vmem>>, vector<1x16xf32>,
      %get3A_509 = arith.constant 0 : i32
      %get3A_510 = arith.index_cast %get3A_509 : i32 to index
      %get3A_511 = arith.index_cast %scan3A_459 : i32 to index
      %get3A_512 = arith.constant 16 : index
      %get3A_513 = tpu.vector_load %arg6[%get3A_510, %get3A_511, %get3A_512] {strides = array<i32>} : memref<3x128x128xf32, #tpu.memory_space<vmem>>, vector<1x1x16xf32>,
      %get3A_514 = vector.shape_cast %get3A_513 : vector<1x1x16xf32> to vector<16xf32>
      %get3A_515 = arith.constant 1 : i32
      %get3A_516 = arith.index_cast %get3A_515 : i32 to index
      %get3A_517 = arith.index_cast %scan3A_459 : i32 to index
      %get3A_518 = arith.constant 16 : index
      %get3A_519 = tpu.vector_load %arg6[%get3A_516, %get3A_517, %get3A_518] {strides = array<i32>} : memref<3x128x128xf32, #tpu.memory_space<vmem>>, vector<1x1x16xf32>,
      %get3A_520 = vector.shape_cast %get3A_519 : vector<1x1x16xf32> to vector<16xf32>
      %get3A_521 = arith.constant 2 : i32
      %get3A_522 = arith.index_cast %get3A_521 : i32 to index
      %get3A_523 = arith.index_cast %scan3A_459 : i32 to index
      %get3A_524 = arith.constant 16 : index
      %get3A_525 = tpu.vector_load %arg6[%get3A_522, %get3A_523, %get3A_524] {strides = array<i32>} : memref<3x128x128xf32, #tpu.memory_space<vmem>>, vector<1x1x16xf32>,
      %get3A_526 = vector.shape_cast %get3A_525 : vector<1x1x16xf32> to vector<16xf32>
      %add3A_527 = arith.addf %get3A_514, %get3A_520 : vector<16xf32>
      %add3A_528 = arith.addf %add3A_527, %get3A_526 : vector<16xf32>
      %mul3A_529 = arith.constant 0.333333343 : f32
      %mul3A_530 = vector.broadcast %mul3A_529 : f32 to vector<16xf32>
      %mul3A_531 = arith.mulf %add3A_528, %mul3A_530 : vector<16xf32>
      %sub3A_532 = arith.subf %get3A_514, %mul3A_531 : vector<16xf32>
      %sub3A_533 = arith.subf %get3A_520, %mul3A_531 : vector<16xf32>
      %sub3A_534 = arith.subf %get3A_526, %mul3A_531 : vector<16xf32>
      %mul3A_535 = arith.mulf %sub3A_532, %sub3A_532 : vector<16xf32>
      %mul3A_536 = arith.mulf %sub3A_533, %sub3A_533 : vector<16xf32>
      %add3A_537 = arith.addf %mul3A_535, %mul3A_536 : vector<16xf32>
      %mul3A_538 = arith.mulf %sub3A_534, %sub3A_534 : vector<16xf32>
      %add3A_539 = arith.addf %add3A_537, %mul3A_538 : vector<16xf32>
      %mul3A_540 = arith.constant 5.000000e-01 : f32
      %mul3A_541 = vector.broadcast %mul3A_540 : f32 to vector<16xf32>
      %mul3A_542 = arith.mulf %add3A_539, %mul3A_541 : vector<16xf32>
      %swap3A_543 = arith.index_cast %scan3A_459 : i32 to index
      %swap3A_544 = arith.constant 16 : index
      %swap3A_545 = tpu.vector_load %arg8[%swap3A_543, %swap3A_544] {strides = array<i32>} : memref<128x64xf32, #tpu.memory_space<vmem>>, vector<1x16xf32>,
      %swap3A_546 = vector.shape_cast %swap3A_545 : vector<1x16xf32> to vector<16xf32>
      %swap3A_547 = vector.shape_cast %mul3A_542 : vector<16xf32> to vector<1x16xf32>
      tpu.vector_store %arg8[%swap3A_543, %swap3A_544], %swap3A_547 {strides = array<i32>} : memref<128x64xf32, #tpu.memory_space<vmem>>, vector<1x16xf32>,
      %get3A_548 = arith.constant 0 : i32
      %get3A_549 = arith.index_cast %get3A_548 : i32 to index
      %get3A_550 = arith.index_cast %scan3A_459 : i32 to index
      %get3A_551 = arith.constant 32 : index
      %get3A_552 = tpu.vector_load %arg6[%get3A_549, %get3A_550, %get3A_551] {strides = array<i32>} : memref<3x128x128xf32, #tpu.memory_space<vmem>>, vector<1x1x16xf32>,
      %get3A_553 = vector.shape_cast %get3A_552 : vector<1x1x16xf32> to vector<16xf32>
      %get3A_554 = arith.constant 1 : i32
      %get3A_555 = arith.index_cast %get3A_554 : i32 to index
      %get3A_556 = arith.index_cast %scan3A_459 : i32 to index
      %get3A_557 = arith.constant 32 : index
      %get3A_558 = tpu.vector_load %arg6[%get3A_555, %get3A_556, %get3A_557] {strides = array<i32>} : memref<3x128x128xf32, #tpu.memory_space<vmem>>, vector<1x1x16xf32>,
      %get3A_559 = vector.shape_cast %get3A_558 : vector<1x1x16xf32> to vector<16xf32>
      %get3A_560 = arith.constant 2 : i32
      %get3A_561 = arith.index_cast %get3A_560 : i32 to index
      %get3A_562 = arith.index_cast %scan3A_459 : i32 to index
      %get3A_563 = arith.constant 32 : index
      %get3A_564 = tpu.vector_load %arg6[%get3A_561, %get3A_562, %get3A_563] {strides = array<i32>} : memref<3x128x128xf32, #tpu.memory_space<vmem>>, vector<1x1x16xf32>,
      %get3A_565 = vector.shape_cast %get3A_564 : vector<1x1x16xf32> to vector<16xf32>
      %add3A_566 = arith.addf %get3A_553, %get3A_559 : vector<16xf32>
      %add3A_567 = arith.addf %add3A_566, %get3A_565 : vector<16xf32>
      %mul3A_568 = arith.constant 0.333333343 : f32
      %mul3A_569 = vector.broadcast %mul3A_568 : f32 to vector<16xf32>
      %mul3A_570 = arith.mulf %add3A_567, %mul3A_569 : vector<16xf32>
      %sub3A_571 = arith.subf %get3A_553, %mul3A_570 : vector<16xf32>
      %sub3A_572 = arith.subf %get3A_559, %mul3A_570 : vector<16xf32>
      %sub3A_573 = arith.subf %get3A_565, %mul3A_570 : vector<16xf32>
      %mul3A_574 = arith.mulf %sub3A_571, %sub3A_571 : vector<16xf32>
      %mul3A_575 = arith.mulf %sub3A_572, %sub3A_572 : vector<16xf32>
      %add3A_576 = arith.addf %mul3A_574, %mul3A_575 : vector<16xf32>
      %mul3A_577 = arith.mulf %sub3A_573, %sub3A_573 : vector<16xf32>
      %add3A_578 = arith.addf %add3A_576, %mul3A_577 : vector<16xf32>
      %mul3A_579 = arith.constant 5.000000e-01 : f32
      %mul3A_580 = vector.broadcast %mul3A_579 : f32 to vector<16xf32>
      %mul3A_581 = arith.mulf %add3A_578, %mul3A_580 : vector<16xf32>
      %swap3A_582 = arith.index_cast %scan3A_459 : i32 to index
      %swap3A_583 = arith.constant 32 : index
      %swap3A_584 = tpu.vector_load %arg8[%swap3A_582, %swap3A_583] {strides = array<i32>} : memref<128x64xf32, #tpu.memory_space<vmem>>, vector<1x16xf32>,
      %swap3A_585 = vector.shape_cast %swap3A_584 : vector<1x16xf32> to vector<16xf32>
      %swap3A_586 = vector.shape_cast %mul3A_581 : vector<16xf32> to vector<1x16xf32>
      tpu.vector_store %arg8[%swap3A_582, %swap3A_583], %swap3A_586 {strides = array<i32>} : memref<128x64xf32, #tpu.memory_space<vmem>>, vector<1x16xf32>,
      %get3A_587 = arith.constant 0 : i32
      %get3A_588 = arith.index_cast %get3A_587 : i32 to index
      %get3A_589 = arith.index_cast %scan3A_459 : i32 to index
      %get3A_590 = arith.constant 48 : index
      %get3A_591 = tpu.vector_load %arg6[%get3A_588, %get3A_589, %get3A_590] {strides = array<i32>} : memref<3x128x128xf32, #tpu.memory_space<vmem>>, vector<1x1x16xf32>,
      %get3A_592 = vector.shape_cast %get3A_591 : vector<1x1x16xf32> to vector<16xf32>
      %get3A_593 = arith.constant 1 : i32
      %get3A_594 = arith.index_cast %get3A_593 : i32 to index
      %get3A_595 = arith.index_cast %scan3A_459 : i32 to index
      %get3A_596 = arith.constant 48 : index
      %get3A_597 = tpu.vector_load %arg6[%get3A_594, %get3A_595, %get3A_596] {strides = array<i32>} : memref<3x128x128xf32, #tpu.memory_space<vmem>>, vector<1x1x16xf32>,
      %get3A_598 = vector.shape_cast %get3A_597 : vector<1x1x16xf32> to vector<16xf32>
      %get3A_599 = arith.constant 2 : i32
      %get3A_600 = arith.index_cast %get3A_599 : i32 to index
      %get3A_601 = arith.index_cast %scan3A_459 : i32 to index
      %get3A_602 = arith.constant 48 : index
      %get3A_603 = tpu.vector_load %arg6[%get3A_600, %get3A_601, %get3A_602] {strides = array<i32>} : memref<3x128x128xf32, #tpu.memory_space<vmem>>, vector<1x1x16xf32>,
      %get3A_604 = vector.shape_cast %get3A_603 : vector<1x1x16xf32> to vector<16xf32>
      %add3A_605 = arith.addf %get3A_592, %get3A_598 : vector<16xf32>
      %add3A_606 = arith.addf %add3A_605, %get3A_604 : vector<16xf32>
      %mul3A_607 = arith.constant 0.333333343 : f32
      %mul3A_608 = vector.broadcast %mul3A_607 : f32 to vector<16xf32>
      %mul3A_609 = arith.mulf %add3A_606, %mul3A_608 : vector<16xf32>
      %sub3A_610 = arith.subf %get3A_592, %mul3A_609 : vector<16xf32>
      %sub3A_611 = arith.subf %get3A_598, %mul3A_609 : vector<16xf32>
      %sub3A_612 = arith.subf %get3A_604, %mul3A_609 : vector<16xf32>
      %mul3A_613 = arith.mulf %sub3A_610, %sub3A_610 : vector<16xf32>
      %mul3A_614 = arith.mulf %sub3A_611, %sub3A_611 : vector<16xf32>
      %add3A_615 = arith.addf %mul3A_613, %mul3A_614 : vector<16xf32>
      %mul3A_616 = arith.mulf %sub3A_612, %sub3A_612 : vector<16xf32>
      %add3A_617 = arith.addf %add3A_615, %mul3A_616 : vector<16xf32>
      %mul3A_618 = arith.constant 5.000000e-01 : f32
      %mul3A_619 = vector.broadcast %mul3A_618 : f32 to vector<16xf32>
      %mul3A_620 = arith.mulf %add3A_617, %mul3A_619 : vector<16xf32>
      %swap3A_621 = arith.index_cast %scan3A_459 : i32 to index
      %swap3A_622 = arith.constant 48 : index
      %swap3A_623 = tpu.vector_load %arg8[%swap3A_621, %swap3A_622] {strides = array<i32>} : memref<128x64xf32, #tpu.memory_space<vmem>>, vector<1x16xf32>,
      %swap3A_624 = vector.shape_cast %swap3A_623 : vector<1x16xf32> to vector<16xf32>
      %swap3A_625 = vector.shape_cast %mul3A_620 : vector<16xf32> to vector<1x16xf32>
      tpu.vector_store %arg8[%swap3A_621, %swap3A_622], %swap3A_625 {strides = array<i32>} : memref<128x64xf32, #tpu.memory_space<vmem>>, vector<1x16xf32>,
      %scan3A_626 = arith.constant 0 : i32
      scf.yield %scan3A_626 : i32
    }
    %scan3A_274 = arith.constant 128 : i32
    "tpu.region"() ({
      %run_scoped3A_459 = tpu.sem_alloc : memref<!tpu.dma_semaphore, #tpu.memory_space<semaphore_mem>>
      %dma_start3A_460 = arith.constant 0 : i32
      %dma_start3A_461 = tpu.memref_slice %arg4[%add3A_186, %dma_start3A_460] : memref<20480x64xf32, #tpu.memory_space<hbm>> -> memref<128x64xf32, #tpu.memory_space<hbm>>
      %dma_start3A_462 = arith.constant 0 : i32
      %dma_start3A_463 = tpu.memref_slice %arg4[%add3A_186, %dma_start3A_462] : memref<20480x64xf32, #tpu.memory_space<hbm>> -> memref<128x64xf32, #tpu.memory_space<hbm>>
      tpu.enqueue_dma source(%arg8 : memref<128x64xf32, #tpu.memory_space<vmem>>) target(%dma_start3A_463 : memref<128x64xf32, #tpu.memory_space<hbm>>) target_semaphore(%run_scoped3A_459 : memref<!tpu.dma_semaphore, #tpu.memory_space<semaphore_mem>>)
      %dma_wait3A_464 = arith.constant 0 : i32
      %dma_wait3A_465 = tpu.memref_slice %arg4[%add3A_186, %dma_wait3A_464] : memref<20480x64xf32, #tpu.memory_space<hbm>> -> memref<128x64xf32, #tpu.memory_space<hbm>>
      %dma_wait3A_466 = arith.constant 0 : i32
      %dma_wait3A_467 = tpu.memref_slice %arg4[%add3A_186, %dma_wait3A_466] : memref<20480x64xf32, #tpu.memory_space<hbm>> -> memref<128x64xf32, #tpu.memory_space<hbm>>
      tpu.wait_dma2 semaphore(%run_scoped3A_459 : memref<!tpu.dma_semaphore, #tpu.memory_space<semaphore_mem>>) src(%arg8 : memref<128x64xf32, #tpu.memory_space<vmem>>) dst(%dma_wait3A_467 : memref<128x64xf32, #tpu.memory_space<hbm>>)
      tpu.yield
    }) : () -> ()
    %mul3A_275 = arith.constant 640 : i32
    %mul3A_276 = arith.muli %add3A, %mul3A_275 : i32
    %add3A_277 = arith.constant 384 : i32
    %add3A_278 = arith.addi %mul3A_276, %add3A_277 : i32
    %add3A_279 = arith.constant 0 : i32
    %add3A_280 = arith.addi %add3A_279, %add3A_278 : i32
    %run_scoped3A_281 = arith.constant 0 : i32
    "tpu.region"() ({
      %run_scoped3A_459 = tpu.sem_alloc : memref<!tpu.dma_semaphore, #tpu.memory_space<semaphore_mem>>
      %dma_start3A_460 = arith.constant 0 : i32
      %dma_start3A_461 = tpu.memref_slice %arg5[%run_scoped3A_281, %dma_start3A_460] : memref<3x128xi32, #tpu.memory_space<vmem>> -> memref<1x128xi32, #tpu.memory_space<vmem>>
      %dma_start3A_462 = tpu.memref_squeeze %dma_start3A_461 : memref<1x128xi32, #tpu.memory_space<vmem>> -> memref<128xi32, #tpu.memory_space<vmem>>
      %dma_start3A_463 = tpu.memref_slice %arg3[%add3A_280] : memref<61440xi32, #tpu.memory_space<hbm>> -> memref<128xi32, #tpu.memory_space<hbm>>
      %dma_start3A_464 = arith.constant 0 : i32
      %dma_start3A_465 = tpu.memref_slice %arg5[%run_scoped3A_281, %dma_start3A_464] : memref<3x128xi32, #tpu.memory_space<vmem>> -> memref<1x128xi32, #tpu.memory_space<vmem>>
      %dma_start3A_466 = tpu.memref_squeeze %dma_start3A_465 : memref<1x128xi32, #tpu.memory_space<vmem>> -> memref<128xi32, #tpu.memory_space<vmem>>
      %dma_start3A_467 = tpu.memref_slice %arg3[%add3A_280] : memref<61440xi32, #tpu.memory_space<hbm>> -> memref<128xi32, #tpu.memory_space<hbm>>
      tpu.enqueue_dma source(%dma_start3A_467 : memref<128xi32, #tpu.memory_space<hbm>>) target(%dma_start3A_466 : memref<128xi32, #tpu.memory_space<vmem>>) target_semaphore(%run_scoped3A_459 : memref<!tpu.dma_semaphore, #tpu.memory_space<semaphore_mem>>)
      %dma_wait3A_468 = arith.constant 0 : i32
      %dma_wait3A_469 = tpu.memref_slice %arg5[%run_scoped3A_281, %dma_wait3A_468] : memref<3x128xi32, #tpu.memory_space<vmem>> -> memref<1x128xi32, #tpu.memory_space<vmem>>
      %dma_wait3A_470 = tpu.memref_squeeze %dma_wait3A_469 : memref<1x128xi32, #tpu.memory_space<vmem>> -> memref<128xi32, #tpu.memory_space<vmem>>
      %dma_wait3A_471 = tpu.memref_slice %arg3[%add3A_280] : memref<61440xi32, #tpu.memory_space<hbm>> -> memref<128xi32, #tpu.memory_space<hbm>>
      %dma_wait3A_472 = arith.constant 0 : i32
      %dma_wait3A_473 = tpu.memref_slice %arg5[%run_scoped3A_281, %dma_wait3A_472] : memref<3x128xi32, #tpu.memory_space<vmem>> -> memref<1x128xi32, #tpu.memory_space<vmem>>
      %dma_wait3A_474 = tpu.memref_squeeze %dma_wait3A_473 : memref<1x128xi32, #tpu.memory_space<vmem>> -> memref<128xi32, #tpu.memory_space<vmem>>
      %dma_wait3A_475 = tpu.memref_slice %arg3[%add3A_280] : memref<61440xi32, #tpu.memory_space<hbm>> -> memref<128xi32, #tpu.memory_space<hbm>>
      tpu.wait_dma2 semaphore(%run_scoped3A_459 : memref<!tpu.dma_semaphore, #tpu.memory_space<semaphore_mem>>) src(%dma_wait3A_475 : memref<128xi32, #tpu.memory_space<hbm>>) dst(%dma_wait3A_474 : memref<128xi32, #tpu.memory_space<vmem>>)
      tpu.yield
    }) : () -> ()
    %add3A_282 = arith.constant 20480 : i32
    %add3A_283 = arith.addi %add3A_282, %add3A_278 : i32
    %run_scoped3A_284 = arith.constant 1 : i32
    "tpu.region"() ({
      %run_scoped3A_459 = tpu.sem_alloc : memref<!tpu.dma_semaphore, #tpu.memory_space<semaphore_mem>>
      %dma_start3A_460 = arith.constant 0 : i32
      %dma_start3A_461 = tpu.memref_slice %arg5[%run_scoped3A_284, %dma_start3A_460] : memref<3x128xi32, #tpu.memory_space<vmem>> -> memref<1x128xi32, #tpu.memory_space<vmem>>
      %dma_start3A_462 = tpu.memref_squeeze %dma_start3A_461 : memref<1x128xi32, #tpu.memory_space<vmem>> -> memref<128xi32, #tpu.memory_space<vmem>>
      %dma_start3A_463 = tpu.memref_slice %arg3[%add3A_283] : memref<61440xi32, #tpu.memory_space<hbm>> -> memref<128xi32, #tpu.memory_space<hbm>>
      %dma_start3A_464 = arith.constant 0 : i32
      %dma_start3A_465 = tpu.memref_slice %arg5[%run_scoped3A_284, %dma_start3A_464] : memref<3x128xi32, #tpu.memory_space<vmem>> -> memref<1x128xi32, #tpu.memory_space<vmem>>
      %dma_start3A_466 = tpu.memref_squeeze %dma_start3A_465 : memref<1x128xi32, #tpu.memory_space<vmem>> -> memref<128xi32, #tpu.memory_space<vmem>>
      %dma_start3A_467 = tpu.memref_slice %arg3[%add3A_283] : memref<61440xi32, #tpu.memory_space<hbm>> -> memref<128xi32, #tpu.memory_space<hbm>>
      tpu.enqueue_dma source(%dma_start3A_467 : memref<128xi32, #tpu.memory_space<hbm>>) target(%dma_start3A_466 : memref<128xi32, #tpu.memory_space<vmem>>) target_semaphore(%run_scoped3A_459 : memref<!tpu.dma_semaphore, #tpu.memory_space<semaphore_mem>>)
      %dma_wait3A_468 = arith.constant 0 : i32
      %dma_wait3A_469 = tpu.memref_slice %arg5[%run_scoped3A_284, %dma_wait3A_468] : memref<3x128xi32, #tpu.memory_space<vmem>> -> memref<1x128xi32, #tpu.memory_space<vmem>>
      %dma_wait3A_470 = tpu.memref_squeeze %dma_wait3A_469 : memref<1x128xi32, #tpu.memory_space<vmem>> -> memref<128xi32, #tpu.memory_space<vmem>>
      %dma_wait3A_471 = tpu.memref_slice %arg3[%add3A_283] : memref<61440xi32, #tpu.memory_space<hbm>> -> memref<128xi32, #tpu.memory_space<hbm>>
      %dma_wait3A_472 = arith.constant 0 : i32
      %dma_wait3A_473 = tpu.memref_slice %arg5[%run_scoped3A_284, %dma_wait3A_472] : memref<3x128xi32, #tpu.memory_space<vmem>> -> memref<1x128xi32, #tpu.memory_space<vmem>>
      %dma_wait3A_474 = tpu.memref_squeeze %dma_wait3A_473 : memref<1x128xi32, #tpu.memory_space<vmem>> -> memref<128xi32, #tpu.memory_space<vmem>>
      %dma_wait3A_475 = tpu.memref_slice %arg3[%add3A_283] : memref<61440xi32, #tpu.memory_space<hbm>> -> memref<128xi32, #tpu.memory_space<hbm>>
      tpu.wait_dma2 semaphore(%run_scoped3A_459 : memref<!tpu.dma_semaphore, #tpu.memory_space<semaphore_mem>>) src(%dma_wait3A_475 : memref<128xi32, #tpu.memory_space<hbm>>) dst(%dma_wait3A_474 : memref<128xi32, #tpu.memory_space<vmem>>)
      tpu.yield
    }) : () -> ()
    %add3A_285 = arith.constant 40960 : i32
    %add3A_286 = arith.addi %add3A_285, %add3A_278 : i32
    %run_scoped3A_287 = arith.constant 2 : i32
    "tpu.region"() ({
      %run_scoped3A_459 = tpu.sem_alloc : memref<!tpu.dma_semaphore, #tpu.memory_space<semaphore_mem>>
      %dma_start3A_460 = arith.constant 0 : i32
      %dma_start3A_461 = tpu.memref_slice %arg5[%run_scoped3A_287, %dma_start3A_460] : memref<3x128xi32, #tpu.memory_space<vmem>> -> memref<1x128xi32, #tpu.memory_space<vmem>>
      %dma_start3A_462 = tpu.memref_squeeze %dma_start3A_461 : memref<1x128xi32, #tpu.memory_space<vmem>> -> memref<128xi32, #tpu.memory_space<vmem>>
      %dma_start3A_463 = tpu.memref_slice %arg3[%add3A_286] : memref<61440xi32, #tpu.memory_space<hbm>> -> memref<128xi32, #tpu.memory_space<hbm>>
      %dma_start3A_464 = arith.constant 0 : i32
      %dma_start3A_465 = tpu.memref_slice %arg5[%run_scoped3A_287, %dma_start3A_464] : memref<3x128xi32, #tpu.memory_space<vmem>> -> memref<1x128xi32, #tpu.memory_space<vmem>>
      %dma_start3A_466 = tpu.memref_squeeze %dma_start3A_465 : memref<1x128xi32, #tpu.memory_space<vmem>> -> memref<128xi32, #tpu.memory_space<vmem>>
      %dma_start3A_467 = tpu.memref_slice %arg3[%add3A_286] : memref<61440xi32, #tpu.memory_space<hbm>> -> memref<128xi32, #tpu.memory_space<hbm>>
      tpu.enqueue_dma source(%dma_start3A_467 : memref<128xi32, #tpu.memory_space<hbm>>) target(%dma_start3A_466 : memref<128xi32, #tpu.memory_space<vmem>>) target_semaphore(%run_scoped3A_459 : memref<!tpu.dma_semaphore, #tpu.memory_space<semaphore_mem>>)
      %dma_wait3A_468 = arith.constant 0 : i32
      %dma_wait3A_469 = tpu.memref_slice %arg5[%run_scoped3A_287, %dma_wait3A_468] : memref<3x128xi32, #tpu.memory_space<vmem>> -> memref<1x128xi32, #tpu.memory_space<vmem>>
      %dma_wait3A_470 = tpu.memref_squeeze %dma_wait3A_469 : memref<1x128xi32, #tpu.memory_space<vmem>> -> memref<128xi32, #tpu.memory_space<vmem>>
      %dma_wait3A_471 = tpu.memref_slice %arg3[%add3A_286] : memref<61440xi32, #tpu.memory_space<hbm>> -> memref<128xi32, #tpu.memory_space<hbm>>
      %dma_wait3A_472 = arith.constant 0 : i32
      %dma_wait3A_473 = tpu.memref_slice %arg5[%run_scoped3A_287, %dma_wait3A_472] : memref<3x128xi32, #tpu.memory_space<vmem>> -> memref<1x128xi32, #tpu.memory_space<vmem>>
      %dma_wait3A_474 = tpu.memref_squeeze %dma_wait3A_473 : memref<1x128xi32, #tpu.memory_space<vmem>> -> memref<128xi32, #tpu.memory_space<vmem>>
      %dma_wait3A_475 = tpu.memref_slice %arg3[%add3A_286] : memref<61440xi32, #tpu.memory_space<hbm>> -> memref<128xi32, #tpu.memory_space<hbm>>
      tpu.wait_dma2 semaphore(%run_scoped3A_459 : memref<!tpu.dma_semaphore, #tpu.memory_space<semaphore_mem>>) src(%dma_wait3A_475 : memref<128xi32, #tpu.memory_space<hbm>>) dst(%dma_wait3A_474 : memref<128xi32, #tpu.memory_space<vmem>>)
      tpu.yield
    }) : () -> ()
    %dma_start3A_288 = arith.constant 0 : i32
    %dma_start3A_289 = arith.constant 0 : i32
    %dma_start3A_290 = arith.constant 0 : i32
    %dma_start3A_291 = arith.constant 0 : i32
    %dma_start3A_292 = tpu.memref_slice %arg6[%dma_start3A_289, %dma_start3A_290, %dma_start3A_291] : memref<3x128x128xf32, #tpu.memory_space<vmem>> -> memref<1x128x128xf32, #tpu.memory_space<vmem>>
    %dma_start3A_293 = tpu.memref_squeeze %dma_start3A_292 : memref<1x128x128xf32, #tpu.memory_space<vmem>> -> memref<128x128xf32, #tpu.memory_space<vmem>>
    %dma_start3A_294 = arith.constant 0 : i32
    %dma_start3A_295 = tpu.memref_slice %arg5[%dma_start3A_288, %dma_start3A_294] : memref<3x128xi32, #tpu.memory_space<vmem>> -> memref<1x128xi32, #tpu.memory_space<vmem>>
    %dma_start3A_296 = tpu.memref_squeeze %dma_start3A_295 : memref<1x128xi32, #tpu.memory_space<vmem>> -> memref<128xi32, #tpu.memory_space<vmem>>
    %dma_start3A_297 = arith.constant 0 : i32
    %dma_start3A_298 = arith.constant 0 : i32
    %dma_start3A_299 = tpu.memref_slice %arg2[%dma_start3A_297, %dma_start3A_298] : memref<20480x128xf32, #tpu.memory_space<hbm>> -> memref<20480x128xf32, #tpu.memory_space<hbm>>
    tpu.enqueue_indirect_dma source(%dma_start3A_299 : memref<20480x128xf32, #tpu.memory_space<hbm>>) target(%dma_start3A_293 : memref<128x128xf32, #tpu.memory_space<vmem>>) offsets(%dma_start3A_296 : memref<128xi32, #tpu.memory_space<vmem>>) semaphore(%arg9 : memref<!tpu.dma_semaphore, #tpu.memory_space<semaphore_mem>>)
    %dma_start3A_300 = arith.constant 1 : i32
    %dma_start3A_301 = arith.constant 1 : i32
    %dma_start3A_302 = arith.constant 0 : i32
    %dma_start3A_303 = arith.constant 0 : i32
    %dma_start3A_304 = tpu.memref_slice %arg6[%dma_start3A_301, %dma_start3A_302, %dma_start3A_303] : memref<3x128x128xf32, #tpu.memory_space<vmem>> -> memref<1x128x128xf32, #tpu.memory_space<vmem>>
    %dma_start3A_305 = tpu.memref_squeeze %dma_start3A_304 : memref<1x128x128xf32, #tpu.memory_space<vmem>> -> memref<128x128xf32, #tpu.memory_space<vmem>>
    %dma_start3A_306 = arith.constant 0 : i32
    %dma_start3A_307 = tpu.memref_slice %arg5[%dma_start3A_300, %dma_start3A_306] : memref<3x128xi32, #tpu.memory_space<vmem>> -> memref<1x128xi32, #tpu.memory_space<vmem>>
    %dma_start3A_308 = tpu.memref_squeeze %dma_start3A_307 : memref<1x128xi32, #tpu.memory_space<vmem>> -> memref<128xi32, #tpu.memory_space<vmem>>
    %dma_start3A_309 = arith.constant 0 : i32
    %dma_start3A_310 = arith.constant 0 : i32
    %dma_start3A_311 = tpu.memref_slice %arg2[%dma_start3A_309, %dma_start3A_310] : memref<20480x128xf32, #tpu.memory_space<hbm>> -> memref<20480x128xf32, #tpu.memory_space<hbm>>
    tpu.enqueue_indirect_dma source(%dma_start3A_311 : memref<20480x128xf32, #tpu.memory_space<hbm>>) target(%dma_start3A_305 : memref<128x128xf32, #tpu.memory_space<vmem>>) offsets(%dma_start3A_308 : memref<128xi32, #tpu.memory_space<vmem>>) semaphore(%arg9 : memref<!tpu.dma_semaphore, #tpu.memory_space<semaphore_mem>>)
    %dma_start3A_312 = arith.constant 2 : i32
    %dma_start3A_313 = arith.constant 2 : i32
    %dma_start3A_314 = arith.constant 0 : i32
    %dma_start3A_315 = arith.constant 0 : i32
    %dma_start3A_316 = tpu.memref_slice %arg6[%dma_start3A_313, %dma_start3A_314, %dma_start3A_315] : memref<3x128x128xf32, #tpu.memory_space<vmem>> -> memref<1x128x128xf32, #tpu.memory_space<vmem>>
    %dma_start3A_317 = tpu.memref_squeeze %dma_start3A_316 : memref<1x128x128xf32, #tpu.memory_space<vmem>> -> memref<128x128xf32, #tpu.memory_space<vmem>>
    %dma_start3A_318 = arith.constant 0 : i32
    %dma_start3A_319 = tpu.memref_slice %arg5[%dma_start3A_312, %dma_start3A_318] : memref<3x128xi32, #tpu.memory_space<vmem>> -> memref<1x128xi32, #tpu.memory_space<vmem>>
    %dma_start3A_320 = tpu.memref_squeeze %dma_start3A_319 : memref<1x128xi32, #tpu.memory_space<vmem>> -> memref<128xi32, #tpu.memory_space<vmem>>
    %dma_start3A_321 = arith.constant 0 : i32
    %dma_start3A_322 = arith.constant 0 : i32
    %dma_start3A_323 = tpu.memref_slice %arg2[%dma_start3A_321, %dma_start3A_322] : memref<20480x128xf32, #tpu.memory_space<hbm>> -> memref<20480x128xf32, #tpu.memory_space<hbm>>
    tpu.enqueue_indirect_dma source(%dma_start3A_323 : memref<20480x128xf32, #tpu.memory_space<hbm>>) target(%dma_start3A_317 : memref<128x128xf32, #tpu.memory_space<vmem>>) offsets(%dma_start3A_320 : memref<128xi32, #tpu.memory_space<vmem>>) semaphore(%arg9 : memref<!tpu.dma_semaphore, #tpu.memory_space<semaphore_mem>>)
    "tpu.region"() ({
      %run_scoped3A_459 = tpu.sem_alloc : memref<!tpu.dma_semaphore, #tpu.memory_space<semaphore_mem>>
      %dma_start3A_460 = arith.constant 0 : i32
      %dma_start3A_461 = tpu.memref_slice %arg2[%add3A_278, %dma_start3A_460] : memref<20480x128xf32, #tpu.memory_space<hbm>> -> memref<128x128xf32, #tpu.memory_space<hbm>>
      %dma_start3A_462 = arith.constant 0 : i32
      %dma_start3A_463 = tpu.memref_slice %arg2[%add3A_278, %dma_start3A_462] : memref<20480x128xf32, #tpu.memory_space<hbm>> -> memref<128x128xf32, #tpu.memory_space<hbm>>
      tpu.enqueue_dma source(%dma_start3A_463 : memref<128x128xf32, #tpu.memory_space<hbm>>) target(%arg7 : memref<128x128xf32, #tpu.memory_space<vmem>>) target_semaphore(%run_scoped3A_459 : memref<!tpu.dma_semaphore, #tpu.memory_space<semaphore_mem>>)
      %dma_wait3A_464 = arith.constant 0 : i32
      %dma_wait3A_465 = tpu.memref_slice %arg2[%add3A_278, %dma_wait3A_464] : memref<20480x128xf32, #tpu.memory_space<hbm>> -> memref<128x128xf32, #tpu.memory_space<hbm>>
      %dma_wait3A_466 = arith.constant 0 : i32
      %dma_wait3A_467 = tpu.memref_slice %arg2[%add3A_278, %dma_wait3A_466] : memref<20480x128xf32, #tpu.memory_space<hbm>> -> memref<128x128xf32, #tpu.memory_space<hbm>>
      tpu.wait_dma2 semaphore(%run_scoped3A_459 : memref<!tpu.dma_semaphore, #tpu.memory_space<semaphore_mem>>) src(%dma_wait3A_467 : memref<128x128xf32, #tpu.memory_space<hbm>>) dst(%arg7 : memref<128x128xf32, #tpu.memory_space<vmem>>)
      tpu.yield
    }) : () -> ()
    %dma_wait3A_324 = arith.constant 0 : i32
    %dma_wait3A_325 = arith.constant 0 : i32
    %dma_wait3A_326 = arith.constant 0 : i32
    %dma_wait3A_327 = arith.constant 0 : i32
    %dma_wait3A_328 = tpu.memref_slice %arg6[%dma_wait3A_325, %dma_wait3A_326, %dma_wait3A_327] : memref<3x128x128xf32, #tpu.memory_space<vmem>> -> memref<1x128x128xf32, #tpu.memory_space<vmem>>
    %dma_wait3A_329 = tpu.memref_squeeze %dma_wait3A_328 : memref<1x128x128xf32, #tpu.memory_space<vmem>> -> memref<128x128xf32, #tpu.memory_space<vmem>>
    %dma_wait3A_330 = arith.constant 0 : i32
    %dma_wait3A_331 = tpu.memref_slice %arg5[%dma_wait3A_324, %dma_wait3A_330] : memref<3x128xi32, #tpu.memory_space<vmem>> -> memref<1x128xi32, #tpu.memory_space<vmem>>
    %dma_wait3A_332 = tpu.memref_squeeze %dma_wait3A_331 : memref<1x128xi32, #tpu.memory_space<vmem>> -> memref<128xi32, #tpu.memory_space<vmem>>
    %dma_wait3A_333 = arith.constant 0 : i32
    %dma_wait3A_334 = arith.constant 0 : i32
    %dma_wait3A_335 = tpu.memref_slice %arg2[%dma_wait3A_333, %dma_wait3A_334] : memref<20480x128xf32, #tpu.memory_space<hbm>> -> memref<20480x128xf32, #tpu.memory_space<hbm>>
    tpu.wait_indirect_dma semaphore(%arg9 : memref<!tpu.dma_semaphore, #tpu.memory_space<semaphore_mem>>) src(%dma_wait3A_335 : memref<20480x128xf32, #tpu.memory_space<hbm>>) dst(%dma_wait3A_329 : memref<128x128xf32, #tpu.memory_space<vmem>>)
    %dma_wait3A_336 = arith.constant 1 : i32
    %dma_wait3A_337 = arith.constant 1 : i32
    %dma_wait3A_338 = arith.constant 0 : i32
    %dma_wait3A_339 = arith.constant 0 : i32
    %dma_wait3A_340 = tpu.memref_slice %arg6[%dma_wait3A_337, %dma_wait3A_338, %dma_wait3A_339] : memref<3x128x128xf32, #tpu.memory_space<vmem>> -> memref<1x128x128xf32, #tpu.memory_space<vmem>>
    %dma_wait3A_341 = tpu.memref_squeeze %dma_wait3A_340 : memref<1x128x128xf32, #tpu.memory_space<vmem>> -> memref<128x128xf32, #tpu.memory_space<vmem>>
    %dma_wait3A_342 = arith.constant 0 : i32
    %dma_wait3A_343 = tpu.memref_slice %arg5[%dma_wait3A_336, %dma_wait3A_342] : memref<3x128xi32, #tpu.memory_space<vmem>> -> memref<1x128xi32, #tpu.memory_space<vmem>>
    %dma_wait3A_344 = tpu.memref_squeeze %dma_wait3A_343 : memref<1x128xi32, #tpu.memory_space<vmem>> -> memref<128xi32, #tpu.memory_space<vmem>>
    %dma_wait3A_345 = arith.constant 0 : i32
    %dma_wait3A_346 = arith.constant 0 : i32
    %dma_wait3A_347 = tpu.memref_slice %arg2[%dma_wait3A_345, %dma_wait3A_346] : memref<20480x128xf32, #tpu.memory_space<hbm>> -> memref<20480x128xf32, #tpu.memory_space<hbm>>
    tpu.wait_indirect_dma semaphore(%arg9 : memref<!tpu.dma_semaphore, #tpu.memory_space<semaphore_mem>>) src(%dma_wait3A_347 : memref<20480x128xf32, #tpu.memory_space<hbm>>) dst(%dma_wait3A_341 : memref<128x128xf32, #tpu.memory_space<vmem>>)
    %dma_wait3A_348 = arith.constant 2 : i32
    %dma_wait3A_349 = arith.constant 2 : i32
    %dma_wait3A_350 = arith.constant 0 : i32
    %dma_wait3A_351 = arith.constant 0 : i32
    %dma_wait3A_352 = tpu.memref_slice %arg6[%dma_wait3A_349, %dma_wait3A_350, %dma_wait3A_351] : memref<3x128x128xf32, #tpu.memory_space<vmem>> -> memref<1x128x128xf32, #tpu.memory_space<vmem>>
    %dma_wait3A_353 = tpu.memref_squeeze %dma_wait3A_352 : memref<1x128x128xf32, #tpu.memory_space<vmem>> -> memref<128x128xf32, #tpu.memory_space<vmem>>
    %dma_wait3A_354 = arith.constant 0 : i32
    %dma_wait3A_355 = tpu.memref_slice %arg5[%dma_wait3A_348, %dma_wait3A_354] : memref<3x128xi32, #tpu.memory_space<vmem>> -> memref<1x128xi32, #tpu.memory_space<vmem>>
    %dma_wait3A_356 = tpu.memref_squeeze %dma_wait3A_355 : memref<1x128xi32, #tpu.memory_space<vmem>> -> memref<128xi32, #tpu.memory_space<vmem>>
    %dma_wait3A_357 = arith.constant 0 : i32
    %dma_wait3A_358 = arith.constant 0 : i32
    %dma_wait3A_359 = tpu.memref_slice %arg2[%dma_wait3A_357, %dma_wait3A_358] : memref<20480x128xf32, #tpu.memory_space<hbm>> -> memref<20480x128xf32, #tpu.memory_space<hbm>>
    tpu.wait_indirect_dma semaphore(%arg9 : memref<!tpu.dma_semaphore, #tpu.memory_space<semaphore_mem>>) src(%dma_wait3A_359 : memref<20480x128xf32, #tpu.memory_space<hbm>>) dst(%dma_wait3A_353 : memref<128x128xf32, #tpu.memory_space<vmem>>)
    %scan3A_360 = arith.constant 0 : i32
    %scan3A_361 = arith.constant 0 : i32
    %scan3A_362 = arith.constant 128 : i32
    %scan3A_363 = arith.addi %scan3A_361, %scan3A_362 : i32
    %scan3A_364 = arith.constant 1 : i32
    %scan3A_365 = scf.for %scan3A_459 = %scan3A_361 to %scan3A_363 step %scan3A_364 iter_args(%scan3A_460 = %scan3A_360) -> (i32)  : i32 {
      %get3A = arith.constant 0 : i32
      %get3A_461 = arith.index_cast %get3A : i32 to index
      %get3A_462 = arith.index_cast %scan3A_459 : i32 to index
      %get3A_463 = arith.constant 0 : index
      %get3A_464 = tpu.vector_load %arg6[%get3A_461, %get3A_462, %get3A_463] {strides = array<i32>} : memref<3x128x128xf32, #tpu.memory_space<vmem>>, vector<1x1x16xf32>,
      %get3A_465 = vector.shape_cast %get3A_464 : vector<1x1x16xf32> to vector<16xf32>
      %get3A_466 = arith.constant 1 : i32
      %get3A_467 = arith.index_cast %get3A_466 : i32 to index
      %get3A_468 = arith.index_cast %scan3A_459 : i32 to index
      %get3A_469 = arith.constant 0 : index
      %get3A_470 = tpu.vector_load %arg6[%get3A_467, %get3A_468, %get3A_469] {strides = array<i32>} : memref<3x128x128xf32, #tpu.memory_space<vmem>>, vector<1x1x16xf32>,
      %get3A_471 = vector.shape_cast %get3A_470 : vector<1x1x16xf32> to vector<16xf32>
      %get3A_472 = arith.constant 2 : i32
      %get3A_473 = arith.index_cast %get3A_472 : i32 to index
      %get3A_474 = arith.index_cast %scan3A_459 : i32 to index
      %get3A_475 = arith.constant 0 : index
      %get3A_476 = tpu.vector_load %arg6[%get3A_473, %get3A_474, %get3A_475] {strides = array<i32>} : memref<3x128x128xf32, #tpu.memory_space<vmem>>, vector<1x1x16xf32>,
      %get3A_477 = vector.shape_cast %get3A_476 : vector<1x1x16xf32> to vector<16xf32>
      %get3A_478 = arith.index_cast %scan3A_459 : i32 to index
      %get3A_479 = arith.constant 0 : index
      %get3A_480 = tpu.vector_load %arg7[%get3A_478, %get3A_479] {strides = array<i32>} : memref<128x128xf32, #tpu.memory_space<vmem>>, vector<1x16xf32>,
      %get3A_481 = vector.shape_cast %get3A_480 : vector<1x16xf32> to vector<16xf32>
      %add3A_482 = arith.addf %get3A_465, %get3A_471 : vector<16xf32>
      %add3A_483 = arith.addf %add3A_482, %get3A_477 : vector<16xf32>
      %mul3A_484 = arith.constant 0.333333343 : f32
      %mul3A_485 = vector.broadcast %mul3A_484 : f32 to vector<16xf32>
      %mul3A_486 = arith.mulf %add3A_483, %mul3A_485 : vector<16xf32>
      %sub3A = arith.subf %get3A_465, %mul3A_486 : vector<16xf32>
      %sub3A_487 = arith.subf %get3A_471, %mul3A_486 : vector<16xf32>
      %sub3A_488 = arith.subf %get3A_477, %mul3A_486 : vector<16xf32>
      %mul3A_489 = arith.mulf %sub3A, %sub3A : vector<16xf32>
      %mul3A_490 = arith.mulf %sub3A_487, %sub3A_487 : vector<16xf32>
      %add3A_491 = arith.addf %mul3A_489, %mul3A_490 : vector<16xf32>
      %mul3A_492 = arith.mulf %sub3A_488, %sub3A_488 : vector<16xf32>
      %add3A_493 = arith.addf %add3A_491, %mul3A_492 : vector<16xf32>
      %mul3A_494 = arith.constant 5.000000e-01 : f32
      %mul3A_495 = vector.broadcast %mul3A_494 : f32 to vector<16xf32>
      %mul3A_496 = arith.mulf %add3A_493, %mul3A_495 : vector<16xf32>
      %sub3A_497 = arith.subf %get3A_481, %get3A_465 : vector<16xf32>
      %sub3A_498 = arith.subf %get3A_481, %get3A_471 : vector<16xf32>
      %sub3A_499 = arith.subf %get3A_481, %get3A_477 : vector<16xf32>
      %mul3A_500 = arith.mulf %sub3A_497, %sub3A_497 : vector<16xf32>
      %mul3A_501 = arith.mulf %sub3A_498, %sub3A_498 : vector<16xf32>
      %add3A_502 = arith.addf %mul3A_500, %mul3A_501 : vector<16xf32>
      %mul3A_503 = arith.mulf %sub3A_499, %sub3A_499 : vector<16xf32>
      %add3A_504 = arith.addf %add3A_502, %mul3A_503 : vector<16xf32>
      %select_n3A = arith.select %lt3A_2, %add3A_504, %mul3A_496 : vector<16xi1>, vector<16xf32>
      %swap3A = arith.index_cast %scan3A_459 : i32 to index
      %swap3A_505 = arith.constant 0 : index
      %swap3A_506 = tpu.vector_load %arg8[%swap3A, %swap3A_505] {strides = array<i32>} : memref<128x64xf32, #tpu.memory_space<vmem>>, vector<1x16xf32>,
      %swap3A_507 = vector.shape_cast %swap3A_506 : vector<1x16xf32> to vector<16xf32>
      %swap3A_508 = vector.shape_cast %select_n3A : vector<16xf32> to vector<1x16xf32>
      tpu.vector_store %arg8[%swap3A, %swap3A_505], %swap3A_508 {strides = array<i32>} : memref<128x64xf32, #tpu.memory_space<vmem>>, vector<1x16xf32>,
      %get3A_509 = arith.constant 0 : i32
      %get3A_510 = arith.index_cast %get3A_509 : i32 to index
      %get3A_511 = arith.index_cast %scan3A_459 : i32 to index
      %get3A_512 = arith.constant 16 : index
      %get3A_513 = tpu.vector_load %arg6[%get3A_510, %get3A_511, %get3A_512] {strides = array<i32>} : memref<3x128x128xf32, #tpu.memory_space<vmem>>, vector<1x1x16xf32>,
      %get3A_514 = vector.shape_cast %get3A_513 : vector<1x1x16xf32> to vector<16xf32>
      %get3A_515 = arith.constant 1 : i32
      %get3A_516 = arith.index_cast %get3A_515 : i32 to index
      %get3A_517 = arith.index_cast %scan3A_459 : i32 to index
      %get3A_518 = arith.constant 16 : index
      %get3A_519 = tpu.vector_load %arg6[%get3A_516, %get3A_517, %get3A_518] {strides = array<i32>} : memref<3x128x128xf32, #tpu.memory_space<vmem>>, vector<1x1x16xf32>,
      %get3A_520 = vector.shape_cast %get3A_519 : vector<1x1x16xf32> to vector<16xf32>
      %get3A_521 = arith.constant 2 : i32
      %get3A_522 = arith.index_cast %get3A_521 : i32 to index
      %get3A_523 = arith.index_cast %scan3A_459 : i32 to index
      %get3A_524 = arith.constant 16 : index
      %get3A_525 = tpu.vector_load %arg6[%get3A_522, %get3A_523, %get3A_524] {strides = array<i32>} : memref<3x128x128xf32, #tpu.memory_space<vmem>>, vector<1x1x16xf32>,
      %get3A_526 = vector.shape_cast %get3A_525 : vector<1x1x16xf32> to vector<16xf32>
      %add3A_527 = arith.addf %get3A_514, %get3A_520 : vector<16xf32>
      %add3A_528 = arith.addf %add3A_527, %get3A_526 : vector<16xf32>
      %mul3A_529 = arith.constant 0.333333343 : f32
      %mul3A_530 = vector.broadcast %mul3A_529 : f32 to vector<16xf32>
      %mul3A_531 = arith.mulf %add3A_528, %mul3A_530 : vector<16xf32>
      %sub3A_532 = arith.subf %get3A_514, %mul3A_531 : vector<16xf32>
      %sub3A_533 = arith.subf %get3A_520, %mul3A_531 : vector<16xf32>
      %sub3A_534 = arith.subf %get3A_526, %mul3A_531 : vector<16xf32>
      %mul3A_535 = arith.mulf %sub3A_532, %sub3A_532 : vector<16xf32>
      %mul3A_536 = arith.mulf %sub3A_533, %sub3A_533 : vector<16xf32>
      %add3A_537 = arith.addf %mul3A_535, %mul3A_536 : vector<16xf32>
      %mul3A_538 = arith.mulf %sub3A_534, %sub3A_534 : vector<16xf32>
      %add3A_539 = arith.addf %add3A_537, %mul3A_538 : vector<16xf32>
      %mul3A_540 = arith.constant 5.000000e-01 : f32
      %mul3A_541 = vector.broadcast %mul3A_540 : f32 to vector<16xf32>
      %mul3A_542 = arith.mulf %add3A_539, %mul3A_541 : vector<16xf32>
      %swap3A_543 = arith.index_cast %scan3A_459 : i32 to index
      %swap3A_544 = arith.constant 16 : index
      %swap3A_545 = tpu.vector_load %arg8[%swap3A_543, %swap3A_544] {strides = array<i32>} : memref<128x64xf32, #tpu.memory_space<vmem>>, vector<1x16xf32>,
      %swap3A_546 = vector.shape_cast %swap3A_545 : vector<1x16xf32> to vector<16xf32>
      %swap3A_547 = vector.shape_cast %mul3A_542 : vector<16xf32> to vector<1x16xf32>
      tpu.vector_store %arg8[%swap3A_543, %swap3A_544], %swap3A_547 {strides = array<i32>} : memref<128x64xf32, #tpu.memory_space<vmem>>, vector<1x16xf32>,
      %get3A_548 = arith.constant 0 : i32
      %get3A_549 = arith.index_cast %get3A_548 : i32 to index
      %get3A_550 = arith.index_cast %scan3A_459 : i32 to index
      %get3A_551 = arith.constant 32 : index
      %get3A_552 = tpu.vector_load %arg6[%get3A_549, %get3A_550, %get3A_551] {strides = array<i32>} : memref<3x128x128xf32, #tpu.memory_space<vmem>>, vector<1x1x16xf32>,
      %get3A_553 = vector.shape_cast %get3A_552 : vector<1x1x16xf32> to vector<16xf32>
      %get3A_554 = arith.constant 1 : i32
      %get3A_555 = arith.index_cast %get3A_554 : i32 to index
      %get3A_556 = arith.index_cast %scan3A_459 : i32 to index
      %get3A_557 = arith.constant 32 : index
      %get3A_558 = tpu.vector_load %arg6[%get3A_555, %get3A_556, %get3A_557] {strides = array<i32>} : memref<3x128x128xf32, #tpu.memory_space<vmem>>, vector<1x1x16xf32>,
      %get3A_559 = vector.shape_cast %get3A_558 : vector<1x1x16xf32> to vector<16xf32>
      %get3A_560 = arith.constant 2 : i32
      %get3A_561 = arith.index_cast %get3A_560 : i32 to index
      %get3A_562 = arith.index_cast %scan3A_459 : i32 to index
      %get3A_563 = arith.constant 32 : index
      %get3A_564 = tpu.vector_load %arg6[%get3A_561, %get3A_562, %get3A_563] {strides = array<i32>} : memref<3x128x128xf32, #tpu.memory_space<vmem>>, vector<1x1x16xf32>,
      %get3A_565 = vector.shape_cast %get3A_564 : vector<1x1x16xf32> to vector<16xf32>
      %add3A_566 = arith.addf %get3A_553, %get3A_559 : vector<16xf32>
      %add3A_567 = arith.addf %add3A_566, %get3A_565 : vector<16xf32>
      %mul3A_568 = arith.constant 0.333333343 : f32
      %mul3A_569 = vector.broadcast %mul3A_568 : f32 to vector<16xf32>
      %mul3A_570 = arith.mulf %add3A_567, %mul3A_569 : vector<16xf32>
      %sub3A_571 = arith.subf %get3A_553, %mul3A_570 : vector<16xf32>
      %sub3A_572 = arith.subf %get3A_559, %mul3A_570 : vector<16xf32>
      %sub3A_573 = arith.subf %get3A_565, %mul3A_570 : vector<16xf32>
      %mul3A_574 = arith.mulf %sub3A_571, %sub3A_571 : vector<16xf32>
      %mul3A_575 = arith.mulf %sub3A_572, %sub3A_572 : vector<16xf32>
      %add3A_576 = arith.addf %mul3A_574, %mul3A_575 : vector<16xf32>
      %mul3A_577 = arith.mulf %sub3A_573, %sub3A_573 : vector<16xf32>
      %add3A_578 = arith.addf %add3A_576, %mul3A_577 : vector<16xf32>
      %mul3A_579 = arith.constant 5.000000e-01 : f32
      %mul3A_580 = vector.broadcast %mul3A_579 : f32 to vector<16xf32>
      %mul3A_581 = arith.mulf %add3A_578, %mul3A_580 : vector<16xf32>
      %swap3A_582 = arith.index_cast %scan3A_459 : i32 to index
      %swap3A_583 = arith.constant 32 : index
      %swap3A_584 = tpu.vector_load %arg8[%swap3A_582, %swap3A_583] {strides = array<i32>} : memref<128x64xf32, #tpu.memory_space<vmem>>, vector<1x16xf32>,
      %swap3A_585 = vector.shape_cast %swap3A_584 : vector<1x16xf32> to vector<16xf32>
      %swap3A_586 = vector.shape_cast %mul3A_581 : vector<16xf32> to vector<1x16xf32>
      tpu.vector_store %arg8[%swap3A_582, %swap3A_583], %swap3A_586 {strides = array<i32>} : memref<128x64xf32, #tpu.memory_space<vmem>>, vector<1x16xf32>,
      %get3A_587 = arith.constant 0 : i32
      %get3A_588 = arith.index_cast %get3A_587 : i32 to index
      %get3A_589 = arith.index_cast %scan3A_459 : i32 to index
      %get3A_590 = arith.constant 48 : index
      %get3A_591 = tpu.vector_load %arg6[%get3A_588, %get3A_589, %get3A_590] {strides = array<i32>} : memref<3x128x128xf32, #tpu.memory_space<vmem>>, vector<1x1x16xf32>,
      %get3A_592 = vector.shape_cast %get3A_591 : vector<1x1x16xf32> to vector<16xf32>
      %get3A_593 = arith.constant 1 : i32
      %get3A_594 = arith.index_cast %get3A_593 : i32 to index
      %get3A_595 = arith.index_cast %scan3A_459 : i32 to index
      %get3A_596 = arith.constant 48 : index
      %get3A_597 = tpu.vector_load %arg6[%get3A_594, %get3A_595, %get3A_596] {strides = array<i32>} : memref<3x128x128xf32, #tpu.memory_space<vmem>>, vector<1x1x16xf32>,
      %get3A_598 = vector.shape_cast %get3A_597 : vector<1x1x16xf32> to vector<16xf32>
      %get3A_599 = arith.constant 2 : i32
      %get3A_600 = arith.index_cast %get3A_599 : i32 to index
      %get3A_601 = arith.index_cast %scan3A_459 : i32 to index
      %get3A_602 = arith.constant 48 : index
      %get3A_603 = tpu.vector_load %arg6[%get3A_600, %get3A_601, %get3A_602] {strides = array<i32>} : memref<3x128x128xf32, #tpu.memory_space<vmem>>, vector<1x1x16xf32>,
      %get3A_604 = vector.shape_cast %get3A_603 : vector<1x1x16xf32> to vector<16xf32>
      %add3A_605 = arith.addf %get3A_592, %get3A_598 : vector<16xf32>
      %add3A_606 = arith.addf %add3A_605, %get3A_604 : vector<16xf32>
      %mul3A_607 = arith.constant 0.333333343 : f32
      %mul3A_608 = vector.broadcast %mul3A_607 : f32 to vector<16xf32>
      %mul3A_609 = arith.mulf %add3A_606, %mul3A_608 : vector<16xf32>
      %sub3A_610 = arith.subf %get3A_592, %mul3A_609 : vector<16xf32>
      %sub3A_611 = arith.subf %get3A_598, %mul3A_609 : vector<16xf32>
      %sub3A_612 = arith.subf %get3A_604, %mul3A_609 : vector<16xf32>
      %mul3A_613 = arith.mulf %sub3A_610, %sub3A_610 : vector<16xf32>
      %mul3A_614 = arith.mulf %sub3A_611, %sub3A_611 : vector<16xf32>
      %add3A_615 = arith.addf %mul3A_613, %mul3A_614 : vector<16xf32>
      %mul3A_616 = arith.mulf %sub3A_612, %sub3A_612 : vector<16xf32>
      %add3A_617 = arith.addf %add3A_615, %mul3A_616 : vector<16xf32>
      %mul3A_618 = arith.constant 5.000000e-01 : f32
      %mul3A_619 = vector.broadcast %mul3A_618 : f32 to vector<16xf32>
      %mul3A_620 = arith.mulf %add3A_617, %mul3A_619 : vector<16xf32>
      %swap3A_621 = arith.index_cast %scan3A_459 : i32 to index
      %swap3A_622 = arith.constant 48 : index
      %swap3A_623 = tpu.vector_load %arg8[%swap3A_621, %swap3A_622] {strides = array<i32>} : memref<128x64xf32, #tpu.memory_space<vmem>>, vector<1x16xf32>,
      %swap3A_624 = vector.shape_cast %swap3A_623 : vector<1x16xf32> to vector<16xf32>
      %swap3A_625 = vector.shape_cast %mul3A_620 : vector<16xf32> to vector<1x16xf32>
      tpu.vector_store %arg8[%swap3A_621, %swap3A_622], %swap3A_625 {strides = array<i32>} : memref<128x64xf32, #tpu.memory_space<vmem>>, vector<1x16xf32>,
      %scan3A_626 = arith.constant 0 : i32
      scf.yield %scan3A_626 : i32
    }
    %scan3A_366 = arith.constant 128 : i32
    "tpu.region"() ({
      %run_scoped3A_459 = tpu.sem_alloc : memref<!tpu.dma_semaphore, #tpu.memory_space<semaphore_mem>>
      %dma_start3A_460 = arith.constant 0 : i32
      %dma_start3A_461 = tpu.memref_slice %arg4[%add3A_278, %dma_start3A_460] : memref<20480x64xf32, #tpu.memory_space<hbm>> -> memref<128x64xf32, #tpu.memory_space<hbm>>
      %dma_start3A_462 = arith.constant 0 : i32
      %dma_start3A_463 = tpu.memref_slice %arg4[%add3A_278, %dma_start3A_462] : memref<20480x64xf32, #tpu.memory_space<hbm>> -> memref<128x64xf32, #tpu.memory_space<hbm>>
      tpu.enqueue_dma source(%arg8 : memref<128x64xf32, #tpu.memory_space<vmem>>) target(%dma_start3A_463 : memref<128x64xf32, #tpu.memory_space<hbm>>) target_semaphore(%run_scoped3A_459 : memref<!tpu.dma_semaphore, #tpu.memory_space<semaphore_mem>>)
      %dma_wait3A_464 = arith.constant 0 : i32
      %dma_wait3A_465 = tpu.memref_slice %arg4[%add3A_278, %dma_wait3A_464] : memref<20480x64xf32, #tpu.memory_space<hbm>> -> memref<128x64xf32, #tpu.memory_space<hbm>>
      %dma_wait3A_466 = arith.constant 0 : i32
      %dma_wait3A_467 = tpu.memref_slice %arg4[%add3A_278, %dma_wait3A_466] : memref<20480x64xf32, #tpu.memory_space<hbm>> -> memref<128x64xf32, #tpu.memory_space<hbm>>
      tpu.wait_dma2 semaphore(%run_scoped3A_459 : memref<!tpu.dma_semaphore, #tpu.memory_space<semaphore_mem>>) src(%arg8 : memref<128x64xf32, #tpu.memory_space<vmem>>) dst(%dma_wait3A_467 : memref<128x64xf32, #tpu.memory_space<hbm>>)
      tpu.yield
    }) : () -> ()
    %mul3A_367 = arith.constant 640 : i32
    %mul3A_368 = arith.muli %add3A, %mul3A_367 : i32
    %add3A_369 = arith.constant 512 : i32
    %add3A_370 = arith.addi %mul3A_368, %add3A_369 : i32
    %add3A_371 = arith.constant 0 : i32
    %add3A_372 = arith.addi %add3A_371, %add3A_370 : i32
    %run_scoped3A_373 = arith.constant 0 : i32
    "tpu.region"() ({
      %run_scoped3A_459 = tpu.sem_alloc : memref<!tpu.dma_semaphore, #tpu.memory_space<semaphore_mem>>
      %dma_start3A_460 = arith.constant 0 : i32
      %dma_start3A_461 = tpu.memref_slice %arg5[%run_scoped3A_373, %dma_start3A_460] : memref<3x128xi32, #tpu.memory_space<vmem>> -> memref<1x128xi32, #tpu.memory_space<vmem>>
      %dma_start3A_462 = tpu.memref_squeeze %dma_start3A_461 : memref<1x128xi32, #tpu.memory_space<vmem>> -> memref<128xi32, #tpu.memory_space<vmem>>
      %dma_start3A_463 = tpu.memref_slice %arg3[%add3A_372] : memref<61440xi32, #tpu.memory_space<hbm>> -> memref<128xi32, #tpu.memory_space<hbm>>
      %dma_start3A_464 = arith.constant 0 : i32
      %dma_start3A_465 = tpu.memref_slice %arg5[%run_scoped3A_373, %dma_start3A_464] : memref<3x128xi32, #tpu.memory_space<vmem>> -> memref<1x128xi32, #tpu.memory_space<vmem>>
      %dma_start3A_466 = tpu.memref_squeeze %dma_start3A_465 : memref<1x128xi32, #tpu.memory_space<vmem>> -> memref<128xi32, #tpu.memory_space<vmem>>
      %dma_start3A_467 = tpu.memref_slice %arg3[%add3A_372] : memref<61440xi32, #tpu.memory_space<hbm>> -> memref<128xi32, #tpu.memory_space<hbm>>
      tpu.enqueue_dma source(%dma_start3A_467 : memref<128xi32, #tpu.memory_space<hbm>>) target(%dma_start3A_466 : memref<128xi32, #tpu.memory_space<vmem>>) target_semaphore(%run_scoped3A_459 : memref<!tpu.dma_semaphore, #tpu.memory_space<semaphore_mem>>)
      %dma_wait3A_468 = arith.constant 0 : i32
      %dma_wait3A_469 = tpu.memref_slice %arg5[%run_scoped3A_373, %dma_wait3A_468] : memref<3x128xi32, #tpu.memory_space<vmem>> -> memref<1x128xi32, #tpu.memory_space<vmem>>
      %dma_wait3A_470 = tpu.memref_squeeze %dma_wait3A_469 : memref<1x128xi32, #tpu.memory_space<vmem>> -> memref<128xi32, #tpu.memory_space<vmem>>
      %dma_wait3A_471 = tpu.memref_slice %arg3[%add3A_372] : memref<61440xi32, #tpu.memory_space<hbm>> -> memref<128xi32, #tpu.memory_space<hbm>>
      %dma_wait3A_472 = arith.constant 0 : i32
      %dma_wait3A_473 = tpu.memref_slice %arg5[%run_scoped3A_373, %dma_wait3A_472] : memref<3x128xi32, #tpu.memory_space<vmem>> -> memref<1x128xi32, #tpu.memory_space<vmem>>
      %dma_wait3A_474 = tpu.memref_squeeze %dma_wait3A_473 : memref<1x128xi32, #tpu.memory_space<vmem>> -> memref<128xi32, #tpu.memory_space<vmem>>
      %dma_wait3A_475 = tpu.memref_slice %arg3[%add3A_372] : memref<61440xi32, #tpu.memory_space<hbm>> -> memref<128xi32, #tpu.memory_space<hbm>>
      tpu.wait_dma2 semaphore(%run_scoped3A_459 : memref<!tpu.dma_semaphore, #tpu.memory_space<semaphore_mem>>) src(%dma_wait3A_475 : memref<128xi32, #tpu.memory_space<hbm>>) dst(%dma_wait3A_474 : memref<128xi32, #tpu.memory_space<vmem>>)
      tpu.yield
    }) : () -> ()
    %add3A_374 = arith.constant 20480 : i32
    %add3A_375 = arith.addi %add3A_374, %add3A_370 : i32
    %run_scoped3A_376 = arith.constant 1 : i32
    "tpu.region"() ({
      %run_scoped3A_459 = tpu.sem_alloc : memref<!tpu.dma_semaphore, #tpu.memory_space<semaphore_mem>>
      %dma_start3A_460 = arith.constant 0 : i32
      %dma_start3A_461 = tpu.memref_slice %arg5[%run_scoped3A_376, %dma_start3A_460] : memref<3x128xi32, #tpu.memory_space<vmem>> -> memref<1x128xi32, #tpu.memory_space<vmem>>
      %dma_start3A_462 = tpu.memref_squeeze %dma_start3A_461 : memref<1x128xi32, #tpu.memory_space<vmem>> -> memref<128xi32, #tpu.memory_space<vmem>>
      %dma_start3A_463 = tpu.memref_slice %arg3[%add3A_375] : memref<61440xi32, #tpu.memory_space<hbm>> -> memref<128xi32, #tpu.memory_space<hbm>>
      %dma_start3A_464 = arith.constant 0 : i32
      %dma_start3A_465 = tpu.memref_slice %arg5[%run_scoped3A_376, %dma_start3A_464] : memref<3x128xi32, #tpu.memory_space<vmem>> -> memref<1x128xi32, #tpu.memory_space<vmem>>
      %dma_start3A_466 = tpu.memref_squeeze %dma_start3A_465 : memref<1x128xi32, #tpu.memory_space<vmem>> -> memref<128xi32, #tpu.memory_space<vmem>>
      %dma_start3A_467 = tpu.memref_slice %arg3[%add3A_375] : memref<61440xi32, #tpu.memory_space<hbm>> -> memref<128xi32, #tpu.memory_space<hbm>>
      tpu.enqueue_dma source(%dma_start3A_467 : memref<128xi32, #tpu.memory_space<hbm>>) target(%dma_start3A_466 : memref<128xi32, #tpu.memory_space<vmem>>) target_semaphore(%run_scoped3A_459 : memref<!tpu.dma_semaphore, #tpu.memory_space<semaphore_mem>>)
      %dma_wait3A_468 = arith.constant 0 : i32
      %dma_wait3A_469 = tpu.memref_slice %arg5[%run_scoped3A_376, %dma_wait3A_468] : memref<3x128xi32, #tpu.memory_space<vmem>> -> memref<1x128xi32, #tpu.memory_space<vmem>>
      %dma_wait3A_470 = tpu.memref_squeeze %dma_wait3A_469 : memref<1x128xi32, #tpu.memory_space<vmem>> -> memref<128xi32, #tpu.memory_space<vmem>>
      %dma_wait3A_471 = tpu.memref_slice %arg3[%add3A_375] : memref<61440xi32, #tpu.memory_space<hbm>> -> memref<128xi32, #tpu.memory_space<hbm>>
      %dma_wait3A_472 = arith.constant 0 : i32
      %dma_wait3A_473 = tpu.memref_slice %arg5[%run_scoped3A_376, %dma_wait3A_472] : memref<3x128xi32, #tpu.memory_space<vmem>> -> memref<1x128xi32, #tpu.memory_space<vmem>>
      %dma_wait3A_474 = tpu.memref_squeeze %dma_wait3A_473 : memref<1x128xi32, #tpu.memory_space<vmem>> -> memref<128xi32, #tpu.memory_space<vmem>>
      %dma_wait3A_475 = tpu.memref_slice %arg3[%add3A_375] : memref<61440xi32, #tpu.memory_space<hbm>> -> memref<128xi32, #tpu.memory_space<hbm>>
      tpu.wait_dma2 semaphore(%run_scoped3A_459 : memref<!tpu.dma_semaphore, #tpu.memory_space<semaphore_mem>>) src(%dma_wait3A_475 : memref<128xi32, #tpu.memory_space<hbm>>) dst(%dma_wait3A_474 : memref<128xi32, #tpu.memory_space<vmem>>)
      tpu.yield
    }) : () -> ()
    %add3A_377 = arith.constant 40960 : i32
    %add3A_378 = arith.addi %add3A_377, %add3A_370 : i32
    %run_scoped3A_379 = arith.constant 2 : i32
    "tpu.region"() ({
      %run_scoped3A_459 = tpu.sem_alloc : memref<!tpu.dma_semaphore, #tpu.memory_space<semaphore_mem>>
      %dma_start3A_460 = arith.constant 0 : i32
      %dma_start3A_461 = tpu.memref_slice %arg5[%run_scoped3A_379, %dma_start3A_460] : memref<3x128xi32, #tpu.memory_space<vmem>> -> memref<1x128xi32, #tpu.memory_space<vmem>>
      %dma_start3A_462 = tpu.memref_squeeze %dma_start3A_461 : memref<1x128xi32, #tpu.memory_space<vmem>> -> memref<128xi32, #tpu.memory_space<vmem>>
      %dma_start3A_463 = tpu.memref_slice %arg3[%add3A_378] : memref<61440xi32, #tpu.memory_space<hbm>> -> memref<128xi32, #tpu.memory_space<hbm>>
      %dma_start3A_464 = arith.constant 0 : i32
      %dma_start3A_465 = tpu.memref_slice %arg5[%run_scoped3A_379, %dma_start3A_464] : memref<3x128xi32, #tpu.memory_space<vmem>> -> memref<1x128xi32, #tpu.memory_space<vmem>>
      %dma_start3A_466 = tpu.memref_squeeze %dma_start3A_465 : memref<1x128xi32, #tpu.memory_space<vmem>> -> memref<128xi32, #tpu.memory_space<vmem>>
      %dma_start3A_467 = tpu.memref_slice %arg3[%add3A_378] : memref<61440xi32, #tpu.memory_space<hbm>> -> memref<128xi32, #tpu.memory_space<hbm>>
      tpu.enqueue_dma source(%dma_start3A_467 : memref<128xi32, #tpu.memory_space<hbm>>) target(%dma_start3A_466 : memref<128xi32, #tpu.memory_space<vmem>>) target_semaphore(%run_scoped3A_459 : memref<!tpu.dma_semaphore, #tpu.memory_space<semaphore_mem>>)
      %dma_wait3A_468 = arith.constant 0 : i32
      %dma_wait3A_469 = tpu.memref_slice %arg5[%run_scoped3A_379, %dma_wait3A_468] : memref<3x128xi32, #tpu.memory_space<vmem>> -> memref<1x128xi32, #tpu.memory_space<vmem>>
      %dma_wait3A_470 = tpu.memref_squeeze %dma_wait3A_469 : memref<1x128xi32, #tpu.memory_space<vmem>> -> memref<128xi32, #tpu.memory_space<vmem>>
      %dma_wait3A_471 = tpu.memref_slice %arg3[%add3A_378] : memref<61440xi32, #tpu.memory_space<hbm>> -> memref<128xi32, #tpu.memory_space<hbm>>
      %dma_wait3A_472 = arith.constant 0 : i32
      %dma_wait3A_473 = tpu.memref_slice %arg5[%run_scoped3A_379, %dma_wait3A_472] : memref<3x128xi32, #tpu.memory_space<vmem>> -> memref<1x128xi32, #tpu.memory_space<vmem>>
      %dma_wait3A_474 = tpu.memref_squeeze %dma_wait3A_473 : memref<1x128xi32, #tpu.memory_space<vmem>> -> memref<128xi32, #tpu.memory_space<vmem>>
      %dma_wait3A_475 = tpu.memref_slice %arg3[%add3A_378] : memref<61440xi32, #tpu.memory_space<hbm>> -> memref<128xi32, #tpu.memory_space<hbm>>
      tpu.wait_dma2 semaphore(%run_scoped3A_459 : memref<!tpu.dma_semaphore, #tpu.memory_space<semaphore_mem>>) src(%dma_wait3A_475 : memref<128xi32, #tpu.memory_space<hbm>>) dst(%dma_wait3A_474 : memref<128xi32, #tpu.memory_space<vmem>>)
      tpu.yield
    }) : () -> ()
    %dma_start3A_380 = arith.constant 0 : i32
    %dma_start3A_381 = arith.constant 0 : i32
    %dma_start3A_382 = arith.constant 0 : i32
    %dma_start3A_383 = arith.constant 0 : i32
    %dma_start3A_384 = tpu.memref_slice %arg6[%dma_start3A_381, %dma_start3A_382, %dma_start3A_383] : memref<3x128x128xf32, #tpu.memory_space<vmem>> -> memref<1x128x128xf32, #tpu.memory_space<vmem>>
    %dma_start3A_385 = tpu.memref_squeeze %dma_start3A_384 : memref<1x128x128xf32, #tpu.memory_space<vmem>> -> memref<128x128xf32, #tpu.memory_space<vmem>>
    %dma_start3A_386 = arith.constant 0 : i32
    %dma_start3A_387 = tpu.memref_slice %arg5[%dma_start3A_380, %dma_start3A_386] : memref<3x128xi32, #tpu.memory_space<vmem>> -> memref<1x128xi32, #tpu.memory_space<vmem>>
    %dma_start3A_388 = tpu.memref_squeeze %dma_start3A_387 : memref<1x128xi32, #tpu.memory_space<vmem>> -> memref<128xi32, #tpu.memory_space<vmem>>
    %dma_start3A_389 = arith.constant 0 : i32
    %dma_start3A_390 = arith.constant 0 : i32
    %dma_start3A_391 = tpu.memref_slice %arg2[%dma_start3A_389, %dma_start3A_390] : memref<20480x128xf32, #tpu.memory_space<hbm>> -> memref<20480x128xf32, #tpu.memory_space<hbm>>
    tpu.enqueue_indirect_dma source(%dma_start3A_391 : memref<20480x128xf32, #tpu.memory_space<hbm>>) target(%dma_start3A_385 : memref<128x128xf32, #tpu.memory_space<vmem>>) offsets(%dma_start3A_388 : memref<128xi32, #tpu.memory_space<vmem>>) semaphore(%arg9 : memref<!tpu.dma_semaphore, #tpu.memory_space<semaphore_mem>>)
    %dma_start3A_392 = arith.constant 1 : i32
    %dma_start3A_393 = arith.constant 1 : i32
    %dma_start3A_394 = arith.constant 0 : i32
    %dma_start3A_395 = arith.constant 0 : i32
    %dma_start3A_396 = tpu.memref_slice %arg6[%dma_start3A_393, %dma_start3A_394, %dma_start3A_395] : memref<3x128x128xf32, #tpu.memory_space<vmem>> -> memref<1x128x128xf32, #tpu.memory_space<vmem>>
    %dma_start3A_397 = tpu.memref_squeeze %dma_start3A_396 : memref<1x128x128xf32, #tpu.memory_space<vmem>> -> memref<128x128xf32, #tpu.memory_space<vmem>>
    %dma_start3A_398 = arith.constant 0 : i32
    %dma_start3A_399 = tpu.memref_slice %arg5[%dma_start3A_392, %dma_start3A_398] : memref<3x128xi32, #tpu.memory_space<vmem>> -> memref<1x128xi32, #tpu.memory_space<vmem>>
    %dma_start3A_400 = tpu.memref_squeeze %dma_start3A_399 : memref<1x128xi32, #tpu.memory_space<vmem>> -> memref<128xi32, #tpu.memory_space<vmem>>
    %dma_start3A_401 = arith.constant 0 : i32
    %dma_start3A_402 = arith.constant 0 : i32
    %dma_start3A_403 = tpu.memref_slice %arg2[%dma_start3A_401, %dma_start3A_402] : memref<20480x128xf32, #tpu.memory_space<hbm>> -> memref<20480x128xf32, #tpu.memory_space<hbm>>
    tpu.enqueue_indirect_dma source(%dma_start3A_403 : memref<20480x128xf32, #tpu.memory_space<hbm>>) target(%dma_start3A_397 : memref<128x128xf32, #tpu.memory_space<vmem>>) offsets(%dma_start3A_400 : memref<128xi32, #tpu.memory_space<vmem>>) semaphore(%arg9 : memref<!tpu.dma_semaphore, #tpu.memory_space<semaphore_mem>>)
    %dma_start3A_404 = arith.constant 2 : i32
    %dma_start3A_405 = arith.constant 2 : i32
    %dma_start3A_406 = arith.constant 0 : i32
    %dma_start3A_407 = arith.constant 0 : i32
    %dma_start3A_408 = tpu.memref_slice %arg6[%dma_start3A_405, %dma_start3A_406, %dma_start3A_407] : memref<3x128x128xf32, #tpu.memory_space<vmem>> -> memref<1x128x128xf32, #tpu.memory_space<vmem>>
    %dma_start3A_409 = tpu.memref_squeeze %dma_start3A_408 : memref<1x128x128xf32, #tpu.memory_space<vmem>> -> memref<128x128xf32, #tpu.memory_space<vmem>>
    %dma_start3A_410 = arith.constant 0 : i32
    %dma_start3A_411 = tpu.memref_slice %arg5[%dma_start3A_404, %dma_start3A_410] : memref<3x128xi32, #tpu.memory_space<vmem>> -> memref<1x128xi32, #tpu.memory_space<vmem>>
    %dma_start3A_412 = tpu.memref_squeeze %dma_start3A_411 : memref<1x128xi32, #tpu.memory_space<vmem>> -> memref<128xi32, #tpu.memory_space<vmem>>
    %dma_start3A_413 = arith.constant 0 : i32
    %dma_start3A_414 = arith.constant 0 : i32
    %dma_start3A_415 = tpu.memref_slice %arg2[%dma_start3A_413, %dma_start3A_414] : memref<20480x128xf32, #tpu.memory_space<hbm>> -> memref<20480x128xf32, #tpu.memory_space<hbm>>
    tpu.enqueue_indirect_dma source(%dma_start3A_415 : memref<20480x128xf32, #tpu.memory_space<hbm>>) target(%dma_start3A_409 : memref<128x128xf32, #tpu.memory_space<vmem>>) offsets(%dma_start3A_412 : memref<128xi32, #tpu.memory_space<vmem>>) semaphore(%arg9 : memref<!tpu.dma_semaphore, #tpu.memory_space<semaphore_mem>>)
    "tpu.region"() ({
      %run_scoped3A_459 = tpu.sem_alloc : memref<!tpu.dma_semaphore, #tpu.memory_space<semaphore_mem>>
      %dma_start3A_460 = arith.constant 0 : i32
      %dma_start3A_461 = tpu.memref_slice %arg2[%add3A_370, %dma_start3A_460] : memref<20480x128xf32, #tpu.memory_space<hbm>> -> memref<128x128xf32, #tpu.memory_space<hbm>>
      %dma_start3A_462 = arith.constant 0 : i32
      %dma_start3A_463 = tpu.memref_slice %arg2[%add3A_370, %dma_start3A_462] : memref<20480x128xf32, #tpu.memory_space<hbm>> -> memref<128x128xf32, #tpu.memory_space<hbm>>
      tpu.enqueue_dma source(%dma_start3A_463 : memref<128x128xf32, #tpu.memory_space<hbm>>) target(%arg7 : memref<128x128xf32, #tpu.memory_space<vmem>>) target_semaphore(%run_scoped3A_459 : memref<!tpu.dma_semaphore, #tpu.memory_space<semaphore_mem>>)
      %dma_wait3A_464 = arith.constant 0 : i32
      %dma_wait3A_465 = tpu.memref_slice %arg2[%add3A_370, %dma_wait3A_464] : memref<20480x128xf32, #tpu.memory_space<hbm>> -> memref<128x128xf32, #tpu.memory_space<hbm>>
      %dma_wait3A_466 = arith.constant 0 : i32
      %dma_wait3A_467 = tpu.memref_slice %arg2[%add3A_370, %dma_wait3A_466] : memref<20480x128xf32, #tpu.memory_space<hbm>> -> memref<128x128xf32, #tpu.memory_space<hbm>>
      tpu.wait_dma2 semaphore(%run_scoped3A_459 : memref<!tpu.dma_semaphore, #tpu.memory_space<semaphore_mem>>) src(%dma_wait3A_467 : memref<128x128xf32, #tpu.memory_space<hbm>>) dst(%arg7 : memref<128x128xf32, #tpu.memory_space<vmem>>)
      tpu.yield
    }) : () -> ()
    %dma_wait3A_416 = arith.constant 0 : i32
    %dma_wait3A_417 = arith.constant 0 : i32
    %dma_wait3A_418 = arith.constant 0 : i32
    %dma_wait3A_419 = arith.constant 0 : i32
    %dma_wait3A_420 = tpu.memref_slice %arg6[%dma_wait3A_417, %dma_wait3A_418, %dma_wait3A_419] : memref<3x128x128xf32, #tpu.memory_space<vmem>> -> memref<1x128x128xf32, #tpu.memory_space<vmem>>
    %dma_wait3A_421 = tpu.memref_squeeze %dma_wait3A_420 : memref<1x128x128xf32, #tpu.memory_space<vmem>> -> memref<128x128xf32, #tpu.memory_space<vmem>>
    %dma_wait3A_422 = arith.constant 0 : i32
    %dma_wait3A_423 = tpu.memref_slice %arg5[%dma_wait3A_416, %dma_wait3A_422] : memref<3x128xi32, #tpu.memory_space<vmem>> -> memref<1x128xi32, #tpu.memory_space<vmem>>
    %dma_wait3A_424 = tpu.memref_squeeze %dma_wait3A_423 : memref<1x128xi32, #tpu.memory_space<vmem>> -> memref<128xi32, #tpu.memory_space<vmem>>
    %dma_wait3A_425 = arith.constant 0 : i32
    %dma_wait3A_426 = arith.constant 0 : i32
    %dma_wait3A_427 = tpu.memref_slice %arg2[%dma_wait3A_425, %dma_wait3A_426] : memref<20480x128xf32, #tpu.memory_space<hbm>> -> memref<20480x128xf32, #tpu.memory_space<hbm>>
    tpu.wait_indirect_dma semaphore(%arg9 : memref<!tpu.dma_semaphore, #tpu.memory_space<semaphore_mem>>) src(%dma_wait3A_427 : memref<20480x128xf32, #tpu.memory_space<hbm>>) dst(%dma_wait3A_421 : memref<128x128xf32, #tpu.memory_space<vmem>>)
    %dma_wait3A_428 = arith.constant 1 : i32
    %dma_wait3A_429 = arith.constant 1 : i32
    %dma_wait3A_430 = arith.constant 0 : i32
    %dma_wait3A_431 = arith.constant 0 : i32
    %dma_wait3A_432 = tpu.memref_slice %arg6[%dma_wait3A_429, %dma_wait3A_430, %dma_wait3A_431] : memref<3x128x128xf32, #tpu.memory_space<vmem>> -> memref<1x128x128xf32, #tpu.memory_space<vmem>>
    %dma_wait3A_433 = tpu.memref_squeeze %dma_wait3A_432 : memref<1x128x128xf32, #tpu.memory_space<vmem>> -> memref<128x128xf32, #tpu.memory_space<vmem>>
    %dma_wait3A_434 = arith.constant 0 : i32
    %dma_wait3A_435 = tpu.memref_slice %arg5[%dma_wait3A_428, %dma_wait3A_434] : memref<3x128xi32, #tpu.memory_space<vmem>> -> memref<1x128xi32, #tpu.memory_space<vmem>>
    %dma_wait3A_436 = tpu.memref_squeeze %dma_wait3A_435 : memref<1x128xi32, #tpu.memory_space<vmem>> -> memref<128xi32, #tpu.memory_space<vmem>>
    %dma_wait3A_437 = arith.constant 0 : i32
    %dma_wait3A_438 = arith.constant 0 : i32
    %dma_wait3A_439 = tpu.memref_slice %arg2[%dma_wait3A_437, %dma_wait3A_438] : memref<20480x128xf32, #tpu.memory_space<hbm>> -> memref<20480x128xf32, #tpu.memory_space<hbm>>
    tpu.wait_indirect_dma semaphore(%arg9 : memref<!tpu.dma_semaphore, #tpu.memory_space<semaphore_mem>>) src(%dma_wait3A_439 : memref<20480x128xf32, #tpu.memory_space<hbm>>) dst(%dma_wait3A_433 : memref<128x128xf32, #tpu.memory_space<vmem>>)
    %dma_wait3A_440 = arith.constant 2 : i32
    %dma_wait3A_441 = arith.constant 2 : i32
    %dma_wait3A_442 = arith.constant 0 : i32
    %dma_wait3A_443 = arith.constant 0 : i32
    %dma_wait3A_444 = tpu.memref_slice %arg6[%dma_wait3A_441, %dma_wait3A_442, %dma_wait3A_443] : memref<3x128x128xf32, #tpu.memory_space<vmem>> -> memref<1x128x128xf32, #tpu.memory_space<vmem>>
    %dma_wait3A_445 = tpu.memref_squeeze %dma_wait3A_444 : memref<1x128x128xf32, #tpu.memory_space<vmem>> -> memref<128x128xf32, #tpu.memory_space<vmem>>
    %dma_wait3A_446 = arith.constant 0 : i32
    %dma_wait3A_447 = tpu.memref_slice %arg5[%dma_wait3A_440, %dma_wait3A_446] : memref<3x128xi32, #tpu.memory_space<vmem>> -> memref<1x128xi32, #tpu.memory_space<vmem>>
    %dma_wait3A_448 = tpu.memref_squeeze %dma_wait3A_447 : memref<1x128xi32, #tpu.memory_space<vmem>> -> memref<128xi32, #tpu.memory_space<vmem>>
    %dma_wait3A_449 = arith.constant 0 : i32
    %dma_wait3A_450 = arith.constant 0 : i32
    %dma_wait3A_451 = tpu.memref_slice %arg2[%dma_wait3A_449, %dma_wait3A_450] : memref<20480x128xf32, #tpu.memory_space<hbm>> -> memref<20480x128xf32, #tpu.memory_space<hbm>>
    tpu.wait_indirect_dma semaphore(%arg9 : memref<!tpu.dma_semaphore, #tpu.memory_space<semaphore_mem>>) src(%dma_wait3A_451 : memref<20480x128xf32, #tpu.memory_space<hbm>>) dst(%dma_wait3A_445 : memref<128x128xf32, #tpu.memory_space<vmem>>)
    %scan3A_452 = arith.constant 0 : i32
    %scan3A_453 = arith.constant 0 : i32
    %scan3A_454 = arith.constant 128 : i32
    %scan3A_455 = arith.addi %scan3A_453, %scan3A_454 : i32
    %scan3A_456 = arith.constant 1 : i32
    %scan3A_457 = scf.for %scan3A_459 = %scan3A_453 to %scan3A_455 step %scan3A_456 iter_args(%scan3A_460 = %scan3A_452) -> (i32)  : i32 {
      %get3A = arith.constant 0 : i32
      %get3A_461 = arith.index_cast %get3A : i32 to index
      %get3A_462 = arith.index_cast %scan3A_459 : i32 to index
      %get3A_463 = arith.constant 0 : index
      %get3A_464 = tpu.vector_load %arg6[%get3A_461, %get3A_462, %get3A_463] {strides = array<i32>} : memref<3x128x128xf32, #tpu.memory_space<vmem>>, vector<1x1x16xf32>,
      %get3A_465 = vector.shape_cast %get3A_464 : vector<1x1x16xf32> to vector<16xf32>
      %get3A_466 = arith.constant 1 : i32
      %get3A_467 = arith.index_cast %get3A_466 : i32 to index
      %get3A_468 = arith.index_cast %scan3A_459 : i32 to index
      %get3A_469 = arith.constant 0 : index
      %get3A_470 = tpu.vector_load %arg6[%get3A_467, %get3A_468, %get3A_469] {strides = array<i32>} : memref<3x128x128xf32, #tpu.memory_space<vmem>>, vector<1x1x16xf32>,
      %get3A_471 = vector.shape_cast %get3A_470 : vector<1x1x16xf32> to vector<16xf32>
      %get3A_472 = arith.constant 2 : i32
      %get3A_473 = arith.index_cast %get3A_472 : i32 to index
      %get3A_474 = arith.index_cast %scan3A_459 : i32 to index
      %get3A_475 = arith.constant 0 : index
      %get3A_476 = tpu.vector_load %arg6[%get3A_473, %get3A_474, %get3A_475] {strides = array<i32>} : memref<3x128x128xf32, #tpu.memory_space<vmem>>, vector<1x1x16xf32>,
      %get3A_477 = vector.shape_cast %get3A_476 : vector<1x1x16xf32> to vector<16xf32>
      %get3A_478 = arith.index_cast %scan3A_459 : i32 to index
      %get3A_479 = arith.constant 0 : index
      %get3A_480 = tpu.vector_load %arg7[%get3A_478, %get3A_479] {strides = array<i32>} : memref<128x128xf32, #tpu.memory_space<vmem>>, vector<1x16xf32>,
      %get3A_481 = vector.shape_cast %get3A_480 : vector<1x16xf32> to vector<16xf32>
      %add3A_482 = arith.addf %get3A_465, %get3A_471 : vector<16xf32>
      %add3A_483 = arith.addf %add3A_482, %get3A_477 : vector<16xf32>
      %mul3A_484 = arith.constant 0.333333343 : f32
      %mul3A_485 = vector.broadcast %mul3A_484 : f32 to vector<16xf32>
      %mul3A_486 = arith.mulf %add3A_483, %mul3A_485 : vector<16xf32>
      %sub3A = arith.subf %get3A_465, %mul3A_486 : vector<16xf32>
      %sub3A_487 = arith.subf %get3A_471, %mul3A_486 : vector<16xf32>
      %sub3A_488 = arith.subf %get3A_477, %mul3A_486 : vector<16xf32>
      %mul3A_489 = arith.mulf %sub3A, %sub3A : vector<16xf32>
      %mul3A_490 = arith.mulf %sub3A_487, %sub3A_487 : vector<16xf32>
      %add3A_491 = arith.addf %mul3A_489, %mul3A_490 : vector<16xf32>
      %mul3A_492 = arith.mulf %sub3A_488, %sub3A_488 : vector<16xf32>
      %add3A_493 = arith.addf %add3A_491, %mul3A_492 : vector<16xf32>
      %mul3A_494 = arith.constant 5.000000e-01 : f32
      %mul3A_495 = vector.broadcast %mul3A_494 : f32 to vector<16xf32>
      %mul3A_496 = arith.mulf %add3A_493, %mul3A_495 : vector<16xf32>
      %sub3A_497 = arith.subf %get3A_481, %get3A_465 : vector<16xf32>
      %sub3A_498 = arith.subf %get3A_481, %get3A_471 : vector<16xf32>
      %sub3A_499 = arith.subf %get3A_481, %get3A_477 : vector<16xf32>
      %mul3A_500 = arith.mulf %sub3A_497, %sub3A_497 : vector<16xf32>
      %mul3A_501 = arith.mulf %sub3A_498, %sub3A_498 : vector<16xf32>
      %add3A_502 = arith.addf %mul3A_500, %mul3A_501 : vector<16xf32>
      %mul3A_503 = arith.mulf %sub3A_499, %sub3A_499 : vector<16xf32>
      %add3A_504 = arith.addf %add3A_502, %mul3A_503 : vector<16xf32>
      %select_n3A = arith.select %lt3A_2, %add3A_504, %mul3A_496 : vector<16xi1>, vector<16xf32>
      %swap3A = arith.index_cast %scan3A_459 : i32 to index
      %swap3A_505 = arith.constant 0 : index
      %swap3A_506 = tpu.vector_load %arg8[%swap3A, %swap3A_505] {strides = array<i32>} : memref<128x64xf32, #tpu.memory_space<vmem>>, vector<1x16xf32>,
      %swap3A_507 = vector.shape_cast %swap3A_506 : vector<1x16xf32> to vector<16xf32>
      %swap3A_508 = vector.shape_cast %select_n3A : vector<16xf32> to vector<1x16xf32>
      tpu.vector_store %arg8[%swap3A, %swap3A_505], %swap3A_508 {strides = array<i32>} : memref<128x64xf32, #tpu.memory_space<vmem>>, vector<1x16xf32>,
      %get3A_509 = arith.constant 0 : i32
      %get3A_510 = arith.index_cast %get3A_509 : i32 to index
      %get3A_511 = arith.index_cast %scan3A_459 : i32 to index
      %get3A_512 = arith.constant 16 : index
      %get3A_513 = tpu.vector_load %arg6[%get3A_510, %get3A_511, %get3A_512] {strides = array<i32>} : memref<3x128x128xf32, #tpu.memory_space<vmem>>, vector<1x1x16xf32>,
      %get3A_514 = vector.shape_cast %get3A_513 : vector<1x1x16xf32> to vector<16xf32>
      %get3A_515 = arith.constant 1 : i32
      %get3A_516 = arith.index_cast %get3A_515 : i32 to index
      %get3A_517 = arith.index_cast %scan3A_459 : i32 to index
      %get3A_518 = arith.constant 16 : index
      %get3A_519 = tpu.vector_load %arg6[%get3A_516, %get3A_517, %get3A_518] {strides = array<i32>} : memref<3x128x128xf32, #tpu.memory_space<vmem>>, vector<1x1x16xf32>,
      %get3A_520 = vector.shape_cast %get3A_519 : vector<1x1x16xf32> to vector<16xf32>
      %get3A_521 = arith.constant 2 : i32
      %get3A_522 = arith.index_cast %get3A_521 : i32 to index
      %get3A_523 = arith.index_cast %scan3A_459 : i32 to index
      %get3A_524 = arith.constant 16 : index
      %get3A_525 = tpu.vector_load %arg6[%get3A_522, %get3A_523, %get3A_524] {strides = array<i32>} : memref<3x128x128xf32, #tpu.memory_space<vmem>>, vector<1x1x16xf32>,
      %get3A_526 = vector.shape_cast %get3A_525 : vector<1x1x16xf32> to vector<16xf32>
      %add3A_527 = arith.addf %get3A_514, %get3A_520 : vector<16xf32>
      %add3A_528 = arith.addf %add3A_527, %get3A_526 : vector<16xf32>
      %mul3A_529 = arith.constant 0.333333343 : f32
      %mul3A_530 = vector.broadcast %mul3A_529 : f32 to vector<16xf32>
      %mul3A_531 = arith.mulf %add3A_528, %mul3A_530 : vector<16xf32>
      %sub3A_532 = arith.subf %get3A_514, %mul3A_531 : vector<16xf32>
      %sub3A_533 = arith.subf %get3A_520, %mul3A_531 : vector<16xf32>
      %sub3A_534 = arith.subf %get3A_526, %mul3A_531 : vector<16xf32>
      %mul3A_535 = arith.mulf %sub3A_532, %sub3A_532 : vector<16xf32>
      %mul3A_536 = arith.mulf %sub3A_533, %sub3A_533 : vector<16xf32>
      %add3A_537 = arith.addf %mul3A_535, %mul3A_536 : vector<16xf32>
      %mul3A_538 = arith.mulf %sub3A_534, %sub3A_534 : vector<16xf32>
      %add3A_539 = arith.addf %add3A_537, %mul3A_538 : vector<16xf32>
      %mul3A_540 = arith.constant 5.000000e-01 : f32
      %mul3A_541 = vector.broadcast %mul3A_540 : f32 to vector<16xf32>
      %mul3A_542 = arith.mulf %add3A_539, %mul3A_541 : vector<16xf32>
      %swap3A_543 = arith.index_cast %scan3A_459 : i32 to index
      %swap3A_544 = arith.constant 16 : index
      %swap3A_545 = tpu.vector_load %arg8[%swap3A_543, %swap3A_544] {strides = array<i32>} : memref<128x64xf32, #tpu.memory_space<vmem>>, vector<1x16xf32>,
      %swap3A_546 = vector.shape_cast %swap3A_545 : vector<1x16xf32> to vector<16xf32>
      %swap3A_547 = vector.shape_cast %mul3A_542 : vector<16xf32> to vector<1x16xf32>
      tpu.vector_store %arg8[%swap3A_543, %swap3A_544], %swap3A_547 {strides = array<i32>} : memref<128x64xf32, #tpu.memory_space<vmem>>, vector<1x16xf32>,
      %get3A_548 = arith.constant 0 : i32
      %get3A_549 = arith.index_cast %get3A_548 : i32 to index
      %get3A_550 = arith.index_cast %scan3A_459 : i32 to index
      %get3A_551 = arith.constant 32 : index
      %get3A_552 = tpu.vector_load %arg6[%get3A_549, %get3A_550, %get3A_551] {strides = array<i32>} : memref<3x128x128xf32, #tpu.memory_space<vmem>>, vector<1x1x16xf32>,
      %get3A_553 = vector.shape_cast %get3A_552 : vector<1x1x16xf32> to vector<16xf32>
      %get3A_554 = arith.constant 1 : i32
      %get3A_555 = arith.index_cast %get3A_554 : i32 to index
      %get3A_556 = arith.index_cast %scan3A_459 : i32 to index
      %get3A_557 = arith.constant 32 : index
      %get3A_558 = tpu.vector_load %arg6[%get3A_555, %get3A_556, %get3A_557] {strides = array<i32>} : memref<3x128x128xf32, #tpu.memory_space<vmem>>, vector<1x1x16xf32>,
      %get3A_559 = vector.shape_cast %get3A_558 : vector<1x1x16xf32> to vector<16xf32>
      %get3A_560 = arith.constant 2 : i32
      %get3A_561 = arith.index_cast %get3A_560 : i32 to index
      %get3A_562 = arith.index_cast %scan3A_459 : i32 to index
      %get3A_563 = arith.constant 32 : index
      %get3A_564 = tpu.vector_load %arg6[%get3A_561, %get3A_562, %get3A_563] {strides = array<i32>} : memref<3x128x128xf32, #tpu.memory_space<vmem>>, vector<1x1x16xf32>,
      %get3A_565 = vector.shape_cast %get3A_564 : vector<1x1x16xf32> to vector<16xf32>
      %add3A_566 = arith.addf %get3A_553, %get3A_559 : vector<16xf32>
      %add3A_567 = arith.addf %add3A_566, %get3A_565 : vector<16xf32>
      %mul3A_568 = arith.constant 0.333333343 : f32
      %mul3A_569 = vector.broadcast %mul3A_568 : f32 to vector<16xf32>
      %mul3A_570 = arith.mulf %add3A_567, %mul3A_569 : vector<16xf32>
      %sub3A_571 = arith.subf %get3A_553, %mul3A_570 : vector<16xf32>
      %sub3A_572 = arith.subf %get3A_559, %mul3A_570 : vector<16xf32>
      %sub3A_573 = arith.subf %get3A_565, %mul3A_570 : vector<16xf32>
      %mul3A_574 = arith.mulf %sub3A_571, %sub3A_571 : vector<16xf32>
      %mul3A_575 = arith.mulf %sub3A_572, %sub3A_572 : vector<16xf32>
      %add3A_576 = arith.addf %mul3A_574, %mul3A_575 : vector<16xf32>
      %mul3A_577 = arith.mulf %sub3A_573, %sub3A_573 : vector<16xf32>
      %add3A_578 = arith.addf %add3A_576, %mul3A_577 : vector<16xf32>
      %mul3A_579 = arith.constant 5.000000e-01 : f32
      %mul3A_580 = vector.broadcast %mul3A_579 : f32 to vector<16xf32>
      %mul3A_581 = arith.mulf %add3A_578, %mul3A_580 : vector<16xf32>
      %swap3A_582 = arith.index_cast %scan3A_459 : i32 to index
      %swap3A_583 = arith.constant 32 : index
      %swap3A_584 = tpu.vector_load %arg8[%swap3A_582, %swap3A_583] {strides = array<i32>} : memref<128x64xf32, #tpu.memory_space<vmem>>, vector<1x16xf32>,
      %swap3A_585 = vector.shape_cast %swap3A_584 : vector<1x16xf32> to vector<16xf32>
      %swap3A_586 = vector.shape_cast %mul3A_581 : vector<16xf32> to vector<1x16xf32>
      tpu.vector_store %arg8[%swap3A_582, %swap3A_583], %swap3A_586 {strides = array<i32>} : memref<128x64xf32, #tpu.memory_space<vmem>>, vector<1x16xf32>,
      %get3A_587 = arith.constant 0 : i32
      %get3A_588 = arith.index_cast %get3A_587 : i32 to index
      %get3A_589 = arith.index_cast %scan3A_459 : i32 to index
      %get3A_590 = arith.constant 48 : index
      %get3A_591 = tpu.vector_load %arg6[%get3A_588, %get3A_589, %get3A_590] {strides = array<i32>} : memref<3x128x128xf32, #tpu.memory_space<vmem>>, vector<1x1x16xf32>,
      %get3A_592 = vector.shape_cast %get3A_591 : vector<1x1x16xf32> to vector<16xf32>
      %get3A_593 = arith.constant 1 : i32
      %get3A_594 = arith.index_cast %get3A_593 : i32 to index
      %get3A_595 = arith.index_cast %scan3A_459 : i32 to index
      %get3A_596 = arith.constant 48 : index
      %get3A_597 = tpu.vector_load %arg6[%get3A_594, %get3A_595, %get3A_596] {strides = array<i32>} : memref<3x128x128xf32, #tpu.memory_space<vmem>>, vector<1x1x16xf32>,
      %get3A_598 = vector.shape_cast %get3A_597 : vector<1x1x16xf32> to vector<16xf32>
      %get3A_599 = arith.constant 2 : i32
      %get3A_600 = arith.index_cast %get3A_599 : i32 to index
      %get3A_601 = arith.index_cast %scan3A_459 : i32 to index
      %get3A_602 = arith.constant 48 : index
      %get3A_603 = tpu.vector_load %arg6[%get3A_600, %get3A_601, %get3A_602] {strides = array<i32>} : memref<3x128x128xf32, #tpu.memory_space<vmem>>, vector<1x1x16xf32>,
      %get3A_604 = vector.shape_cast %get3A_603 : vector<1x1x16xf32> to vector<16xf32>
      %add3A_605 = arith.addf %get3A_592, %get3A_598 : vector<16xf32>
      %add3A_606 = arith.addf %add3A_605, %get3A_604 : vector<16xf32>
      %mul3A_607 = arith.constant 0.333333343 : f32
      %mul3A_608 = vector.broadcast %mul3A_607 : f32 to vector<16xf32>
      %mul3A_609 = arith.mulf %add3A_606, %mul3A_608 : vector<16xf32>
      %sub3A_610 = arith.subf %get3A_592, %mul3A_609 : vector<16xf32>
      %sub3A_611 = arith.subf %get3A_598, %mul3A_609 : vector<16xf32>
      %sub3A_612 = arith.subf %get3A_604, %mul3A_609 : vector<16xf32>
      %mul3A_613 = arith.mulf %sub3A_610, %sub3A_610 : vector<16xf32>
      %mul3A_614 = arith.mulf %sub3A_611, %sub3A_611 : vector<16xf32>
      %add3A_615 = arith.addf %mul3A_613, %mul3A_614 : vector<16xf32>
      %mul3A_616 = arith.mulf %sub3A_612, %sub3A_612 : vector<16xf32>
      %add3A_617 = arith.addf %add3A_615, %mul3A_616 : vector<16xf32>
      %mul3A_618 = arith.constant 5.000000e-01 : f32
      %mul3A_619 = vector.broadcast %mul3A_618 : f32 to vector<16xf32>
      %mul3A_620 = arith.mulf %add3A_617, %mul3A_619 : vector<16xf32>
      %swap3A_621 = arith.index_cast %scan3A_459 : i32 to index
      %swap3A_622 = arith.constant 48 : index
      %swap3A_623 = tpu.vector_load %arg8[%swap3A_621, %swap3A_622] {strides = array<i32>} : memref<128x64xf32, #tpu.memory_space<vmem>>, vector<1x16xf32>,
      %swap3A_624 = vector.shape_cast %swap3A_623 : vector<1x16xf32> to vector<16xf32>
      %swap3A_625 = vector.shape_cast %mul3A_620 : vector<16xf32> to vector<1x16xf32>
      tpu.vector_store %arg8[%swap3A_621, %swap3A_622], %swap3A_625 {strides = array<i32>} : memref<128x64xf32, #tpu.memory_space<vmem>>, vector<1x16xf32>,
      %scan3A_626 = arith.constant 0 : i32
      scf.yield %scan3A_626 : i32
    }
    %scan3A_458 = arith.constant 128 : i32
    "tpu.region"() ({
      %run_scoped3A_459 = tpu.sem_alloc : memref<!tpu.dma_semaphore, #tpu.memory_space<semaphore_mem>>
      %dma_start3A_460 = arith.constant 0 : i32
      %dma_start3A_461 = tpu.memref_slice %arg4[%add3A_370, %dma_start3A_460] : memref<20480x64xf32, #tpu.memory_space<hbm>> -> memref<128x64xf32, #tpu.memory_space<hbm>>
      %dma_start3A_462 = arith.constant 0 : i32
      %dma_start3A_463 = tpu.memref_slice %arg4[%add3A_370, %dma_start3A_462] : memref<20480x64xf32, #tpu.memory_space<hbm>> -> memref<128x64xf32, #tpu.memory_space<hbm>>
      tpu.enqueue_dma source(%arg8 : memref<128x64xf32, #tpu.memory_space<vmem>>) target(%dma_start3A_463 : memref<128x64xf32, #tpu.memory_space<hbm>>) target_semaphore(%run_scoped3A_459 : memref<!tpu.dma_semaphore, #tpu.memory_space<semaphore_mem>>)
      %dma_wait3A_464 = arith.constant 0 : i32
      %dma_wait3A_465 = tpu.memref_slice %arg4[%add3A_370, %dma_wait3A_464] : memref<20480x64xf32, #tpu.memory_space<hbm>> -> memref<128x64xf32, #tpu.memory_space<hbm>>
      %dma_wait3A_466 = arith.constant 0 : i32
      %dma_wait3A_467 = tpu.memref_slice %arg4[%add3A_370, %dma_wait3A_466] : memref<20480x64xf32, #tpu.memory_space<hbm>> -> memref<128x64xf32, #tpu.memory_space<hbm>>
      tpu.wait_dma2 semaphore(%run_scoped3A_459 : memref<!tpu.dma_semaphore, #tpu.memory_space<semaphore_mem>>) src(%arg8 : memref<128x64xf32, #tpu.memory_space<vmem>>) dst(%dma_wait3A_467 : memref<128x64xf32, #tpu.memory_space<hbm>>)
      tpu.yield
    }) : () -> ()
    return
  }
}

module attributes {stable_mosaic.version = 14 : i64} {
  func.func @_knn_body(%arg0: i32, %arg1: memref<512x4xf32, #tpu.memory_space<vmem>>, %arg2: memref<4x20480xf32, #tpu.memory_space<vmem>>, %arg3: memref<256x512xf32, #tpu.memory_space<vmem>>, %arg4: memref<512x1xi32, #tpu.memory_space<vmem>>, %arg5: memref<512x1xi32, #tpu.memory_space<vmem>>, %arg6: memref<512x1xi32, #tpu.memory_space<vmem>>) attributes {dimension_semantics = [#tpu.dimension_semantics<arbitrary>], iteration_bounds = array<i64: 40>, scalar_prefetch = 0 : i64, scratch_operands = 0 : i64, tpu.core_type = #tpu.core_type<tc>, window_params = [{transform_indices = @transform_0, window_bounds = array<i64: 512, 4>}, {pipeline_mode = #tpu.pipeline_mode<synchronous>, transform_indices = @transform_1, window_bounds = array<i64: 4, 20480>}, {pipeline_mode = #tpu.pipeline_mode<synchronous>, transform_indices = @transform_2, window_bounds = array<i64: 256, 512>}, {transform_indices = @transform_3, window_bounds = array<i64: 512, 1>}, {transform_indices = @transform_4, window_bounds = array<i64: 512, 1>}, {transform_indices = @transform_5, window_bounds = array<i64: 512, 1>}]} {
    %get3A = arith.constant 0 : index
    %get3A_0 = arith.constant 0 : index
    %get3A_1 = vector.load %arg1[%get3A, %get3A_0] : memref<512x4xf32, #tpu.memory_space<vmem>>, vector<512x4xf32>
    %get3A_2 = arith.constant 0 : index
    %get3A_3 = arith.constant 0 : index
    %get3A_4 = vector.load %arg2[%get3A_2, %get3A_3] : memref<4x20480xf32, #tpu.memory_space<vmem>>, vector<4x20480xf32>
    %dot_general3A = arith.constant dense<0.000000e+00> : vector<512x20480xf32>
    %dot_general3A_5 = tpu.matmul %get3A_1, %get3A_4, %dot_general3A {dimension_numbers = #tpu.dot_dimension_numbers<[1], [0], [0], [1], [0, 0, 1, 1], [], []>, transpose_lhs_hint = false} : vector<512x4xf32>, vector<4x20480xf32>, vector<512x20480xf32> -> vector<512x20480xf32>
    %slice3A = vector.extract_strided_slice %dot_general3A_5 {offsets = [0, 0], sizes = [512, 256], strides = [1, 1]} : vector<512x20480xf32> to vector<512x256xf32>
    %slice3A_6 = vector.extract_strided_slice %dot_general3A_5 {offsets = [0, 256], sizes = [512, 256], strides = [1, 1]} : vector<512x20480xf32> to vector<512x256xf32>
    %min3A = arith.minimumf %slice3A, %slice3A_6 : vector<512x256xf32>
    %slice3A_7 = vector.extract_strided_slice %dot_general3A_5 {offsets = [0, 512], sizes = [512, 256], strides = [1, 1]} : vector<512x20480xf32> to vector<512x256xf32>
    %min3A_8 = arith.minimumf %min3A, %slice3A_7 : vector<512x256xf32>
    %slice3A_9 = vector.extract_strided_slice %dot_general3A_5 {offsets = [0, 768], sizes = [512, 256], strides = [1, 1]} : vector<512x20480xf32> to vector<512x256xf32>
    %min3A_10 = arith.minimumf %min3A_8, %slice3A_9 : vector<512x256xf32>
    %slice3A_11 = vector.extract_strided_slice %dot_general3A_5 {offsets = [0, 1024], sizes = [512, 256], strides = [1, 1]} : vector<512x20480xf32> to vector<512x256xf32>
    %min3A_12 = arith.minimumf %min3A_10, %slice3A_11 : vector<512x256xf32>
    %slice3A_13 = vector.extract_strided_slice %dot_general3A_5 {offsets = [0, 1280], sizes = [512, 256], strides = [1, 1]} : vector<512x20480xf32> to vector<512x256xf32>
    %min3A_14 = arith.minimumf %min3A_12, %slice3A_13 : vector<512x256xf32>
    %slice3A_15 = vector.extract_strided_slice %dot_general3A_5 {offsets = [0, 1536], sizes = [512, 256], strides = [1, 1]} : vector<512x20480xf32> to vector<512x256xf32>
    %min3A_16 = arith.minimumf %min3A_14, %slice3A_15 : vector<512x256xf32>
    %slice3A_17 = vector.extract_strided_slice %dot_general3A_5 {offsets = [0, 1792], sizes = [512, 256], strides = [1, 1]} : vector<512x20480xf32> to vector<512x256xf32>
    %min3A_18 = arith.minimumf %min3A_16, %slice3A_17 : vector<512x256xf32>
    %slice3A_19 = vector.extract_strided_slice %dot_general3A_5 {offsets = [0, 2048], sizes = [512, 256], strides = [1, 1]} : vector<512x20480xf32> to vector<512x256xf32>
    %min3A_20 = arith.minimumf %min3A_18, %slice3A_19 : vector<512x256xf32>
    %slice3A_21 = vector.extract_strided_slice %dot_general3A_5 {offsets = [0, 2304], sizes = [512, 256], strides = [1, 1]} : vector<512x20480xf32> to vector<512x256xf32>
    %min3A_22 = arith.minimumf %min3A_20, %slice3A_21 : vector<512x256xf32>
    %slice3A_23 = vector.extract_strided_slice %dot_general3A_5 {offsets = [0, 2560], sizes = [512, 256], strides = [1, 1]} : vector<512x20480xf32> to vector<512x256xf32>
    %min3A_24 = arith.minimumf %min3A_22, %slice3A_23 : vector<512x256xf32>
    %slice3A_25 = vector.extract_strided_slice %dot_general3A_5 {offsets = [0, 2816], sizes = [512, 256], strides = [1, 1]} : vector<512x20480xf32> to vector<512x256xf32>
    %min3A_26 = arith.minimumf %min3A_24, %slice3A_25 : vector<512x256xf32>
    %slice3A_27 = vector.extract_strided_slice %dot_general3A_5 {offsets = [0, 3072], sizes = [512, 256], strides = [1, 1]} : vector<512x20480xf32> to vector<512x256xf32>
    %min3A_28 = arith.minimumf %min3A_26, %slice3A_27 : vector<512x256xf32>
    %slice3A_29 = vector.extract_strided_slice %dot_general3A_5 {offsets = [0, 3328], sizes = [512, 256], strides = [1, 1]} : vector<512x20480xf32> to vector<512x256xf32>
    %min3A_30 = arith.minimumf %min3A_28, %slice3A_29 : vector<512x256xf32>
    %slice3A_31 = vector.extract_strided_slice %dot_general3A_5 {offsets = [0, 3584], sizes = [512, 256], strides = [1, 1]} : vector<512x20480xf32> to vector<512x256xf32>
    %min3A_32 = arith.minimumf %min3A_30, %slice3A_31 : vector<512x256xf32>
    %slice3A_33 = vector.extract_strided_slice %dot_general3A_5 {offsets = [0, 3840], sizes = [512, 256], strides = [1, 1]} : vector<512x20480xf32> to vector<512x256xf32>
    %min3A_34 = arith.minimumf %min3A_32, %slice3A_33 : vector<512x256xf32>
    %slice3A_35 = vector.extract_strided_slice %dot_general3A_5 {offsets = [0, 4096], sizes = [512, 256], strides = [1, 1]} : vector<512x20480xf32> to vector<512x256xf32>
    %min3A_36 = arith.minimumf %min3A_34, %slice3A_35 : vector<512x256xf32>
    %slice3A_37 = vector.extract_strided_slice %dot_general3A_5 {offsets = [0, 4352], sizes = [512, 256], strides = [1, 1]} : vector<512x20480xf32> to vector<512x256xf32>
    %min3A_38 = arith.minimumf %min3A_36, %slice3A_37 : vector<512x256xf32>
    %slice3A_39 = vector.extract_strided_slice %dot_general3A_5 {offsets = [0, 4608], sizes = [512, 256], strides = [1, 1]} : vector<512x20480xf32> to vector<512x256xf32>
    %min3A_40 = arith.minimumf %min3A_38, %slice3A_39 : vector<512x256xf32>
    %slice3A_41 = vector.extract_strided_slice %dot_general3A_5 {offsets = [0, 4864], sizes = [512, 256], strides = [1, 1]} : vector<512x20480xf32> to vector<512x256xf32>
    %min3A_42 = arith.minimumf %min3A_40, %slice3A_41 : vector<512x256xf32>
    %slice3A_43 = vector.extract_strided_slice %dot_general3A_5 {offsets = [0, 5120], sizes = [512, 256], strides = [1, 1]} : vector<512x20480xf32> to vector<512x256xf32>
    %min3A_44 = arith.minimumf %min3A_42, %slice3A_43 : vector<512x256xf32>
    %slice3A_45 = vector.extract_strided_slice %dot_general3A_5 {offsets = [0, 5376], sizes = [512, 256], strides = [1, 1]} : vector<512x20480xf32> to vector<512x256xf32>
    %min3A_46 = arith.minimumf %min3A_44, %slice3A_45 : vector<512x256xf32>
    %slice3A_47 = vector.extract_strided_slice %dot_general3A_5 {offsets = [0, 5632], sizes = [512, 256], strides = [1, 1]} : vector<512x20480xf32> to vector<512x256xf32>
    %min3A_48 = arith.minimumf %min3A_46, %slice3A_47 : vector<512x256xf32>
    %slice3A_49 = vector.extract_strided_slice %dot_general3A_5 {offsets = [0, 5888], sizes = [512, 256], strides = [1, 1]} : vector<512x20480xf32> to vector<512x256xf32>
    %min3A_50 = arith.minimumf %min3A_48, %slice3A_49 : vector<512x256xf32>
    %slice3A_51 = vector.extract_strided_slice %dot_general3A_5 {offsets = [0, 6144], sizes = [512, 256], strides = [1, 1]} : vector<512x20480xf32> to vector<512x256xf32>
    %min3A_52 = arith.minimumf %min3A_50, %slice3A_51 : vector<512x256xf32>
    %slice3A_53 = vector.extract_strided_slice %dot_general3A_5 {offsets = [0, 6400], sizes = [512, 256], strides = [1, 1]} : vector<512x20480xf32> to vector<512x256xf32>
    %min3A_54 = arith.minimumf %min3A_52, %slice3A_53 : vector<512x256xf32>
    %slice3A_55 = vector.extract_strided_slice %dot_general3A_5 {offsets = [0, 6656], sizes = [512, 256], strides = [1, 1]} : vector<512x20480xf32> to vector<512x256xf32>
    %min3A_56 = arith.minimumf %min3A_54, %slice3A_55 : vector<512x256xf32>
    %slice3A_57 = vector.extract_strided_slice %dot_general3A_5 {offsets = [0, 6912], sizes = [512, 256], strides = [1, 1]} : vector<512x20480xf32> to vector<512x256xf32>
    %min3A_58 = arith.minimumf %min3A_56, %slice3A_57 : vector<512x256xf32>
    %slice3A_59 = vector.extract_strided_slice %dot_general3A_5 {offsets = [0, 7168], sizes = [512, 256], strides = [1, 1]} : vector<512x20480xf32> to vector<512x256xf32>
    %min3A_60 = arith.minimumf %min3A_58, %slice3A_59 : vector<512x256xf32>
    %slice3A_61 = vector.extract_strided_slice %dot_general3A_5 {offsets = [0, 7424], sizes = [512, 256], strides = [1, 1]} : vector<512x20480xf32> to vector<512x256xf32>
    %min3A_62 = arith.minimumf %min3A_60, %slice3A_61 : vector<512x256xf32>
    %slice3A_63 = vector.extract_strided_slice %dot_general3A_5 {offsets = [0, 7680], sizes = [512, 256], strides = [1, 1]} : vector<512x20480xf32> to vector<512x256xf32>
    %min3A_64 = arith.minimumf %min3A_62, %slice3A_63 : vector<512x256xf32>
    %slice3A_65 = vector.extract_strided_slice %dot_general3A_5 {offsets = [0, 7936], sizes = [512, 256], strides = [1, 1]} : vector<512x20480xf32> to vector<512x256xf32>
    %min3A_66 = arith.minimumf %min3A_64, %slice3A_65 : vector<512x256xf32>
    %slice3A_67 = vector.extract_strided_slice %dot_general3A_5 {offsets = [0, 8192], sizes = [512, 256], strides = [1, 1]} : vector<512x20480xf32> to vector<512x256xf32>
    %min3A_68 = arith.minimumf %min3A_66, %slice3A_67 : vector<512x256xf32>
    %slice3A_69 = vector.extract_strided_slice %dot_general3A_5 {offsets = [0, 8448], sizes = [512, 256], strides = [1, 1]} : vector<512x20480xf32> to vector<512x256xf32>
    %min3A_70 = arith.minimumf %min3A_68, %slice3A_69 : vector<512x256xf32>
    %slice3A_71 = vector.extract_strided_slice %dot_general3A_5 {offsets = [0, 8704], sizes = [512, 256], strides = [1, 1]} : vector<512x20480xf32> to vector<512x256xf32>
    %min3A_72 = arith.minimumf %min3A_70, %slice3A_71 : vector<512x256xf32>
    %slice3A_73 = vector.extract_strided_slice %dot_general3A_5 {offsets = [0, 8960], sizes = [512, 256], strides = [1, 1]} : vector<512x20480xf32> to vector<512x256xf32>
    %min3A_74 = arith.minimumf %min3A_72, %slice3A_73 : vector<512x256xf32>
    %slice3A_75 = vector.extract_strided_slice %dot_general3A_5 {offsets = [0, 9216], sizes = [512, 256], strides = [1, 1]} : vector<512x20480xf32> to vector<512x256xf32>
    %min3A_76 = arith.minimumf %min3A_74, %slice3A_75 : vector<512x256xf32>
    %slice3A_77 = vector.extract_strided_slice %dot_general3A_5 {offsets = [0, 9472], sizes = [512, 256], strides = [1, 1]} : vector<512x20480xf32> to vector<512x256xf32>
    %min3A_78 = arith.minimumf %min3A_76, %slice3A_77 : vector<512x256xf32>
    %slice3A_79 = vector.extract_strided_slice %dot_general3A_5 {offsets = [0, 9728], sizes = [512, 256], strides = [1, 1]} : vector<512x20480xf32> to vector<512x256xf32>
    %min3A_80 = arith.minimumf %min3A_78, %slice3A_79 : vector<512x256xf32>
    %slice3A_81 = vector.extract_strided_slice %dot_general3A_5 {offsets = [0, 9984], sizes = [512, 256], strides = [1, 1]} : vector<512x20480xf32> to vector<512x256xf32>
    %min3A_82 = arith.minimumf %min3A_80, %slice3A_81 : vector<512x256xf32>
    %slice3A_83 = vector.extract_strided_slice %dot_general3A_5 {offsets = [0, 10240], sizes = [512, 256], strides = [1, 1]} : vector<512x20480xf32> to vector<512x256xf32>
    %min3A_84 = arith.minimumf %min3A_82, %slice3A_83 : vector<512x256xf32>
    %slice3A_85 = vector.extract_strided_slice %dot_general3A_5 {offsets = [0, 10496], sizes = [512, 256], strides = [1, 1]} : vector<512x20480xf32> to vector<512x256xf32>
    %min3A_86 = arith.minimumf %min3A_84, %slice3A_85 : vector<512x256xf32>
    %slice3A_87 = vector.extract_strided_slice %dot_general3A_5 {offsets = [0, 10752], sizes = [512, 256], strides = [1, 1]} : vector<512x20480xf32> to vector<512x256xf32>
    %min3A_88 = arith.minimumf %min3A_86, %slice3A_87 : vector<512x256xf32>
    %slice3A_89 = vector.extract_strided_slice %dot_general3A_5 {offsets = [0, 11008], sizes = [512, 256], strides = [1, 1]} : vector<512x20480xf32> to vector<512x256xf32>
    %min3A_90 = arith.minimumf %min3A_88, %slice3A_89 : vector<512x256xf32>
    %slice3A_91 = vector.extract_strided_slice %dot_general3A_5 {offsets = [0, 11264], sizes = [512, 256], strides = [1, 1]} : vector<512x20480xf32> to vector<512x256xf32>
    %min3A_92 = arith.minimumf %min3A_90, %slice3A_91 : vector<512x256xf32>
    %slice3A_93 = vector.extract_strided_slice %dot_general3A_5 {offsets = [0, 11520], sizes = [512, 256], strides = [1, 1]} : vector<512x20480xf32> to vector<512x256xf32>
    %min3A_94 = arith.minimumf %min3A_92, %slice3A_93 : vector<512x256xf32>
    %slice3A_95 = vector.extract_strided_slice %dot_general3A_5 {offsets = [0, 11776], sizes = [512, 256], strides = [1, 1]} : vector<512x20480xf32> to vector<512x256xf32>
    %min3A_96 = arith.minimumf %min3A_94, %slice3A_95 : vector<512x256xf32>
    %slice3A_97 = vector.extract_strided_slice %dot_general3A_5 {offsets = [0, 12032], sizes = [512, 256], strides = [1, 1]} : vector<512x20480xf32> to vector<512x256xf32>
    %min3A_98 = arith.minimumf %min3A_96, %slice3A_97 : vector<512x256xf32>
    %slice3A_99 = vector.extract_strided_slice %dot_general3A_5 {offsets = [0, 12288], sizes = [512, 256], strides = [1, 1]} : vector<512x20480xf32> to vector<512x256xf32>
    %min3A_100 = arith.minimumf %min3A_98, %slice3A_99 : vector<512x256xf32>
    %slice3A_101 = vector.extract_strided_slice %dot_general3A_5 {offsets = [0, 12544], sizes = [512, 256], strides = [1, 1]} : vector<512x20480xf32> to vector<512x256xf32>
    %min3A_102 = arith.minimumf %min3A_100, %slice3A_101 : vector<512x256xf32>
    %slice3A_103 = vector.extract_strided_slice %dot_general3A_5 {offsets = [0, 12800], sizes = [512, 256], strides = [1, 1]} : vector<512x20480xf32> to vector<512x256xf32>
    %min3A_104 = arith.minimumf %min3A_102, %slice3A_103 : vector<512x256xf32>
    %slice3A_105 = vector.extract_strided_slice %dot_general3A_5 {offsets = [0, 13056], sizes = [512, 256], strides = [1, 1]} : vector<512x20480xf32> to vector<512x256xf32>
    %min3A_106 = arith.minimumf %min3A_104, %slice3A_105 : vector<512x256xf32>
    %slice3A_107 = vector.extract_strided_slice %dot_general3A_5 {offsets = [0, 13312], sizes = [512, 256], strides = [1, 1]} : vector<512x20480xf32> to vector<512x256xf32>
    %min3A_108 = arith.minimumf %min3A_106, %slice3A_107 : vector<512x256xf32>
    %slice3A_109 = vector.extract_strided_slice %dot_general3A_5 {offsets = [0, 13568], sizes = [512, 256], strides = [1, 1]} : vector<512x20480xf32> to vector<512x256xf32>
    %min3A_110 = arith.minimumf %min3A_108, %slice3A_109 : vector<512x256xf32>
    %slice3A_111 = vector.extract_strided_slice %dot_general3A_5 {offsets = [0, 13824], sizes = [512, 256], strides = [1, 1]} : vector<512x20480xf32> to vector<512x256xf32>
    %min3A_112 = arith.minimumf %min3A_110, %slice3A_111 : vector<512x256xf32>
    %slice3A_113 = vector.extract_strided_slice %dot_general3A_5 {offsets = [0, 14080], sizes = [512, 256], strides = [1, 1]} : vector<512x20480xf32> to vector<512x256xf32>
    %min3A_114 = arith.minimumf %min3A_112, %slice3A_113 : vector<512x256xf32>
    %slice3A_115 = vector.extract_strided_slice %dot_general3A_5 {offsets = [0, 14336], sizes = [512, 256], strides = [1, 1]} : vector<512x20480xf32> to vector<512x256xf32>
    %min3A_116 = arith.minimumf %min3A_114, %slice3A_115 : vector<512x256xf32>
    %slice3A_117 = vector.extract_strided_slice %dot_general3A_5 {offsets = [0, 14592], sizes = [512, 256], strides = [1, 1]} : vector<512x20480xf32> to vector<512x256xf32>
    %min3A_118 = arith.minimumf %min3A_116, %slice3A_117 : vector<512x256xf32>
    %slice3A_119 = vector.extract_strided_slice %dot_general3A_5 {offsets = [0, 14848], sizes = [512, 256], strides = [1, 1]} : vector<512x20480xf32> to vector<512x256xf32>
    %min3A_120 = arith.minimumf %min3A_118, %slice3A_119 : vector<512x256xf32>
    %slice3A_121 = vector.extract_strided_slice %dot_general3A_5 {offsets = [0, 15104], sizes = [512, 256], strides = [1, 1]} : vector<512x20480xf32> to vector<512x256xf32>
    %min3A_122 = arith.minimumf %min3A_120, %slice3A_121 : vector<512x256xf32>
    %slice3A_123 = vector.extract_strided_slice %dot_general3A_5 {offsets = [0, 15360], sizes = [512, 256], strides = [1, 1]} : vector<512x20480xf32> to vector<512x256xf32>
    %min3A_124 = arith.minimumf %min3A_122, %slice3A_123 : vector<512x256xf32>
    %slice3A_125 = vector.extract_strided_slice %dot_general3A_5 {offsets = [0, 15616], sizes = [512, 256], strides = [1, 1]} : vector<512x20480xf32> to vector<512x256xf32>
    %min3A_126 = arith.minimumf %min3A_124, %slice3A_125 : vector<512x256xf32>
    %slice3A_127 = vector.extract_strided_slice %dot_general3A_5 {offsets = [0, 15872], sizes = [512, 256], strides = [1, 1]} : vector<512x20480xf32> to vector<512x256xf32>
    %min3A_128 = arith.minimumf %min3A_126, %slice3A_127 : vector<512x256xf32>
    %slice3A_129 = vector.extract_strided_slice %dot_general3A_5 {offsets = [0, 16128], sizes = [512, 256], strides = [1, 1]} : vector<512x20480xf32> to vector<512x256xf32>
    %min3A_130 = arith.minimumf %min3A_128, %slice3A_129 : vector<512x256xf32>
    %slice3A_131 = vector.extract_strided_slice %dot_general3A_5 {offsets = [0, 16384], sizes = [512, 256], strides = [1, 1]} : vector<512x20480xf32> to vector<512x256xf32>
    %min3A_132 = arith.minimumf %min3A_130, %slice3A_131 : vector<512x256xf32>
    %slice3A_133 = vector.extract_strided_slice %dot_general3A_5 {offsets = [0, 16640], sizes = [512, 256], strides = [1, 1]} : vector<512x20480xf32> to vector<512x256xf32>
    %min3A_134 = arith.minimumf %min3A_132, %slice3A_133 : vector<512x256xf32>
    %slice3A_135 = vector.extract_strided_slice %dot_general3A_5 {offsets = [0, 16896], sizes = [512, 256], strides = [1, 1]} : vector<512x20480xf32> to vector<512x256xf32>
    %min3A_136 = arith.minimumf %min3A_134, %slice3A_135 : vector<512x256xf32>
    %slice3A_137 = vector.extract_strided_slice %dot_general3A_5 {offsets = [0, 17152], sizes = [512, 256], strides = [1, 1]} : vector<512x20480xf32> to vector<512x256xf32>
    %min3A_138 = arith.minimumf %min3A_136, %slice3A_137 : vector<512x256xf32>
    %slice3A_139 = vector.extract_strided_slice %dot_general3A_5 {offsets = [0, 17408], sizes = [512, 256], strides = [1, 1]} : vector<512x20480xf32> to vector<512x256xf32>
    %min3A_140 = arith.minimumf %min3A_138, %slice3A_139 : vector<512x256xf32>
    %slice3A_141 = vector.extract_strided_slice %dot_general3A_5 {offsets = [0, 17664], sizes = [512, 256], strides = [1, 1]} : vector<512x20480xf32> to vector<512x256xf32>
    %min3A_142 = arith.minimumf %min3A_140, %slice3A_141 : vector<512x256xf32>
    %slice3A_143 = vector.extract_strided_slice %dot_general3A_5 {offsets = [0, 17920], sizes = [512, 256], strides = [1, 1]} : vector<512x20480xf32> to vector<512x256xf32>
    %min3A_144 = arith.minimumf %min3A_142, %slice3A_143 : vector<512x256xf32>
    %slice3A_145 = vector.extract_strided_slice %dot_general3A_5 {offsets = [0, 18176], sizes = [512, 256], strides = [1, 1]} : vector<512x20480xf32> to vector<512x256xf32>
    %min3A_146 = arith.minimumf %min3A_144, %slice3A_145 : vector<512x256xf32>
    %slice3A_147 = vector.extract_strided_slice %dot_general3A_5 {offsets = [0, 18432], sizes = [512, 256], strides = [1, 1]} : vector<512x20480xf32> to vector<512x256xf32>
    %min3A_148 = arith.minimumf %min3A_146, %slice3A_147 : vector<512x256xf32>
    %slice3A_149 = vector.extract_strided_slice %dot_general3A_5 {offsets = [0, 18688], sizes = [512, 256], strides = [1, 1]} : vector<512x20480xf32> to vector<512x256xf32>
    %min3A_150 = arith.minimumf %min3A_148, %slice3A_149 : vector<512x256xf32>
    %slice3A_151 = vector.extract_strided_slice %dot_general3A_5 {offsets = [0, 18944], sizes = [512, 256], strides = [1, 1]} : vector<512x20480xf32> to vector<512x256xf32>
    %min3A_152 = arith.minimumf %min3A_150, %slice3A_151 : vector<512x256xf32>
    %slice3A_153 = vector.extract_strided_slice %dot_general3A_5 {offsets = [0, 19200], sizes = [512, 256], strides = [1, 1]} : vector<512x20480xf32> to vector<512x256xf32>
    %min3A_154 = arith.minimumf %min3A_152, %slice3A_153 : vector<512x256xf32>
    %slice3A_155 = vector.extract_strided_slice %dot_general3A_5 {offsets = [0, 19456], sizes = [512, 256], strides = [1, 1]} : vector<512x20480xf32> to vector<512x256xf32>
    %min3A_156 = arith.minimumf %min3A_154, %slice3A_155 : vector<512x256xf32>
    %slice3A_157 = vector.extract_strided_slice %dot_general3A_5 {offsets = [0, 19712], sizes = [512, 256], strides = [1, 1]} : vector<512x20480xf32> to vector<512x256xf32>
    %min3A_158 = arith.minimumf %min3A_156, %slice3A_157 : vector<512x256xf32>
    %slice3A_159 = vector.extract_strided_slice %dot_general3A_5 {offsets = [0, 19968], sizes = [512, 256], strides = [1, 1]} : vector<512x20480xf32> to vector<512x256xf32>
    %min3A_160 = arith.minimumf %min3A_158, %slice3A_159 : vector<512x256xf32>
    %slice3A_161 = vector.extract_strided_slice %dot_general3A_5 {offsets = [0, 20224], sizes = [512, 256], strides = [1, 1]} : vector<512x20480xf32> to vector<512x256xf32>
    %min3A_162 = arith.minimumf %min3A_160, %slice3A_161 : vector<512x256xf32>
    %iota3A = tpu.iota {dimensions = array<i32: 1>} : vector<512x256xi32>
    %convert_element_type3A = arith.sitofp %iota3A : vector<512x256xi32> to vector<512x256xf32>
    %reduce_min3A = arith.constant dense<0x7F800000> : vector<512xf32>
    %reduce_min3A_163 = vector.multi_reduction <minimumf>, %min3A_162, %reduce_min3A [1] : vector<512x256xf32> to vector<512xf32>
    %broadcast_in_dim3A = vector.shape_cast %reduce_min3A_163 : vector<512xf32> to vector<512x1xf32>
    %eq3A = vector.broadcast %broadcast_in_dim3A : vector<512x1xf32> to vector<512x256xf32>
    %eq3A_164 = arith.cmpf oeq, %min3A_162, %eq3A : vector<512x256xf32>
    %jit3A = arith.constant 3.000000e+38 : f32
    %broadcast_in_dim3A_165 = vector.broadcast %jit3A : f32 to vector<512x256xf32>
    %select_n3A = arith.select %eq3A_164, %convert_element_type3A, %broadcast_in_dim3A_165 : vector<512x256xi1>, vector<512x256xf32>
    %reduce_min3A_166 = arith.constant dense<0x7F800000> : vector<512xf32>
    %reduce_min3A_167 = vector.multi_reduction <minimumf>, %select_n3A, %reduce_min3A_166 [1] : vector<512x256xf32> to vector<512xf32>
    %broadcast_in_dim3A_168 = vector.shape_cast %reduce_min3A_167 : vector<512xf32> to vector<512x1xf32>
    %eq3A_169 = vector.broadcast %broadcast_in_dim3A_168 : vector<512x1xf32> to vector<512x256xf32>
    %eq3A_170 = arith.cmpf oeq, %convert_element_type3A, %eq3A_169 : vector<512x256xf32>
    %jit3A_171 = arith.constant 3.000000e+38 : f32
    %broadcast_in_dim3A_172 = vector.broadcast %jit3A_171 : f32 to vector<512x256xf32>
    %select_n3A_173 = arith.select %eq3A_170, %broadcast_in_dim3A_172, %min3A_162 : vector<512x256xi1>, vector<512x256xf32>
    %reduce_min3A_174 = arith.constant dense<0x7F800000> : vector<512xf32>
    %reduce_min3A_175 = vector.multi_reduction <minimumf>, %select_n3A_173, %reduce_min3A_174 [1] : vector<512x256xf32> to vector<512xf32>
    %broadcast_in_dim3A_176 = vector.shape_cast %reduce_min3A_175 : vector<512xf32> to vector<512x1xf32>
    %eq3A_177 = vector.broadcast %broadcast_in_dim3A_176 : vector<512x1xf32> to vector<512x256xf32>
    %eq3A_178 = arith.cmpf oeq, %select_n3A_173, %eq3A_177 : vector<512x256xf32>
    %jit3A_179 = arith.constant 3.000000e+38 : f32
    %broadcast_in_dim3A_180 = vector.broadcast %jit3A_179 : f32 to vector<512x256xf32>
    %select_n3A_181 = arith.select %eq3A_178, %convert_element_type3A, %broadcast_in_dim3A_180 : vector<512x256xi1>, vector<512x256xf32>
    %reduce_min3A_182 = arith.constant dense<0x7F800000> : vector<512xf32>
    %reduce_min3A_183 = vector.multi_reduction <minimumf>, %select_n3A_181, %reduce_min3A_182 [1] : vector<512x256xf32> to vector<512xf32>
    %broadcast_in_dim3A_184 = vector.shape_cast %reduce_min3A_183 : vector<512xf32> to vector<512x1xf32>
    %eq3A_185 = vector.broadcast %broadcast_in_dim3A_184 : vector<512x1xf32> to vector<512x256xf32>
    %eq3A_186 = arith.cmpf oeq, %convert_element_type3A, %eq3A_185 : vector<512x256xf32>
    %jit3A_187 = arith.constant 3.000000e+38 : f32
    %broadcast_in_dim3A_188 = vector.broadcast %jit3A_187 : f32 to vector<512x256xf32>
    %select_n3A_189 = arith.select %eq3A_186, %broadcast_in_dim3A_188, %select_n3A_173 : vector<512x256xi1>, vector<512x256xf32>
    %reduce_min3A_190 = arith.constant dense<0x7F800000> : vector<512xf32>
    %reduce_min3A_191 = vector.multi_reduction <minimumf>, %select_n3A_189, %reduce_min3A_190 [1] : vector<512x256xf32> to vector<512xf32>
    %broadcast_in_dim3A_192 = vector.shape_cast %reduce_min3A_191 : vector<512xf32> to vector<512x1xf32>
    %eq3A_193 = vector.broadcast %broadcast_in_dim3A_192 : vector<512x1xf32> to vector<512x256xf32>
    %eq3A_194 = arith.cmpf oeq, %select_n3A_189, %eq3A_193 : vector<512x256xf32>
    %jit3A_195 = arith.constant 3.000000e+38 : f32
    %broadcast_in_dim3A_196 = vector.broadcast %jit3A_195 : f32 to vector<512x256xf32>
    %select_n3A_197 = arith.select %eq3A_194, %convert_element_type3A, %broadcast_in_dim3A_196 : vector<512x256xi1>, vector<512x256xf32>
    %reduce_min3A_198 = arith.constant dense<0x7F800000> : vector<512xf32>
    %reduce_min3A_199 = vector.multi_reduction <minimumf>, %select_n3A_197, %reduce_min3A_198 [1] : vector<512x256xf32> to vector<512xf32>
    %broadcast_in_dim3A_200 = vector.shape_cast %reduce_min3A_199 : vector<512xf32> to vector<512x1xf32>
    %min3A_201 = arith.minimumf %broadcast_in_dim3A_168, %broadcast_in_dim3A_184 : vector<512x1xf32>
    %max3A = arith.maximumf %broadcast_in_dim3A_168, %broadcast_in_dim3A_184 : vector<512x1xf32>
    %min3A_202 = arith.minimumf %max3A, %broadcast_in_dim3A_200 : vector<512x1xf32>
    %max3A_203 = arith.maximumf %max3A, %broadcast_in_dim3A_200 : vector<512x1xf32>
    %min3A_204 = arith.minimumf %min3A_201, %min3A_202 : vector<512x1xf32>
    %max3A_205 = arith.maximumf %min3A_201, %min3A_202 : vector<512x1xf32>
    %get3A_206 = arith.constant 0 : index
    %get3A_207 = arith.constant 0 : index
    %get3A_208 = vector.load %arg3[%get3A_206, %get3A_207] : memref<256x512xf32, #tpu.memory_space<vmem>>, vector<256x512xf32>
    %eq3A_209 = vector.broadcast %min3A_204 : vector<512x1xf32> to vector<512x256xf32>
    %eq3A_210 = arith.cmpf oeq, %convert_element_type3A, %eq3A_209 : vector<512x256xf32>
    %convert_element_type3A_211 = arith.extui %eq3A_210 : vector<512x256xi1> to vector<512x256xi32>
    %convert_element_type3A_212 = arith.sitofp %convert_element_type3A_211 : vector<512x256xi32> to vector<512x256xf32>
    %dot_general3A_213 = arith.constant dense<0.000000e+00> : vector<512x512xf32>
    %dot_general3A_214 = tpu.matmul %convert_element_type3A_212, %get3A_208, %dot_general3A_213 {dimension_numbers = #tpu.dot_dimension_numbers<[1], [0], [0], [1], [0, 0, 1, 1], [], []>, transpose_lhs_hint = false} : vector<512x256xf32>, vector<256x512xf32>, vector<512x512xf32> -> vector<512x512xf32>
    %slice3A_215 = vector.extract_strided_slice %get3A_1 {offsets = [0, 0], sizes = [512, 1], strides = [1, 1]} : vector<512x4xf32> to vector<512x1xf32>
    %slice3A_216 = vector.extract_strided_slice %dot_general3A_214 {offsets = [0, 0], sizes = [512, 128], strides = [1, 1]} : vector<512x512xf32> to vector<512x128xf32>
    %mul3A = vector.broadcast %slice3A_215 : vector<512x1xf32> to vector<512x128xf32>
    %mul3A_217 = arith.mulf %mul3A, %slice3A_216 : vector<512x128xf32>
    %slice3A_218 = vector.extract_strided_slice %get3A_1 {offsets = [0, 1], sizes = [512, 1], strides = [1, 1]} : vector<512x4xf32> to vector<512x1xf32>
    %slice3A_219 = vector.extract_strided_slice %dot_general3A_214 {offsets = [0, 128], sizes = [512, 128], strides = [1, 1]} : vector<512x512xf32> to vector<512x128xf32>
    %mul3A_220 = vector.broadcast %slice3A_218 : vector<512x1xf32> to vector<512x128xf32>
    %mul3A_221 = arith.mulf %mul3A_220, %slice3A_219 : vector<512x128xf32>
    %add3A = arith.addf %mul3A_217, %mul3A_221 : vector<512x128xf32>
    %slice3A_222 = vector.extract_strided_slice %get3A_1 {offsets = [0, 2], sizes = [512, 1], strides = [1, 1]} : vector<512x4xf32> to vector<512x1xf32>
    %slice3A_223 = vector.extract_strided_slice %dot_general3A_214 {offsets = [0, 256], sizes = [512, 128], strides = [1, 1]} : vector<512x512xf32> to vector<512x128xf32>
    %mul3A_224 = vector.broadcast %slice3A_222 : vector<512x1xf32> to vector<512x128xf32>
    %mul3A_225 = arith.mulf %mul3A_224, %slice3A_223 : vector<512x128xf32>
    %add3A_226 = arith.addf %add3A, %mul3A_225 : vector<512x128xf32>
    %slice3A_227 = vector.extract_strided_slice %dot_general3A_214 {offsets = [0, 384], sizes = [512, 128], strides = [1, 1]} : vector<512x512xf32> to vector<512x128xf32>
    %add3A_228 = arith.addf %add3A_226, %slice3A_227 : vector<512x128xf32>
    %eq3A_229 = vector.broadcast %max3A_205 : vector<512x1xf32> to vector<512x256xf32>
    %eq3A_230 = arith.cmpf oeq, %convert_element_type3A, %eq3A_229 : vector<512x256xf32>
    %convert_element_type3A_231 = arith.extui %eq3A_230 : vector<512x256xi1> to vector<512x256xi32>
    %convert_element_type3A_232 = arith.sitofp %convert_element_type3A_231 : vector<512x256xi32> to vector<512x256xf32>
    %dot_general3A_233 = arith.constant dense<0.000000e+00> : vector<512x512xf32>
    %dot_general3A_234 = tpu.matmul %convert_element_type3A_232, %get3A_208, %dot_general3A_233 {dimension_numbers = #tpu.dot_dimension_numbers<[1], [0], [0], [1], [0, 0, 1, 1], [], []>, transpose_lhs_hint = false} : vector<512x256xf32>, vector<256x512xf32>, vector<512x512xf32> -> vector<512x512xf32>
    %slice3A_235 = vector.extract_strided_slice %get3A_1 {offsets = [0, 0], sizes = [512, 1], strides = [1, 1]} : vector<512x4xf32> to vector<512x1xf32>
    %slice3A_236 = vector.extract_strided_slice %dot_general3A_234 {offsets = [0, 0], sizes = [512, 128], strides = [1, 1]} : vector<512x512xf32> to vector<512x128xf32>
    %mul3A_237 = vector.broadcast %slice3A_235 : vector<512x1xf32> to vector<512x128xf32>
    %mul3A_238 = arith.mulf %mul3A_237, %slice3A_236 : vector<512x128xf32>
    %slice3A_239 = vector.extract_strided_slice %get3A_1 {offsets = [0, 1], sizes = [512, 1], strides = [1, 1]} : vector<512x4xf32> to vector<512x1xf32>
    %slice3A_240 = vector.extract_strided_slice %dot_general3A_234 {offsets = [0, 128], sizes = [512, 128], strides = [1, 1]} : vector<512x512xf32> to vector<512x128xf32>
    %mul3A_241 = vector.broadcast %slice3A_239 : vector<512x1xf32> to vector<512x128xf32>
    %mul3A_242 = arith.mulf %mul3A_241, %slice3A_240 : vector<512x128xf32>
    %add3A_243 = arith.addf %mul3A_238, %mul3A_242 : vector<512x128xf32>
    %slice3A_244 = vector.extract_strided_slice %get3A_1 {offsets = [0, 2], sizes = [512, 1], strides = [1, 1]} : vector<512x4xf32> to vector<512x1xf32>
    %slice3A_245 = vector.extract_strided_slice %dot_general3A_234 {offsets = [0, 256], sizes = [512, 128], strides = [1, 1]} : vector<512x512xf32> to vector<512x128xf32>
    %mul3A_246 = vector.broadcast %slice3A_244 : vector<512x1xf32> to vector<512x128xf32>
    %mul3A_247 = arith.mulf %mul3A_246, %slice3A_245 : vector<512x128xf32>
    %add3A_248 = arith.addf %add3A_243, %mul3A_247 : vector<512x128xf32>
    %slice3A_249 = vector.extract_strided_slice %dot_general3A_234 {offsets = [0, 384], sizes = [512, 128], strides = [1, 1]} : vector<512x512xf32> to vector<512x128xf32>
    %add3A_250 = arith.addf %add3A_248, %slice3A_249 : vector<512x128xf32>
    %eq3A_251 = vector.broadcast %max3A_203 : vector<512x1xf32> to vector<512x256xf32>
    %eq3A_252 = arith.cmpf oeq, %convert_element_type3A, %eq3A_251 : vector<512x256xf32>
    %convert_element_type3A_253 = arith.extui %eq3A_252 : vector<512x256xi1> to vector<512x256xi32>
    %convert_element_type3A_254 = arith.sitofp %convert_element_type3A_253 : vector<512x256xi32> to vector<512x256xf32>
    %dot_general3A_255 = arith.constant dense<0.000000e+00> : vector<512x512xf32>
    %dot_general3A_256 = tpu.matmul %convert_element_type3A_254, %get3A_208, %dot_general3A_255 {dimension_numbers = #tpu.dot_dimension_numbers<[1], [0], [0], [1], [0, 0, 1, 1], [], []>, transpose_lhs_hint = false} : vector<512x256xf32>, vector<256x512xf32>, vector<512x512xf32> -> vector<512x512xf32>
    %slice3A_257 = vector.extract_strided_slice %get3A_1 {offsets = [0, 0], sizes = [512, 1], strides = [1, 1]} : vector<512x4xf32> to vector<512x1xf32>
    %slice3A_258 = vector.extract_strided_slice %dot_general3A_256 {offsets = [0, 0], sizes = [512, 128], strides = [1, 1]} : vector<512x512xf32> to vector<512x128xf32>
    %mul3A_259 = vector.broadcast %slice3A_257 : vector<512x1xf32> to vector<512x128xf32>
    %mul3A_260 = arith.mulf %mul3A_259, %slice3A_258 : vector<512x128xf32>
    %slice3A_261 = vector.extract_strided_slice %get3A_1 {offsets = [0, 1], sizes = [512, 1], strides = [1, 1]} : vector<512x4xf32> to vector<512x1xf32>
    %slice3A_262 = vector.extract_strided_slice %dot_general3A_256 {offsets = [0, 128], sizes = [512, 128], strides = [1, 1]} : vector<512x512xf32> to vector<512x128xf32>
    %mul3A_263 = vector.broadcast %slice3A_261 : vector<512x1xf32> to vector<512x128xf32>
    %mul3A_264 = arith.mulf %mul3A_263, %slice3A_262 : vector<512x128xf32>
    %add3A_265 = arith.addf %mul3A_260, %mul3A_264 : vector<512x128xf32>
    %slice3A_266 = vector.extract_strided_slice %get3A_1 {offsets = [0, 2], sizes = [512, 1], strides = [1, 1]} : vector<512x4xf32> to vector<512x1xf32>
    %slice3A_267 = vector.extract_strided_slice %dot_general3A_256 {offsets = [0, 256], sizes = [512, 128], strides = [1, 1]} : vector<512x512xf32> to vector<512x128xf32>
    %mul3A_268 = vector.broadcast %slice3A_266 : vector<512x1xf32> to vector<512x128xf32>
    %mul3A_269 = arith.mulf %mul3A_268, %slice3A_267 : vector<512x128xf32>
    %add3A_270 = arith.addf %add3A_265, %mul3A_269 : vector<512x128xf32>
    %slice3A_271 = vector.extract_strided_slice %dot_general3A_256 {offsets = [0, 384], sizes = [512, 128], strides = [1, 1]} : vector<512x512xf32> to vector<512x128xf32>
    %add3A_272 = arith.addf %add3A_270, %slice3A_271 : vector<512x128xf32>
    %concatenate3A = tpu.concatenate %add3A_228, %add3A_250, %add3A_272 in 1 : vector<512x128xf32>, vector<512x128xf32>, vector<512x128xf32> -> vector<512x384xf32>
    %iota3A_273 = tpu.iota {dimensions = array<i32: 1>} : vector<512x384xi32>
    %convert_element_type3A_274 = arith.sitofp %iota3A_273 : vector<512x384xi32> to vector<512x384xf32>
    %convert_element_type3A_275 = arith.fptosi %min3A_204 : vector<512x1xf32> to vector<512x1xi32>
    %convert_element_type3A_276 = arith.fptosi %max3A_205 : vector<512x1xf32> to vector<512x1xi32>
    %convert_element_type3A_277 = arith.fptosi %max3A_203 : vector<512x1xf32> to vector<512x1xi32>
    %reduce_min3A_278 = arith.constant dense<0x7F800000> : vector<512xf32>
    %reduce_min3A_279 = vector.multi_reduction <minimumf>, %concatenate3A, %reduce_min3A_278 [1] : vector<512x384xf32> to vector<512xf32>
    %broadcast_in_dim3A_280 = vector.shape_cast %reduce_min3A_279 : vector<512xf32> to vector<512x1xf32>
    %eq3A_281 = vector.broadcast %broadcast_in_dim3A_280 : vector<512x1xf32> to vector<512x384xf32>
    %eq3A_282 = arith.cmpf oeq, %concatenate3A, %eq3A_281 : vector<512x384xf32>
    %jit3A_283 = arith.constant 3.000000e+38 : f32
    %broadcast_in_dim3A_284 = vector.broadcast %jit3A_283 : f32 to vector<512x384xf32>
    %select_n3A_285 = arith.select %eq3A_282, %convert_element_type3A_274, %broadcast_in_dim3A_284 : vector<512x384xi1>, vector<512x384xf32>
    %reduce_min3A_286 = arith.constant dense<0x7F800000> : vector<512xf32>
    %reduce_min3A_287 = vector.multi_reduction <minimumf>, %select_n3A_285, %reduce_min3A_286 [1] : vector<512x384xf32> to vector<512xf32>
    %broadcast_in_dim3A_288 = vector.shape_cast %reduce_min3A_287 : vector<512xf32> to vector<512x1xf32>
    %eq3A_289 = vector.broadcast %broadcast_in_dim3A_288 : vector<512x1xf32> to vector<512x384xf32>
    %eq3A_290 = arith.cmpf oeq, %convert_element_type3A_274, %eq3A_289 : vector<512x384xf32>
    %jit3A_291 = arith.constant 3.000000e+38 : f32
    %broadcast_in_dim3A_292 = vector.broadcast %jit3A_291 : f32 to vector<512x384xf32>
    %select_n3A_293 = arith.select %eq3A_290, %broadcast_in_dim3A_292, %concatenate3A : vector<512x384xi1>, vector<512x384xf32>
    %reduce_min3A_294 = arith.constant dense<0x7F800000> : vector<512xf32>
    %reduce_min3A_295 = vector.multi_reduction <minimumf>, %select_n3A_293, %reduce_min3A_294 [1] : vector<512x384xf32> to vector<512xf32>
    %broadcast_in_dim3A_296 = vector.shape_cast %reduce_min3A_295 : vector<512xf32> to vector<512x1xf32>
    %eq3A_297 = vector.broadcast %broadcast_in_dim3A_296 : vector<512x1xf32> to vector<512x384xf32>
    %eq3A_298 = arith.cmpf oeq, %select_n3A_293, %eq3A_297 : vector<512x384xf32>
    %jit3A_299 = arith.constant 3.000000e+38 : f32
    %broadcast_in_dim3A_300 = vector.broadcast %jit3A_299 : f32 to vector<512x384xf32>
    %select_n3A_301 = arith.select %eq3A_298, %convert_element_type3A_274, %broadcast_in_dim3A_300 : vector<512x384xi1>, vector<512x384xf32>
    %reduce_min3A_302 = arith.constant dense<0x7F800000> : vector<512xf32>
    %reduce_min3A_303 = vector.multi_reduction <minimumf>, %select_n3A_301, %reduce_min3A_302 [1] : vector<512x384xf32> to vector<512xf32>
    %broadcast_in_dim3A_304 = vector.shape_cast %reduce_min3A_303 : vector<512xf32> to vector<512x1xf32>
    %eq3A_305 = vector.broadcast %broadcast_in_dim3A_304 : vector<512x1xf32> to vector<512x384xf32>
    %eq3A_306 = arith.cmpf oeq, %convert_element_type3A_274, %eq3A_305 : vector<512x384xf32>
    %jit3A_307 = arith.constant 3.000000e+38 : f32
    %broadcast_in_dim3A_308 = vector.broadcast %jit3A_307 : f32 to vector<512x384xf32>
    %select_n3A_309 = arith.select %eq3A_306, %broadcast_in_dim3A_308, %select_n3A_293 : vector<512x384xi1>, vector<512x384xf32>
    %reduce_min3A_310 = arith.constant dense<0x7F800000> : vector<512xf32>
    %reduce_min3A_311 = vector.multi_reduction <minimumf>, %select_n3A_309, %reduce_min3A_310 [1] : vector<512x384xf32> to vector<512xf32>
    %broadcast_in_dim3A_312 = vector.shape_cast %reduce_min3A_311 : vector<512xf32> to vector<512x1xf32>
    %eq3A_313 = vector.broadcast %broadcast_in_dim3A_312 : vector<512x1xf32> to vector<512x384xf32>
    %eq3A_314 = arith.cmpf oeq, %select_n3A_309, %eq3A_313 : vector<512x384xf32>
    %jit3A_315 = arith.constant 3.000000e+38 : f32
    %broadcast_in_dim3A_316 = vector.broadcast %jit3A_315 : f32 to vector<512x384xf32>
    %select_n3A_317 = arith.select %eq3A_314, %convert_element_type3A_274, %broadcast_in_dim3A_316 : vector<512x384xi1>, vector<512x384xf32>
    %reduce_min3A_318 = arith.constant dense<0x7F800000> : vector<512xf32>
    %reduce_min3A_319 = vector.multi_reduction <minimumf>, %select_n3A_317, %reduce_min3A_318 [1] : vector<512x384xf32> to vector<512xf32>
    %broadcast_in_dim3A_320 = vector.shape_cast %reduce_min3A_319 : vector<512xf32> to vector<512x1xf32>
    %convert_element_type3A_321 = arith.fptosi %broadcast_in_dim3A_288 : vector<512x1xf32> to vector<512x1xi32>
    %and3A = arith.constant 127 : i32
    %and3A_322 = vector.broadcast %and3A : i32 to vector<512x1xi32>
    %and3A_323 = arith.andi %convert_element_type3A_321, %and3A_322 : vector<512x1xi32>
    %ge3A = arith.constant 128 : i32
    %ge3A_324 = vector.broadcast %ge3A : i32 to vector<512x1xi32>
    %ge3A_325 = arith.cmpi sge, %convert_element_type3A_321, %ge3A_324 : vector<512x1xi32>
    %ge3A_326 = arith.constant 256 : i32
    %ge3A_327 = vector.broadcast %ge3A_326 : i32 to vector<512x1xi32>
    %ge3A_328 = arith.cmpi sge, %convert_element_type3A_321, %ge3A_327 : vector<512x1xi32>
    %select_n3A_329 = arith.select %ge3A_325, %convert_element_type3A_276, %convert_element_type3A_275 : vector<512x1xi1>, vector<512x1xi32>
    %select_n3A_330 = arith.select %ge3A_328, %convert_element_type3A_277, %select_n3A_329 : vector<512x1xi1>, vector<512x1xi32>
    %mul3A_331 = arith.constant 256 : i32
    %mul3A_332 = vector.broadcast %mul3A_331 : i32 to vector<512x1xi32>
    %mul3A_333 = arith.muli %and3A_323, %mul3A_332 : vector<512x1xi32>
    %add3A_334 = arith.addi %mul3A_333, %select_n3A_330 : vector<512x1xi32>
    %convert_element_type3A_335 = arith.fptosi %broadcast_in_dim3A_304 : vector<512x1xf32> to vector<512x1xi32>
    %and3A_336 = arith.constant 127 : i32
    %and3A_337 = vector.broadcast %and3A_336 : i32 to vector<512x1xi32>
    %and3A_338 = arith.andi %convert_element_type3A_335, %and3A_337 : vector<512x1xi32>
    %ge3A_339 = arith.constant 128 : i32
    %ge3A_340 = vector.broadcast %ge3A_339 : i32 to vector<512x1xi32>
    %ge3A_341 = arith.cmpi sge, %convert_element_type3A_335, %ge3A_340 : vector<512x1xi32>
    %ge3A_342 = arith.constant 256 : i32
    %ge3A_343 = vector.broadcast %ge3A_342 : i32 to vector<512x1xi32>
    %ge3A_344 = arith.cmpi sge, %convert_element_type3A_335, %ge3A_343 : vector<512x1xi32>
    %select_n3A_345 = arith.select %ge3A_341, %convert_element_type3A_276, %convert_element_type3A_275 : vector<512x1xi1>, vector<512x1xi32>
    %select_n3A_346 = arith.select %ge3A_344, %convert_element_type3A_277, %select_n3A_345 : vector<512x1xi1>, vector<512x1xi32>
    %mul3A_347 = arith.constant 256 : i32
    %mul3A_348 = vector.broadcast %mul3A_347 : i32 to vector<512x1xi32>
    %mul3A_349 = arith.muli %and3A_338, %mul3A_348 : vector<512x1xi32>
    %add3A_350 = arith.addi %mul3A_349, %select_n3A_346 : vector<512x1xi32>
    %convert_element_type3A_351 = arith.fptosi %broadcast_in_dim3A_320 : vector<512x1xf32> to vector<512x1xi32>
    %and3A_352 = arith.constant 127 : i32
    %and3A_353 = vector.broadcast %and3A_352 : i32 to vector<512x1xi32>
    %and3A_354 = arith.andi %convert_element_type3A_351, %and3A_353 : vector<512x1xi32>
    %ge3A_355 = arith.constant 128 : i32
    %ge3A_356 = vector.broadcast %ge3A_355 : i32 to vector<512x1xi32>
    %ge3A_357 = arith.cmpi sge, %convert_element_type3A_351, %ge3A_356 : vector<512x1xi32>
    %ge3A_358 = arith.constant 256 : i32
    %ge3A_359 = vector.broadcast %ge3A_358 : i32 to vector<512x1xi32>
    %ge3A_360 = arith.cmpi sge, %convert_element_type3A_351, %ge3A_359 : vector<512x1xi32>
    %select_n3A_361 = arith.select %ge3A_357, %convert_element_type3A_276, %convert_element_type3A_275 : vector<512x1xi1>, vector<512x1xi32>
    %select_n3A_362 = arith.select %ge3A_360, %convert_element_type3A_277, %select_n3A_361 : vector<512x1xi1>, vector<512x1xi32>
    %mul3A_363 = arith.constant 256 : i32
    %mul3A_364 = vector.broadcast %mul3A_363 : i32 to vector<512x1xi32>
    %mul3A_365 = arith.muli %and3A_354, %mul3A_364 : vector<512x1xi32>
    %add3A_366 = arith.addi %mul3A_365, %select_n3A_362 : vector<512x1xi32>
    %mul3A_367 = arith.constant 512 : i32
    %mul3A_368 = arith.muli %arg0, %mul3A_367 : i32
    %iota3A_369 = tpu.iota {dimensions = array<i32: 0>} : vector<512x1xi32>
    %add3A_370 = vector.broadcast %mul3A_368 : i32 to vector<512x1xi32>
    %add3A_371 = arith.addi %add3A_370, %iota3A_369 : vector<512x1xi32>
    %ge3A_372 = arith.constant 20000 : i32
    %ge3A_373 = vector.broadcast %ge3A_372 : i32 to vector<512x1xi32>
    %ge3A_374 = arith.cmpi sge, %add3A_371, %ge3A_373 : vector<512x1xi32>
    %select_n3A_375 = arith.select %ge3A_374, %add3A_371, %add3A_334 : vector<512x1xi1>, vector<512x1xi32>
    %swap3A = arith.constant 0 : index
    %swap3A_376 = arith.constant 0 : index
    %swap3A_377 = vector.load %arg4[%swap3A, %swap3A_376] : memref<512x1xi32, #tpu.memory_space<vmem>>, vector<512x1xi32>
    tpu.vector_store %arg4[%swap3A, %swap3A_376], %select_n3A_375 {strides = array<i32>} : memref<512x1xi32, #tpu.memory_space<vmem>>, vector<512x1xi32>,
    %select_n3A_378 = arith.select %ge3A_374, %add3A_371, %add3A_350 : vector<512x1xi1>, vector<512x1xi32>
    %swap3A_379 = arith.constant 0 : index
    %swap3A_380 = arith.constant 0 : index
    %swap3A_381 = vector.load %arg5[%swap3A_379, %swap3A_380] : memref<512x1xi32, #tpu.memory_space<vmem>>, vector<512x1xi32>
    tpu.vector_store %arg5[%swap3A_379, %swap3A_380], %select_n3A_378 {strides = array<i32>} : memref<512x1xi32, #tpu.memory_space<vmem>>, vector<512x1xi32>,
    %select_n3A_382 = arith.select %ge3A_374, %add3A_371, %add3A_366 : vector<512x1xi1>, vector<512x1xi32>
    %swap3A_383 = arith.constant 0 : index
    %swap3A_384 = arith.constant 0 : index
    %swap3A_385 = vector.load %arg6[%swap3A_383, %swap3A_384] : memref<512x1xi32, #tpu.memory_space<vmem>>, vector<512x1xi32>
    tpu.vector_store %arg6[%swap3A_383, %swap3A_384], %select_n3A_382 {strides = array<i32>} : memref<512x1xi32, #tpu.memory_space<vmem>>, vector<512x1xi32>,
    return
  }
  func.func @transform_0(%arg0: i32) -> (i32, i32) {
    %c0_i32 = arith.constant 0 : i32
    %c0_i32_0 = arith.constant 0 : i32
    return %arg0, %c0_i32 : i32, i32
  }
  func.func @transform_1(%arg0: i32) -> (i32, i32) {
    %c0_i32 = arith.constant 0 : i32
    %c0_i32_0 = arith.constant 0 : i32
    %c0_i32_1 = arith.constant 0 : i32
    return %c0_i32, %c0_i32_0 : i32, i32
  }
  func.func @transform_2(%arg0: i32) -> (i32, i32) {
    %c0_i32 = arith.constant 0 : i32
    %c0_i32_0 = arith.constant 0 : i32
    %c0_i32_1 = arith.constant 0 : i32
    return %c0_i32, %c0_i32_0 : i32, i32
  }
  func.func @transform_3(%arg0: i32) -> (i32, i32) {
    %c0_i32 = arith.constant 0 : i32
    %c0_i32_0 = arith.constant 0 : i32
    return %arg0, %c0_i32 : i32, i32
  }
  func.func @transform_4(%arg0: i32) -> (i32, i32) {
    %c0_i32 = arith.constant 0 : i32
    %c0_i32_0 = arith.constant 0 : i32
    return %arg0, %c0_i32 : i32, i32
  }
  func.func @transform_5(%arg0: i32) -> (i32, i32) {
    %c0_i32 = arith.constant 0 : i32
    %c0_i32_0 = arith.constant 0 : i32
    return %arg0, %c0_i32 : i32, i32
  }
}

module attributes {stable_mosaic.version = 14 : i64} {
  func.func @_reduce_body(%arg0: i32, %arg1: memref<1024x128xf32, #tpu.memory_space<vmem>>, %arg2: memref<8x128xf32, #tpu.memory_space<vmem>>, %arg3: memref<8x128xf32, #tpu.memory_space<vmem>>, %arg4: memref<1x1xf32, #tpu.memory_space<vmem>>) attributes {dimension_semantics = [#tpu.dimension_semantics<arbitrary>], iteration_bounds = array<i64: 10>, scalar_prefetch = 0 : i64, scratch_operands = 0 : i64, tpu.core_type = #tpu.core_type<tc>, window_params = [{transform_indices = @transform_0, window_bounds = array<i64: 1024, 128>}, {pipeline_mode = #tpu.pipeline_mode<synchronous>, transform_indices = @transform_1, window_bounds = array<i64: 8, 128>}, {pipeline_mode = #tpu.pipeline_mode<synchronous>, transform_indices = @transform_2, window_bounds = array<i64: 8, 128>}, {pipeline_mode = #tpu.pipeline_mode<synchronous>, transform_indices = @transform_3, window_bounds = array<i64: 1, 1>}]} {
    %get3A = arith.constant 0 : index
    %get3A_0 = arith.constant 0 : index
    %get3A_1 = vector.load %arg1[%get3A, %get3A_0] : memref<1024x128xf32, #tpu.memory_space<vmem>>, vector<1024x128xf32>
    %get3A_2 = arith.constant 0 : index
    %get3A_3 = arith.constant 0 : index
    %get3A_4 = vector.load %arg2[%get3A_2, %get3A_3] : memref<8x128xf32, #tpu.memory_space<vmem>>, vector<1x128xf32>
    %get3A_5 = arith.constant 0 : index
    %get3A_6 = arith.constant 0 : index
    %get3A_7 = vector.load %arg3[%get3A_5, %get3A_6] : memref<8x128xf32, #tpu.memory_space<vmem>>, vector<1x128xf32>
    %sqrt3A = math.sqrt %get3A_1 : vector<1024x128xf32>
    %mul3A = vector.broadcast %get3A_4 : vector<1x128xf32> to vector<1024x128xf32>
    %mul3A_8 = arith.mulf %mul3A, %sqrt3A : vector<1024x128xf32>
    %reduce_sum3A = vector.shape_cast %mul3A_8 : vector<1024x128xf32> to vector<1x1024x128xf32>
    %reduce_sum3A_9 = arith.constant dense<0.000000e+00> : vector<1xf32>
    %reduce_sum3A_10 = vector.multi_reduction <add>, %reduce_sum3A, %reduce_sum3A_9 [1, 2] : vector<1x1024x128xf32> to vector<1xf32>
    %reduce_sum3A_11 = vector.shape_cast %reduce_sum3A_10 : vector<1xf32> to vector<1x1x1xf32>
    %reduce_sum3A_12 = vector.extract %reduce_sum3A_11[0, 0, 0] : f32 from vector<1x1x1xf32>
    %mul3A_13 = vector.broadcast %get3A_7 : vector<1x128xf32> to vector<1024x128xf32>
    %mul3A_14 = arith.mulf %mul3A_13, %get3A_1 : vector<1024x128xf32>
    %reduce_sum3A_15 = vector.shape_cast %mul3A_14 : vector<1024x128xf32> to vector<1x1024x128xf32>
    %reduce_sum3A_16 = arith.constant dense<0.000000e+00> : vector<1xf32>
    %reduce_sum3A_17 = vector.multi_reduction <add>, %reduce_sum3A_15, %reduce_sum3A_16 [1, 2] : vector<1x1024x128xf32> to vector<1xf32>
    %reduce_sum3A_18 = vector.shape_cast %reduce_sum3A_17 : vector<1xf32> to vector<1x1x1xf32>
    %reduce_sum3A_19 = vector.extract %reduce_sum3A_18[0, 0, 0] : f32 from vector<1x1x1xf32>
    %add3A = arith.addf %reduce_sum3A_12, %reduce_sum3A_19 : f32
    %reshape3A = vector.broadcast %add3A : f32 to vector<1x1xf32>
    %eq3A = arith.constant 0 : i32
    %eq3A_20 = arith.cmpi eq, %arg0, %eq3A : i32
    %broadcast_in_dim3A = arith.constant 0.000000e+00 : f32
    %broadcast_in_dim3A_21 = vector.broadcast %broadcast_in_dim3A : f32 to vector<1x1xf32>
    %get3A_22 = arith.constant 0 : index
    %get3A_23 = arith.constant 0 : index
    %get3A_24 = vector.load %arg4[%get3A_22, %get3A_23] : memref<1x1xf32, #tpu.memory_space<vmem>>, vector<1x1xf32>
    %select_n3A = arith.select %eq3A_20, %broadcast_in_dim3A_21, %get3A_24 : vector<1x1xf32>
    %add3A_25 = arith.addf %select_n3A, %reshape3A : vector<1x1xf32>
    %swap3A = arith.constant 0 : index
    %swap3A_26 = arith.constant 0 : index
    %swap3A_27 = vector.load %arg4[%swap3A, %swap3A_26] : memref<1x1xf32, #tpu.memory_space<vmem>>, vector<1x1xf32>
    tpu.vector_store %arg4[%swap3A, %swap3A_26], %add3A_25 {strides = array<i32>} : memref<1x1xf32, #tpu.memory_space<vmem>>, vector<1x1xf32>,
    return
  }
  func.func @transform_0(%arg0: i32) -> (i32, i32) {
    %c0_i32 = arith.constant 0 : i32
    %c0_i32_0 = arith.constant 0 : i32
    return %arg0, %c0_i32 : i32, i32
  }
  func.func @transform_1(%arg0: i32) -> (i32, i32) {
    %c0_i32 = arith.constant 0 : i32
    %c0_i32_0 = arith.constant 0 : i32
    %c0_i32_1 = arith.constant 0 : i32
    return %c0_i32, %c0_i32_0 : i32, i32
  }
  func.func @transform_2(%arg0: i32) -> (i32, i32) {
    %c0_i32 = arith.constant 0 : i32
    %c0_i32_0 = arith.constant 0 : i32
    %c0_i32_1 = arith.constant 0 : i32
    return %c0_i32, %c0_i32_0 : i32, i32
  }
  func.func @transform_3(%arg0: i32) -> (i32, i32) {
    %c0_i32 = arith.constant 0 : i32
    %c0_i32_0 = arith.constant 0 : i32
    %c0_i32_1 = arith.constant 0 : i32
    return %c0_i32, %c0_i32_0 : i32, i32
  }
}

</mosaic_0001>

<sc_bundles>
// kernel: kernel.5.cloned.1.call-start
scs
__scs_entry_jumppad:
0x0: {  	(pc) =	sbr.rel $0x88, $3  }
0x1: {  	(tag) =	ssettag $0x0;
	lr =	simm.s32 $0x1  }
0x2: {  	[smem:$0x3F9C] =	sst lr;
	_ =	strace $0xD0000000  }
0x3: {  	_ = 	snop  }
0x4: {  	_ = 	snop  }
0x5: {  	_ = 	snop  }
0x6: {  	_ = 	snop  }
0x7: {  	_ = 	snop  }
__scs_overlays_trampoline_lowered:
0x8: {  	[smem:$0x3FAB] =	sst s0  }
0x9: {  	[smem:$0x3FAC] =	sst s1  }
0xa: {  	[smem:$0x3FAD] =	sst s2  }
0xb: {  	[smem:$0x3FAE] =	sst s3  }
0xc: {  	[smem:$0x3FAF] =	sst s4  }
0xd: {  	[smem:$0x3FB0] =	sst s5  }
0xe: {  	[smem:$0x3FB1] =	sst s6  }
0xf: {  	[smem:$0x3FB2] =	sst s7  }
0x10: {  	[smem:$0x3FB3] =	sst s8  }
0x11: {  	[smem:$0x3FB4] =	sst s9;
	s0 =	simm.s32 @!p0 $0x0  }
0x12: {  	s1 =	sld [smem:$0x3F9A];
	s0 =	simm.s32 @p0 $0x1  }
0x13: {  	[smem:$0x3FB5] =	sst s0;
	s0 =	simm.s32 @!p1 $0x0  }
0x14: {  	s2 =	sld [smem:$0x3F99];
	s0 =	simm.s32 @p1 $0x1  }
0x15: {  	[smem:$0x3FB6] =	sst s0;
	s0 =	simm.s32 @!p2 $0x0  }
0x16: {  	s3 =	sld [smem:$0x3FDB];
	s0 =	simm.s32 @p2 $0x1  }
0x17: {  	s4 =	simm.s32 $0x1BF5;
	[smem:$0x3FB8] =	sst s0  }
0x18: {  	s0 =	sld [smem:$0x3F9B];
	_ =	swait.ge [sflag:s4], $0x0  }
0x19: {  	s7 =	sld [smem:$0x3F9C]  }
0x1a: {  	s8 =	sadd.s32 $0xFFFFE003, lr  }
0x1b: {  	s9 =	sadd.s32 $0xFFFFFEF7, lr;
	s5 =	simm.s32 $0xFFFFFFFF;
	p2 =	slt.u32 s8, $0xFFFFF086  }
0x1c: {  	p1 =	slt.u32 s9, $0xF7A;
	s5 =	simm.s32 @!p2 $0x0  }
0x1d: {  	s5 =	simm.s32 @p1 $0x1;
	p0 =	seq.s32 s7, s2  }
0x1e: {  	s7 =	smul.u32 @!p0 $0xF7A, s2;
	p2 =	seq.s32 @!p0 s5, $0x0  }
0x1f: {  	s9 =	smul.u32 $0xF7A, s1;
	s8 =	simm.s32 @!p0 $0x1BF5;
	p2 =	por !p2, p0  }
0x20: {  	[sflag:s8] =	ssyncset.s32 @!p0 $0xFFFFF086;
	s6 =	sadd.s32 @!p0 s3, s7;
	s7 =	simm.s32 @!p0 $0x108  }
0x21: {  	s3 =	sadd.s32 s3, s9;
	s6 =	sadd.s32 @!p0 $0x88, s6;
	s7 =	simm.s32 @p2 $0x1082  }
0x22: {  	[simem:s7], [sflag:s8] =	dma.local @!p0 [hbm:s6], $0xF7A  }
0x23: {  	s9 =	sor.u32 $0xD0000000, s2;
	s6 =	simm.s32 $0x108;
	_ =	swait.ge @!p0 [sflag:s8], $0x0  }
0x24: {  	s3 =	sadd.s32 $0x88, s3;
	s6 =	simm.s32 @!p1 $0x1082;
	[sflag:s4] =	ssyncset.s32 $0xFFFFF086  }
0x25: {  	[simem:s6], [sflag:s4] =	dma.local [hbm:s3], $0xF7A  }
0x26: {  	[smem:$0x3F9C] =	sst s1;
	(tag) =	ssettag s2;
	_ =	strace s9  }
0x27: {  	s1 =	sld [smem:$0x3FAC]  }
0x28: {  	s2 =	sld [smem:$0x3FAD]  }
0x29: {  	s4 =	sld [smem:$0x3FAF]  }
0x2a: {  	p0 =	seq.s32 s5, $0x0;
	s5 =	sld [smem:$0x3FB0]  }
0x2b: {  	s6 =	sld [smem:$0x3FB1]  }
0x2c: {  	s7 =	sld [smem:$0x3FB2]  }
0x2d: {  	s3 =	simm.s32 $0x108;
	s8 =	sld [smem:$0x3FB3]  }
0x2e: {  	s3 =	simm.s32 @!p0 $0x1082;
	s9 =	sld [smem:$0x3FB4]  }
0x2f: {  	lr =	sadd.s32 s0, s3;
	s0 =	sld [smem:$0x3FAB]  }
0x30: {  	s3 =	sld [smem:$0x3FAE]  }
0x31: {  	[smem:$0x3FB7] =	sst s10  }
0x32: {  	s10 =	sld [smem:$0x3FB5];
	_ =	sdelay $0x3  }
0x33: {  	p0 =	seq.s32 s10, $0x1;
	s10 =	sld [smem:$0x3FB7];
	_ =	sdelay $0x3  }
0x34: {  	[smem:$0x3FB7] =	sst s10  }
0x35: {  	s10 =	sld [smem:$0x3FB6];
	_ =	sdelay $0x3  }
0x36: {  	p1 =	seq.s32 s10, $0x1;
	s10 =	sld [smem:$0x3FB7];
	_ =	sdelay $0x3  }
0x37: {  	[smem:$0x3FB7] =	sst s10  }
0x38: {  	s10 =	sld [smem:$0x3FB8]  }
0x39: {  	_ = 	snop;
	(pc) =	sbr.ind lr, $3  }
0x3a: {  	_ = 	snop  }
0x3b: {  	_ = 	snop  }
0x3c: {  	p2 =	seq.s32 s10, $0x1;
	s10 =	sld [smem:$0x3FB7]  }
0x3d: {  	_ =	shalt  }
0x3e: {  	_ =	shalt  }
0x3f: {  	_ =	shalt  }
0x40: {  	_ =	shalt  }
0x41: {  	_ =	shalt  }
0x42: {  	_ =	shalt  }
0x43: {  	_ =	shalt  }
0x44: {  	_ =	shalt  }
0x45: {  	_ =	shalt  }
0x46: {  	_ =	shalt  }
0x47: {  	_ =	shalt  }
0x48: {  	_ =	shalt  }
0x49: {  	_ =	shalt  }
0x4a: {  	_ =	shalt  }
0x4b: {  	_ =	shalt  }
0x4c: {  	_ =	shalt  }
0x4d: {  	_ =	shalt  }
0x4e: {  	_ =	shalt  }
0x4f: {  	_ =	shalt  }
0x50: {  	_ =	shalt  }
0x51: {  	_ =	shalt  }
0x52: {  	_ =	shalt  }
0x53: {  	_ =	shalt  }
0x54: {  	_ =	shalt  }
0x55: {  	_ =	shalt  }
0x56: {  	_ =	shalt  }
0x57: {  	_ =	shalt  }
0x58: {  	_ =	shalt  }
0x59: {  	_ =	shalt  }
0x5a: {  	_ =	shalt  }
0x5b: {  	_ =	shalt  }
0x5c: {  	_ =	shalt  }
0x5d: {  	_ =	shalt  }
0x5e: {  	_ =	shalt  }
0x5f: {  	_ =	shalt  }
0x60: {  	_ =	shalt  }
0x61: {  	_ =	shalt  }
0x62: {  	_ =	shalt  }
0x63: {  	_ =	shalt  }
0x64: {  	_ =	shalt  }
0x65: {  	_ =	shalt  }
0x66: {  	_ =	shalt  }
0x67: {  	_ =	shalt  }
0x68: {  	_ =	shalt  }
0x69: {  	_ =	shalt  }
0x6a: {  	_ =	shalt  }
0x6b: {  	_ =	shalt  }
0x6c: {  	_ =	shalt  }
0x6d: {  	_ =	shalt  }
0x6e: {  	_ =	shalt  }
0x6f: {  	_ =	shalt  }
0x70: {  	_ =	shalt  }
0x71: {  	_ =	shalt  }
0x72: {  	_ =	shalt  }
0x73: {  	_ =	shalt  }
0x74: {  	_ =	shalt  }
0x75: {  	_ =	shalt  }
0x76: {  	_ =	shalt  }
0x77: {  	_ =	shalt  }
0x78: {  	_ =	shalt  }
0x79: {  	_ =	shalt  }
0x7a: {  	_ =	shalt  }
0x7b: {  	_ =	shalt  }
0x7c: {  	_ =	shalt  }
0x7d: {  	_ =	shalt  }
0x7e: {  	_ =	shalt  }
0x7f: {  	_ =	shalt  }
0x80: {  	_ =	shalt  }
0x81: {  	_ =	shalt  }
0x82: {  	_ =	shalt  }
0x83: {  	_ =	shalt  }
0x84: {  	_ =	shalt  }
0x85: {  	_ =	shalt  }
0x86: {  	_ =	shalt  }
0x87: {  	_ =	shalt  }
.Lfunc_end0:
.L_simem_size_0:
called_computation_lowered:
.L_overlay_start_0:
0x88: {  	s2 =	sld [smem:$0x3FD9]  }
0x89: {  	s3 =	sld [smem:$0x3FFE];
	_ =	sdelay $0x1  }
0x8a: {  	s1 =	srdreg.scid  }
0x8b: {  	s0 =	sand.u32 $0x1, s1  }
0x8c: {  	s16 =	sshll.u32 s0, $0xA;
	s2 =	sadd.s32 s3, s2  }
0x8d: {  	s2 =	sadd.s32 s2, s16  }
0x8e: {  	[smem:$0x3FC3] =	sst s2  }
0x8f: {  	_ = 	snop  }
0x90: {  	(tm) =	ssettm $0x1  }
0x91: {  	s17 =	sld [smem:$0x3FFB];
	_ =	sdelay $0x3  }
0x92: {  	_ =	strace s17  }
0x93: {  	s2 =	sld [smem:$0x3FFC];
	_ =	sdelay $0x3  }
0x94: {  	_ =	strace s2  }
0x95: {  	s2 =	sld [smem:$0x3FFD];
	_ =	sdelay $0x3  }
0x96: {  	_ =	strace s2  }
0x97: {  	_ =	strace $0x8FFFFFFF  }
0x98: {  	s18 =	sld [smem:$0x3FDB];
	_ =	sdelay $0x1  }
0x99: {  	s19 =	simm.s32 $_scs_section_size  }
0x9a: {  	s4 =	simm.s32 $_size__tile_overlayer_lowered;
	s5 =	simm.s32 $_tile_overlayer_lowered  }
0x9b: {  	s22 =	simm.s32 $0x1BFF;
	s21 =	sshll.u32 s5, $0x1;
	s2 =	sadd.s32 s19, s18  }
0x9c: {  	s6 =	simm.s32 $0x0;
	s20 =	sshll.u32 s4, $0x1;
	s4 =	sadd.s32 s21, s2  }
0x9d: {  	[timem:s6], [sflag:s22] =	dma.local [hbm:s4], s20  }
0x9e: {  	_ =	swait.ge [sflag:s22], s20  }
0x9f: {  	s3 =	ssub.s32 $0x0, s20;
	[sflag:s22] =	ssyncset.done $0x0  }
0xa0: {  	[sflag:s22] =	ssyncadd.s32 s3;
	_ =	sdelay $0x1  }
0xa1: {  	s23 =	simm.s32 $0x1B8B  }
0xa2: {  	_ =	swait.ge [sflag:s23], $0x1  }
0xa3: {  	[sflag:s23] =	ssyncset.done $0x0  }
0xa4: {  	s25 =	simm.s32 $0x1B8E;
	s24 =	sld [smem:$0x3FFE];
	[sflag:s23] =	ssyncadd.s32 $0xFFFFFFFF  }
0xa5: {  	s26 =	simm.s32 $execute0_lowered;
	[smem:$0x3FD2] =	sst s25  }
0xa6: {  	s4 =	sshll.u32 s26, $0x1;
	_ =	strace $0x80000046;
	[dreg:$0x1] =	wrdreg $0xFFFFFFFF  }
0xa7: {  	s28 =	simm.s32 $_size_execute0_lowered;
	s2 =	sadd.s32 s2, s4;
	[dreg:$0x0] =	wrdreg $0x0  }
0xa8: {  	s4 =	sshll.u32 s28, $0x1;
	[dreg:$0x2] =	wrdreg s2  }
0xa9: {  	[dreg:$0x3] =	wrdreg s4  }
0xaa: {  	[dreg:$0x4] =	wrdreg $0xC0  }
0xab: {  	_ =	task [dreg:s6], $0x5FFFF  }
0xac: {  	[dreg:$0x1] =	wrdreg $0xFFFFFFFF  }
0xad: {  	[dreg:$0x0] =	wrdreg $0x60  }
0xae: {  	[dreg:$0x2] =	wrdreg s24  }
0xaf: {  	[dreg:$0x3] =	wrdreg $0x9  }
0xb0: {  	_ =	task.clear_ibuf [dreg:s6], $0x4FFFF;
	_ =	strace $0x90000046  }
0xb1: {  	s29 =	simm.s32 $0x9;
	_ =	strace $0x80000048  }
0xb2: {  	_ =	swait.ge [sflag:s29], $0x1  }
0xb3: {  	[sflag:s29] =	ssyncadd.s32 $0xFFFFFFFF  }
0xb4: {  	_ =	strace $0x90000048  }
0xb5: {  	_ =	sfence  }
0xb6: {  	s30 =	sld [smem:$0x0];
	_ =	sdelay $0x2  }
0xb7: {  	s31 =	sshll.u32 s1, $0xD;
	s1 =	sshrl.u32 s1, $0x2  }
0xb8: {  	s3 =	sand.u32 $0x4000, s31;
	s1 =	sadd.s32 s1, s30  }
0xb9: {  	s0 =	sor.u32 s3, s0;
	s1 =	sshll.u32 s1, $0x11  }
0xba: {  	s0 =	sor.u32 s1, s0  }
0xbb: {  	s0 =	sadd.s32 $0x8F2B, s0  }
0xbc: {  	[sflag:s0] =	ssyncadd.remote.s32 $0x1  }
0xbd: {  	_ =	sfence.sel $0xFFFF  }
0xbe: {  	[dreg:$0x0] =	wrdreg $0xFFFFFFFF;
	(pc) =	sbr.abs _section_cstart, $3  }
0xbf: {  	[dreg:$0x1] =	wrdreg $0xFFFFFFFF  }
0xc0: {  	_ =	task.clear_ibuf [dreg:s6], $0x2FFFF;
	_ =	strace $0x9FFFFFFF  }
0xc1: {  	(tm) =	ssettm $0x7FFFFFFF  }
tec
execute0_lowered:
.L_overlay_start_1:
0x0: {  	(tag) =	ssettag $0x1  }
0x1: {  	s0 =	srdreg.scid  }
0x2: {  	s1 =	stileid.u32;
	s2 =	rddreg [dreg:$0x0];
	s3 =	simm.s32 $0x0  }
0x3: {  	s31 =	simm.s32 $0x2;
	s0 =	sand.u32 $0x1, s0;
	s1 =	sshll.u32 s1, $0x1  }
0x4: {  	[smem:$0x7FF] =	sst s3;
	s6 =	sadd.s32 $0x50000, s2;
	s1 =	sor.u32 s0, s1  }
0x5: {  	s7 =	sadd.s32 $0x51E00, s2;
	s0 =	ssub.s32 $0x2, s0;
	s5 =	smul.u32 $0x280, s1  }
0x6: {  	_ =	strace $0x80000047;
	s8 =	sshrl.u32 s0, $0x1;
	s1 =	smul.u32 $0x2800, s1  }
0x7: {  	s0 =	ssub.s32 s0, s8;
	s8 =	simm.s32 $0xC200;
	s4 =	sshrl.u32 s5, $0x3  }
0x8: {  	s11 =	sadd.s32 $0x80, s5;
	s12 =	sadd.s32 s2, s1;
	s1 =	sadd.s32 s7, s1  }
0x9: {  	s18 =	sadd.s32 $0x100, s5;
	s23 =	sadd.s32 $0x180, s5;
	s5 =	sadd.s32 $0x200, s5  }
0xa: {  	s4 =	sadd.s32 s6, s4;
	[dreg:$0x4] =	wrdreg s12;
	s13 =	sshrl.u32 s11, $0x3  }
0xb: {  	[dreg:$0x5] =	wrdreg s1;
	s17 =	sshll.u32 s11, $0x4;
	s20 =	sshrl.u32 s18, $0x3  }
0xc: {  	s22 =	sshll.u32 s18, $0x4;
	s24 =	sshrl.u32 s23, $0x3;
	s25 =	sshll.u32 s23, $0x4  }
0xd: {  	s26 =	sshrl.u32 s5, $0x3;
	s5 =	sshll.u32 s5, $0x4;
	s11 =	simm.s32 $0x0  }
0xe: {  	s10 =	sadd.s32 $0xA00, s4;
	s9 =	sadd.s32 $0x1400, s4;
	s14 =	sadd.s32 s6, s13  }
0xf: {  	s15 =	sadd.s32 $0xA10, s4;
	s16 =	sadd.s32 $0x1410, s4;
	[dreg:$0x2] =	wrdreg s10  }
0x10: {  	s19 =	sadd.s32 s2, s17;
	s1 =	sadd.s32 s7, s17;
	[dreg:$0x3] =	wrdreg s9  }
0x11: {  	s21 =	sadd.s32 $0xA20, s4;
	s17 =	sadd.s32 s2, s22;
	[dreg:$0x6] =	wrdreg s14  }
0x12: {  	s18 =	sadd.s32 s7, s22;
	s22 =	sadd.s32 s7, s25;
	[dreg:$0x7] =	wrdreg s15  }
0x13: {  	s23 =	sadd.s32 s7, s5;
	s28 =	sadd.s32 $0x1430, s4;
	[dreg:$0x8] =	wrdreg s16  }
0x14: {  	s29 =	sadd.s32 $0xA40, s4;
	s30 =	sadd.s32 $0x1440, s4;
	[dreg:$0x9] =	wrdreg s19  }
0x15: {  	s7 =	simm.s32 $0x8200;
	[dreg:$0xa] =	wrdreg s1;
	s1 =	sadd.s32 s6, s20  }
0x16: {  	[dreg:$0xc] =	wrdreg s21;
	s16 =	sadd.s32 $0x1420, s4;
	s19 =	sadd.s32 s6, s24  }
0x17: {  	s20 =	sadd.s32 s6, s26;
	s21 =	sadd.s32 s2, s25;
	s24 =	sadd.s32 s2, s5  }
0x18: {  	s25 =	smax.u32 s0, $0x1;
	s26 =	sadd.s32 $0xA30, s4;
	s0 =	simm.s32 $0x100  }
0x19: {  	s5 =	simm.s32 $0x200;
	s6 =	simm.s32 $0x4200;
	s9 =	simm.s32 $0x1  }
0x1a: {  	vm0 =	vmmov $0x7;
	s10 =	simm.s32 $0x10200;
	[dreg:$0xb] =	wrdreg s1;
	s1 =	simm.s32 $0x80  }
.LBB2_1:
0x1b: {  	[tilespmem:s3], [sflag:$0x2] =	stream.linear.gather [hbm4b:s4+s3], $0x80, $0x38;
	[tilespmem:$0x14200] =	vst v63  }
0x1c: {  	_ =	swait.ge [sflag:s31], $0x80  }
0x1d: {  	[sflag:s31] =	ssyncset.done $0x0  }
0x1e: {  	s12 =	rddreg [dreg:$0x2];
	[sflag:s31] =	ssyncadd.s32 $0xFFFFFF80  }
0x1f: {  	[tilespmem:s1], [sflag:$0x2] =	stream.linear.gather [hbm4b:s12+s3], $0x80, $0x38;
	[tilespmem:$0x14200] =	vst v63  }
0x20: {  	_ =	swait.ge [sflag:s31], $0x80  }
0x21: {  	[sflag:s31] =	ssyncset.done $0x0  }
0x22: {  	s14 =	rddreg [dreg:$0x3];
	[sflag:s31] =	ssyncadd.s32 $0xFFFFFF80  }
0x23: {  	[tilespmem:s0], [sflag:$0x2] =	stream.linear.gather [hbm4b:s14+s3], $0x80, $0x38;
	[tilespmem:$0x14200] =	vst v63  }
0x24: {  	_ =	swait.ge [sflag:s31], $0x80  }
0x25: {  	[sflag:s31] =	ssyncset.done $0x0  }
0x26: {  	[sflag:s31] =	ssyncadd.s32 $0xFFFFFF80  }
0x27: {  	[tilespmem:s5], [sflag:$0x1] =	stream.indirect.gather [hbm4b:s2+s1], $0x80, s3, s1, $0xb8;
	[tilespmem:$0x14200] =	vst v63  }
0x28: {  	_ = 	snop  }
0x29: {  	[tilespmem:s6], [sflag:$0x1] =	stream.indirect.gather [hbm4b:s2+s1], $0x80, s1, s1, $0xb8;
	[tilespmem:$0x14200] =	vst v63  }
0x2a: {  	_ = 	snop  }
0x2b: {  	[tilespmem:s7], [sflag:$0x1] =	stream.indirect.gather [hbm4b:s2+s1], $0x80, s0, s1, $0xb8;
	[tilespmem:$0x14200] =	vst v63  }
0x2c: {  	s15 =	rddreg [dreg:$0x4]  }
0x2d: {  	[tilespmem:s8], [sflag:$0x2] =	stream.linear.gather [hbm4b:s15+s3], $0x4000, $0x38;
	[tilespmem:$0x14200] =	vst v63  }
0x2e: {  	_ =	swait.ge [sflag:s31], $0x4000  }
0x2f: {  	[sflag:s31] =	ssyncset.done $0x0  }
0x30: {  	[sflag:s31] =	ssyncadd.s32 $0xFFFFC000  }
0x31: {  	_ =	swait.ge [sflag:s9], $0x4000  }
0x32: {  	[sflag:s9] =	ssyncset.done $0x0  }
0x33: {  	[sflag:s9] =	ssyncadd.s32 $0xFFFFC000  }
0x34: {  	_ =	swait.ge [sflag:s9], $0x4000  }
0x35: {  	[sflag:s9] =	ssyncset.done $0x0  }
0x36: {  	[sflag:s9] =	ssyncadd.s32 $0xFFFFC000  }
0x37: {  	_ =	swait.ge [sflag:s9], $0x4000  }
0x38: {  	[sflag:s9] =	ssyncset.done $0x0  }
0x39: {  	s12 =	simm.s32 $0x0;
	[sflag:s9] =	ssyncadd.s32 $0xFFFFC000  }
0x3a: {  	v3 =	vld [tilespmem:s12+$0xC200]  }
0x3b: {  	v0 =	vld [tilespmem:s12+$0x8200]  }
0x3c: {  	v5 =	vld [tilespmem:s12+$0x8210]  }
0x3d: {  	v9 =	vld [tilespmem:s12+$0x4230]  }
0x3e: {  	v7 =	vld [tilespmem:s12+$0x4210]  }
0x3f: {  	v2 =	vld [tilespmem:s12+$0x4200]  }
0x40: {  	v10 =	vld [tilespmem:s12+$0x210]  }
0x41: {  	v12 =	vld [tilespmem:s12+$0x230]  }
0x42: {  	v14 =	vld [tilespmem:s12+$0x4220]  }
0x43: {  	v1 =	vld [tilespmem:s12+$0x200]  }
0x44: {  	v15 =	vld [tilespmem:s12+$0x220]  }
0x45: {  	v4 =	vld [tilespmem:s12+$0x8230]  }
0x46: {  	v16 =	vld [tilespmem:s12+$0x8220];
	v6 =	vadd.f32 v7, v10;
	v11 =	vadd.f32 v9, v12  }
0x47: {  	s13 =	simm.s32 $0x80;
	v13 =	vsub.f32 v3, v2;
	v18 =	vsub.f32 v3, v0  }
0x48: {  	v28 =	vld [tilespmem:s13+$0xC200];
	v3 =	vsub.f32 v3, v1;
	v6 =	vadd.f32 v5, v6  }
0x49: {  	v8 =	vld [tilespmem:s13+$0x8200];
	v17 =	vadd.f32 v14, v15;
	v22 =	vmul.f32 v13, v13  }
0x4a: {  	v20 =	vadd.f32 v4, v11;
	v11 =	vld [tilespmem:s13+$0x8210];
	v26 =	vmul.f32 v3, v3;
	v19 =	vmul.f32 $3.333333430e-01, v6  }
0x4b: {  	v21 =	vadd.f32 v2, v1;
	v17 =	vadd.f32 v16, v17;
	v13 =	vld [tilespmem:s13+$0x4210]  }
0x4c: {  	v6 =	vld [tilespmem:s13+$0x4230];
	v20 =	vmul.f32 $3.333333430e-01, v20;
	v22 =	vadd.f32 v22, v26;
	v25 =	vsub.f32 v10, v19  }
0x4d: {  	v23 =	vsub.f32 v5, v19;
	v10 =	vadd.f32 v0, v21;
	v21 =	vmul.f32 $3.333333430e-01, v17;
	v5 =	vld [tilespmem:s13+$0x4200]  }
0x4e: {  	v19 =	vsub.f32 v7, v19;
	v3 =	vsub.f32 v12, v20;
	v17 =	vld [tilespmem:s13+$0x210]  }
0x4f: {  	v12 =	vld [tilespmem:s13+$0x4220];
	v7 =	vmul.f32 v23, v23;
	v23 =	vsub.f32 v15, v21;
	v14 =	vsub.f32 v14, v21  }
0x50: {  	v9 =	vsub.f32 v9, v20;
	v31 =	vsub.f32 v4, v20;
	v15 =	vld [tilespmem:s13+$0x230];
	v24 =	vmul.f32 v3, v3  }
0x51: {  	v21 =	vsub.f32 v16, v21;
	v16 =	vld [tilespmem:s13+$0x220];
	v23 =	vmul.f32 v23, v23;
	v27 =	vmul.f32 v14, v14  }
0x52: {  	v3 =	vsub.f32 v28, v8;
	v4 =	vmul.f32 v9, v9;
	v14 =	vld [tilespmem:s13+$0x200];
	v29 =	vsub.f32 v28, v5  }
0x53: {  	v9 =	vld [tilespmem:s13+$0x8230];
	v30 =	vmul.f32 v21, v21;
	v23 =	vadd.f32 v27, v23;
	v27 =	vadd.f32 v13, v17  }
0x54: {  	v20 =	vadd.f32 v4, v24;
	v21 =	vmul.f32 v18, v18;
	v4 =	vmul.f32 v29, v29  }
0x55: {  	v18 =	vadd.f32 v23, v30;
	v29 =	vadd.f32 v11, v27;
	v23 =	vmul.f32 v19, v19;
	v19 =	vld [tilespmem:s13+$0x8220]  }
0x56: {  	v32 =	vadd.f32 v6, v15;
	v24 =	vadd.f32 v12, v16  }
0x57: {  	v27 =	vmul.f32 v25, v25;
	v26 =	vadd.f32 v5, v14;
	v25 =	vmul.f32 $3.333333430e-01, v29  }
0x58: {  	s14 =	simm.s32 $0x400;
	v30 =	vsub.f32 v28, v14;
	v28 =	vmul.f32 v31, v31;
	v29 =	vadd.f32 v9, v32  }
.LBB2_2:
0x59: {  	s15 =	sshra.s32 s14, $0x2;
	p0 =	sne.s32 s14, $0xFE00;
	s14 =	sadd.s32 $0x200, s14;
	v31 =	vsub.f32 v17, v25;
	v11 =	vsub.f32 v11, v25;
	v17 =	vmul.f32 $3.333333430e-01, v10  }
0x5a: {  	v23 =	vadd.f32 v23, v27;
	v32 =	vld [tilespmem:s15+$0xC200];
	v30 =	vmul.f32 v30, v30;
	v24 =	vadd.f32 v19, v24  }
0x5b: {  	v10 =	vadd.f32 v8, v26;
	v25 =	vsub.f32 v13, v25;
	v27 =	vld [tilespmem:s15+$0x8230];
	v26 =	vmul.f32 v11, v11  }
0x5c: {  	v34 =	vadd.f32 v22, v21;
	v29 =	vmul.f32 $3.333333430e-01, v29;
	v13 =	vadd.f32 v20, v28;
	v33 =	vld [tilespmem:s15+$0x8200]  }
0x5d: {  	v21 =	vsub.f32 v2, v17;
	v22 =	vsub.f32 v0, v17;
	v0 =	vmovc v8;
	v2 =	vmovc v5;
	v20 =	vmul.f32 $3.333333430e-01, v24;
	v11 =	vld [tilespmem:s15+$0x8210]  }
0x5e: {  	v8 =	vsub.f32 v15, v29;
	v24 =	vsub.f32 v6, v29;
	v15 =	vmul.f32 $5.000000000e-01, v13;
	v6 =	vld [tilespmem:s15+$0x4230]  }
0x5f: {  	v18 =	vmul.f32 $5.000000000e-01, v18;
	v28 =	vsub.f32 v1, v17;
	v1 =	vmovc v14;
	v16 =	vsub.f32 v16, v20;
	v13 =	vld [tilespmem:s15+$0x4210]  }
0x60: {  	v14 =	vsub.f32 v12, v20;
	v19 =	vsub.f32 v19, v20;
	v8 =	vmul.f32 v8, v8;
	v5 =	vld [tilespmem:s15+$0x4200]  }
0x61: {  	v28 =	vmul.f32 v28, v28;
	v36 =	vmul.f32 v16, v16;
	v35 =	vsub.f32 v32, v33;
	v17 =	vld [tilespmem:s15+$0x210];
	[tilespmem:s12+$0x10230] =	vst v15  }
0x62: {  	v37 =	vsub.f32 v9, v29;
	v21 =	vmul.f32 v21, v21;
	v20 =	vmul.f32 v24, v24;
	v15 =	vld [tilespmem:s15+$0x230];
	[tilespmem:s12+$0x10220] =	vst v18  }
0x63: {  	v23 =	vadd.f32 v23, v7;
	v19 =	vmul.f32 v19, v19;
	v9 =	vmovc v27;
	v18 =	vmul.f32 v14, v14;
	v12 =	vld [tilespmem:s15+$0x4220]  }
0x64: {  	v22 =	vmul.f32 v22, v22;
	v7 =	vmovc v26;
	v24 =	vadd.f32 v21, v28;
	v20 =	vadd.f32 v20, v8;
	v16 =	vld [tilespmem:s15+$0x220]  }
0x65: {  	v23 =	vmul.f32 $5.000000000e-01, v23;
	v8 =	vmovc v33;
	v18 =	vadd.f32 v18, v36;
	v14 =	vld [tilespmem:s15+$0x200];
	v26 =	vsub.f32 v32, v5  }
0x66: {  	v21 =	vmul.f32 v3, v3;
	v22 =	vadd.f32 v24, v22;
	v3 =	vmovc v35;
	v27 =	vadd.f32 v13, v17  }
.Ltmp0:
0x67: {  	v18 =	vadd.f32 v18, v19;
	v26 =	vmul.f32 v26, v26;
	v28 =	vadd.f32 v6, v15;
	[tilespmem:s12+$0x10210] =	vst v23;
	(pc) =	sbr.rel @p0 .LBB2_2-.Ltmp0, $4  }
0x68: {  	v33 =	vmul.f32 $5.000000000e-01, v22;
	v23 =	vmul.f32 v25, v25;
	v29 =	vadd.f32 v11, v27;
	v19 =	vld [tilespmem:s15+$0x8220]  }
0x69: {  	v22 =	vadd.f32 v4, v30;
	v27 =	vmul.f32 v31, v31;
	v24 =	vadd.f32 v12, v16;
	v4 =	vmovc v26  }
0x6a: {  	v31 =	vsel vm0, v34, v33;
	v26 =	vadd.f32 v5, v14;
	v25 =	vmul.f32 $3.333333430e-01, v29  }
0x6b: {  	v30 =	vsub.f32 v32, v14;
	v29 =	vadd.f32 v9, v28;
	v28 =	vmul.f32 v37, v37;
	[tilespmem:s12+$0x10200] =	vst v31;
	s12 =	smov.u32 s13;
	s13 =	smov.u32 s15  }
0x6c: {  	v17 =	vsub.f32 v17, v25  }
0x6d: {  	v11 =	vsub.f32 v11, v25;
	v23 =	vadd.f32 v23, v27  }
0x6e: {  	v10 =	vmul.f32 $3.333333430e-01, v10;
	v26 =	vadd.f32 v8, v26;
	v13 =	vsub.f32 v13, v25  }
0x6f: {  	v21 =	vadd.f32 v22, v21;
	v3 =	vmul.f32 v3, v3;
	v24 =	vadd.f32 v19, v24  }
0x70: {  	v27 =	vmul.f32 v30, v30;
	v25 =	vmul.f32 $3.333333430e-01, v29;
	v20 =	vadd.f32 v20, v28  }
0x71: {  	v2 =	vsub.f32 v2, v10;
	v0 =	vsub.f32 v0, v10;
	v11 =	vmul.f32 v11, v11  }
0x72: {  	v1 =	vsub.f32 v1, v10;
	v10 =	vmul.f32 $5.000000000e-01, v18;
	v7 =	vadd.f32 v23, v7  }
0x73: {  	v13 =	vmul.f32 v13, v13;
	v22 =	vmul.f32 $3.333333430e-01, v24;
	v15 =	vsub.f32 v15, v25  }
0x74: {  	v6 =	vsub.f32 v6, v25;
	v20 =	vmul.f32 $5.000000000e-01, v20;
	v1 =	vmul.f32 v1, v1  }
0x75: {  	v9 =	vsub.f32 v9, v25;
	v2 =	vmul.f32 v2, v2;
	v0 =	vmul.f32 v0, v0  }
0x76: {  	v7 =	vmul.f32 $5.000000000e-01, v7;
	v16 =	vsub.f32 v16, v22;
	v12 =	vsub.f32 v12, v22  }
0x77: {  	v15 =	vmul.f32 v15, v15;
	v18 =	vsub.f32 v19, v22;
	v6 =	vmul.f32 v6, v6  }
0x78: {  	v9 =	vmul.f32 v9, v9;
	v1 =	vadd.f32 v2, v1;
	v2 =	vmul.f32 $3.333333430e-01, v26  }
0x79: {  	v16 =	vmul.f32 v16, v16;
	v12 =	vmul.f32 v12, v12  }
0x7a: {  	v18 =	vmul.f32 v18, v18;
	v5 =	vsub.f32 v5, v2;
	v14 =	vsub.f32 v14, v2  }
0x7b: {  	v6 =	vadd.f32 v6, v15;
	v0 =	vadd.f32 v1, v0;
	v1 =	vmul.f32 v17, v17  }
0x7c: {  	v2 =	vsub.f32 v8, v2;
	v8 =	vmul.f32 v14, v14;
	v5 =	vmul.f32 v5, v5  }
0x7d: {  	v12 =	vadd.f32 v12, v16;
	v6 =	vadd.f32 v6, v9;
	v0 =	vmul.f32 $5.000000000e-01, v0  }
0x7e: {  	[tilespmem:s12+$0x10220] =	vst v10;
	v1 =	vadd.f32 v13, v1;
	v2 =	vmul.f32 v2, v2;
	v5 =	vadd.f32 v5, v8  }
0x7f: {  	v4 =	vadd.f32 v4, v27;
	[tilespmem:s12+$0x10230] =	vst v20;
	v6 =	vmul.f32 $5.000000000e-01, v6;
	v8 =	vadd.f32 v12, v18  }
0x80: {  	[tilespmem:s12+$0x10210] =	vst v7;
	v0 =	vsel vm0, v21, v0;
	v1 =	vadd.f32 v1, v11;
	v2 =	vadd.f32 v5, v2  }
0x81: {  	[tilespmem:s12+$0x10200] =	vst v0;
	v0 =	vmul.f32 $5.000000000e-01, v8  }
0x82: {  	v3 =	vadd.f32 v4, v3;
	[tilespmem:s13+$0x10230] =	vst v6;
	v1 =	vmul.f32 $5.000000000e-01, v1;
	v2 =	vmul.f32 $5.000000000e-01, v2  }
0x83: {  	[tilespmem:s13+$0x10220] =	vst v0  }
0x84: {  	[tilespmem:s13+$0x10210] =	vst v1;
	v0 =	vsel vm0, v3, v2  }
0x85: {  	s15 =	rddreg [dreg:$0x5];
	s12 =	simm.s32 $0x0;
	[tilespmem:s13+$0x10200] =	vst v0  }
0x86: {  	[hbm4b:s15+s12] =	stream.linear.scatter [tilespmem:s10], [sflag:$0x2], $0x4000, $0x38;
	[tilespmem:$0x14200] =	vst v63  }
0x87: {  	_ =	swait.ge [sflag:s31], $0x4000  }
0x88: {  	[sflag:s31] =	ssyncset.done $0x0  }
0x89: {  	s14 =	rddreg [dreg:$0x6];
	[sflag:s31] =	ssyncadd.s32 $0xFFFFC000  }
0x8a: {  	[tilespmem:s12], [sflag:$0x2] =	stream.linear.gather [hbm4b:s14+s12], $0x80, $0x38;
	[tilespmem:$0x14200] =	vst v63  }
0x8b: {  	_ =	swait.ge [sflag:s31], $0x80  }
0x8c: {  	[sflag:s31] =	ssyncset.done $0x0  }
0x8d: {  	s15 =	rddreg [dreg:$0x7];
	[sflag:s31] =	ssyncadd.s32 $0xFFFFFF80  }
0x8e: {  	[tilespmem:s1], [sflag:$0x2] =	stream.linear.gather [hbm4b:s15+s12], $0x80, $0x38;
	[tilespmem:$0x14200] =	vst v63  }
0x8f: {  	_ =	swait.ge [sflag:s31], $0x80  }
0x90: {  	[sflag:s31] =	ssyncset.done $0x0  }
0x91: {  	s14 =	rddreg [dreg:$0x8];
	[sflag:s31] =	ssyncadd.s32 $0xFFFFFF80  }
0x92: {  	[tilespmem:s0], [sflag:$0x2] =	stream.linear.gather [hbm4b:s14+s12], $0x80, $0x38;
	[tilespmem:$0x14200] =	vst v63  }
0x93: {  	_ =	swait.ge [sflag:s31], $0x80  }
0x94: {  	[sflag:s31] =	ssyncset.done $0x0  }
0x95: {  	[sflag:s31] =	ssyncadd.s32 $0xFFFFFF80  }
0x96: {  	[tilespmem:s5], [sflag:$0x1] =	stream.indirect.gather [hbm4b:s2+s1], $0x80, s12, s1, $0xb8;
	[tilespmem:$0x14200] =	vst v63  }
0x97: {  	_ = 	snop  }
0x98: {  	[tilespmem:s6], [sflag:$0x1] =	stream.indirect.gather [hbm4b:s2+s1], $0x80, s1, s1, $0xb8;
	[tilespmem:$0x14200] =	vst v63  }
0x99: {  	_ = 	snop  }
0x9a: {  	[tilespmem:s7], [sflag:$0x1] =	stream.indirect.gather [hbm4b:s2+s1], $0x80, s0, s1, $0xb8;
	[tilespmem:$0x14200] =	vst v63  }
0x9b: {  	s15 =	rddreg [dreg:$0x9]  }
0x9c: {  	[tilespmem:s8], [sflag:$0x2] =	stream.linear.gather [hbm4b:s15+s12], $0x4000, $0x38;
	[tilespmem:$0x14200] =	vst v63  }
0x9d: {  	_ =	swait.ge [sflag:s31], $0x4000  }
0x9e: {  	[sflag:s31] =	ssyncset.done $0x0  }
0x9f: {  	[sflag:s31] =	ssyncadd.s32 $0xFFFFC000  }
0xa0: {  	_ =	swait.ge [sflag:s9], $0x4000  }
0xa1: {  	[sflag:s9] =	ssyncset.done $0x0  }
0xa2: {  	[sflag:s9] =	ssyncadd.s32 $0xFFFFC000  }
0xa3: {  	_ =	swait.ge [sflag:s9], $0x4000  }
0xa4: {  	[sflag:s9] =	ssyncset.done $0x0  }
0xa5: {  	[sflag:s9] =	ssyncadd.s32 $0xFFFFC000  }
0xa6: {  	_ =	swait.ge [sflag:s9], $0x4000  }
0xa7: {  	[sflag:s9] =	ssyncset.done $0x0  }
0xa8: {  	s12 =	simm.s32 $0x0;
	[sflag:s9] =	ssyncadd.s32 $0xFFFFC000  }
0xa9: {  	v3 =	vld [tilespmem:s12+$0xC200]  }
0xaa: {  	v0 =	vld [tilespmem:s12+$0x8200]  }
0xab: {  	v5 =	vld [tilespmem:s12+$0x8210]  }
0xac: {  	v9 =	vld [tilespmem:s12+$0x4230]  }
0xad: {  	v7 =	vld [tilespmem:s12+$0x4210]  }
0xae: {  	v2 =	vld [tilespmem:s12+$0x4200]  }
0xaf: {  	v10 =	vld [tilespmem:s12+$0x210]  }
0xb0: {  	v12 =	vld [tilespmem:s12+$0x230]  }
0xb1: {  	v14 =	vld [tilespmem:s12+$0x4220]  }
0xb2: {  	v1 =	vld [tilespmem:s12+$0x200]  }
0xb3: {  	v15 =	vld [tilespmem:s12+$0x220]  }
0xb4: {  	v4 =	vld [tilespmem:s12+$0x8230]  }
0xb5: {  	v16 =	vld [tilespmem:s12+$0x8220];
	v6 =	vadd.f32 v7, v10;
	v11 =	vadd.f32 v9, v12  }
0xb6: {  	s13 =	simm.s32 $0x80;
	v13 =	vsub.f32 v3, v2;
	v18 =	vsub.f32 v3, v0  }
0xb7: {  	v28 =	vld [tilespmem:s13+$0xC200];
	v3 =	vsub.f32 v3, v1;
	v6 =	vadd.f32 v5, v6  }
0xb8: {  	v8 =	vld [tilespmem:s13+$0x8200];
	v17 =	vadd.f32 v14, v15;
	v22 =	vmul.f32 v13, v13  }
0xb9: {  	v20 =	vadd.f32 v4, v11;
	v11 =	vld [tilespmem:s13+$0x8210];
	v26 =	vmul.f32 v3, v3;
	v19 =	vmul.f32 $3.333333430e-01, v6  }
0xba: {  	v21 =	vadd.f32 v2, v1;
	v17 =	vadd.f32 v16, v17;
	v13 =	vld [tilespmem:s13+$0x4210]  }
0xbb: {  	v6 =	vld [tilespmem:s13+$0x4230];
	v20 =	vmul.f32 $3.333333430e-01, v20;
	v22 =	vadd.f32 v22, v26;
	v25 =	vsub.f32 v10, v19  }
0xbc: {  	v23 =	vsub.f32 v5, v19;
	v10 =	vadd.f32 v0, v21;
	v21 =	vmul.f32 $3.333333430e-01, v17;
	v5 =	vld [tilespmem:s13+$0x4200]  }
0xbd: {  	v19 =	vsub.f32 v7, v19;
	v3 =	vsub.f32 v12, v20;
	v17 =	vld [tilespmem:s13+$0x210]  }
0xbe: {  	v12 =	vld [tilespmem:s13+$0x4220];
	v7 =	vmul.f32 v23, v23;
	v23 =	vsub.f32 v15, v21;
	v14 =	vsub.f32 v14, v21  }
0xbf: {  	v9 =	vsub.f32 v9, v20;
	v31 =	vsub.f32 v4, v20;
	v15 =	vld [tilespmem:s13+$0x230];
	v24 =	vmul.f32 v3, v3  }
0xc0: {  	v21 =	vsub.f32 v16, v21;
	v16 =	vld [tilespmem:s13+$0x220];
	v23 =	vmul.f32 v23, v23;
	v27 =	vmul.f32 v14, v14  }
0xc1: {  	v3 =	vsub.f32 v28, v8;
	v4 =	vmul.f32 v9, v9;
	v14 =	vld [tilespmem:s13+$0x200];
	v29 =	vsub.f32 v28, v5  }
0xc2: {  	v9 =	vld [tilespmem:s13+$0x8230];
	v30 =	vmul.f32 v21, v21;
	v23 =	vadd.f32 v27, v23;
	v27 =	vadd.f32 v13, v17  }
0xc3: {  	v20 =	vadd.f32 v4, v24;
	v21 =	vmul.f32 v18, v18;
	v4 =	vmul.f32 v29, v29  }
0xc4: {  	v18 =	vadd.f32 v23, v30;
	v29 =	vadd.f32 v11, v27;
	v23 =	vmul.f32 v19, v19;
	v19 =	vld [tilespmem:s13+$0x8220]  }
0xc5: {  	v32 =	vadd.f32 v6, v15;
	v24 =	vadd.f32 v12, v16  }
0xc6: {  	v27 =	vmul.f32 v25, v25;
	v26 =	vadd.f32 v5, v14;
	v25 =	vmul.f32 $3.333333430e-01, v29  }
0xc7: {  	s14 =	simm.s32 $0x400;
	v30 =	vsub.f32 v28, v14;
	v28 =	vmul.f32 v31, v31;
	v29 =	vadd.f32 v9, v32  }
.LBB2_4:
0xc8: {  	s15 =	sshra.s32 s14, $0x2;
	p0 =	sne.s32 s14, $0xFE00;
	s14 =	sadd.s32 $0x200, s14;
	v31 =	vsub.f32 v17, v25;
	v11 =	vsub.f32 v11, v25;
	v17 =	vmul.f32 $3.333333430e-01, v10  }
0xc9: {  	v23 =	vadd.f32 v23, v27;
	v32 =	vld [tilespmem:s15+$0xC200];
	v30 =	vmul.f32 v30, v30;
	v24 =	vadd.f32 v19, v24  }
0xca: {  	v10 =	vadd.f32 v8, v26;
	v25 =	vsub.f32 v13, v25;
	v27 =	vld [tilespmem:s15+$0x8230];
	v26 =	vmul.f32 v11, v11  }
0xcb: {  	v34 =	vadd.f32 v22, v21;
	v29 =	vmul.f32 $3.333333430e-01, v29;
	v13 =	vadd.f32 v20, v28;
	v33 =	vld [tilespmem:s15+$0x8200]  }
0xcc: {  	v21 =	vsub.f32 v2, v17;
	v22 =	vsub.f32 v0, v17;
	v0 =	vmovc v8;
	v2 =	vmovc v5;
	v20 =	vmul.f32 $3.333333430e-01, v24;
	v11 =	vld [tilespmem:s15+$0x8210]  }
0xcd: {  	v8 =	vsub.f32 v15, v29;
	v24 =	vsub.f32 v6, v29;
	v15 =	vmul.f32 $5.000000000e-01, v13;
	v6 =	vld [tilespmem:s15+$0x4230]  }
0xce: {  	v18 =	vmul.f32 $5.000000000e-01, v18;
	v28 =	vsub.f32 v1, v17;
	v1 =	vmovc v14;
	v16 =	vsub.f32 v16, v20;
	v13 =	vld [tilespmem:s15+$0x4210]  }
0xcf: {  	v14 =	vsub.f32 v12, v20;
	v19 =	vsub.f32 v19, v20;
	v8 =	vmul.f32 v8, v8;
	v5 =	vld [tilespmem:s15+$0x4200]  }
0xd0: {  	v28 =	vmul.f32 v28, v28;
	v36 =	vmul.f32 v16, v16;
	v35 =	vsub.f32 v32, v33;
	v17 =	vld [tilespmem:s15+$0x210];
	[tilespmem:s12+$0x10230] =	vst v15  }
0xd1: {  	v37 =	vsub.f32 v9, v29;
	v21 =	vmul.f32 v21, v21;
	v20 =	vmul.f32 v24, v24;
	v15 =	vld [tilespmem:s15+$0x230];
	[tilespmem:s12+$0x10220] =	vst v18  }
0xd2: {  	v23 =	vadd.f32 v23, v7;
	v19 =	vmul.f32 v19, v19;
	v9 =	vmovc v27;
	v18 =	vmul.f32 v14, v14;
	v12 =	vld [tilespmem:s15+$0x4220]  }
0xd3: {  	v22 =	vmul.f32 v22, v22;
	v7 =	vmovc v26;
	v24 =	vadd.f32 v21, v28;
	v20 =	vadd.f32 v20, v8;
	v16 =	vld [tilespmem:s15+$0x220]  }
0xd4: {  	v23 =	vmul.f32 $5.000000000e-01, v23;
	v8 =	vmovc v33;
	v18 =	vadd.f32 v18, v36;
	v14 =	vld [tilespmem:s15+$0x200];
	v26 =	vsub.f32 v32, v5  }
0xd5: {  	v21 =	vmul.f32 v3, v3;
	v22 =	vadd.f32 v24, v22;
	v3 =	vmovc v35;
	v27 =	vadd.f32 v13, v17  }
.Ltmp1:
0xd6: {  	v18 =	vadd.f32 v18, v19;
	v26 =	vmul.f32 v26, v26;
	v28 =	vadd.f32 v6, v15;
	[tilespmem:s12+$0x10210] =	vst v23;
	(pc) =	sbr.rel @p0 .LBB2_4-.Ltmp1, $4  }
0xd7: {  	v33 =	vmul.f32 $5.000000000e-01, v22;
	v23 =	vmul.f32 v25, v25;
	v29 =	vadd.f32 v11, v27;
	v19 =	vld [tilespmem:s15+$0x8220]  }
0xd8: {  	v22 =	vadd.f32 v4, v30;
	v27 =	vmul.f32 v31, v31;
	v24 =	vadd.f32 v12, v16;
	v4 =	vmovc v26  }
0xd9: {  	v31 =	vsel vm0, v34, v33;
	v26 =	vadd.f32 v5, v14;
	v25 =	vmul.f32 $3.333333430e-01, v29  }
0xda: {  	v30 =	vsub.f32 v32, v14;
	v29 =	vadd.f32 v9, v28;
	v28 =	vmul.f32 v37, v37;
	[tilespmem:s12+$0x10200] =	vst v31;
	s12 =	smov.u32 s13;
	s13 =	smov.u32 s15  }
0xdb: {  	v17 =	vsub.f32 v17, v25  }
0xdc: {  	v11 =	vsub.f32 v11, v25;
	v23 =	vadd.f32 v23, v27  }
0xdd: {  	v10 =	vmul.f32 $3.333333430e-01, v10;
	v26 =	vadd.f32 v8, v26;
	v13 =	vsub.f32 v13, v25  }
0xde: {  	v21 =	vadd.f32 v22, v21;
	v3 =	vmul.f32 v3, v3;
	v24 =	vadd.f32 v19, v24  }
0xdf: {  	v27 =	vmul.f32 v30, v30;
	v25 =	vmul.f32 $3.333333430e-01, v29;
	v20 =	vadd.f32 v20, v28  }
0xe0: {  	v2 =	vsub.f32 v2, v10;
	v0 =	vsub.f32 v0, v10;
	v11 =	vmul.f32 v11, v11  }
0xe1: {  	v1 =	vsub.f32 v1, v10;
	v10 =	vmul.f32 $5.000000000e-01, v18;
	v7 =	vadd.f32 v23, v7  }
0xe2: {  	v13 =	vmul.f32 v13, v13;
	v22 =	vmul.f32 $3.333333430e-01, v24;
	v15 =	vsub.f32 v15, v25  }
0xe3: {  	v6 =	vsub.f32 v6, v25;
	v20 =	vmul.f32 $5.000000000e-01, v20;
	v1 =	vmul.f32 v1, v1  }
0xe4: {  	v9 =	vsub.f32 v9, v25;
	v2 =	vmul.f32 v2, v2;
	v0 =	vmul.f32 v0, v0  }
0xe5: {  	v7 =	vmul.f32 $5.000000000e-01, v7;
	v16 =	vsub.f32 v16, v22;
	v12 =	vsub.f32 v12, v22  }
0xe6: {  	v15 =	vmul.f32 v15, v15;
	v18 =	vsub.f32 v19, v22;
	v6 =	vmul.f32 v6, v6  }
0xe7: {  	v9 =	vmul.f32 v9, v9;
	v1 =	vadd.f32 v2, v1;
	v2 =	vmul.f32 $3.333333430e-01, v26  }
0xe8: {  	v16 =	vmul.f32 v16, v16;
	v12 =	vmul.f32 v12, v12  }
0xe9: {  	v18 =	vmul.f32 v18, v18;
	v5 =	vsub.f32 v5, v2;
	v14 =	vsub.f32 v14, v2  }
0xea: {  	v6 =	vadd.f32 v6, v15;
	v0 =	vadd.f32 v1, v0;
	v1 =	vmul.f32 v17, v17  }
0xeb: {  	v2 =	vsub.f32 v8, v2;
	v8 =	vmul.f32 v14, v14;
	v5 =	vmul.f32 v5, v5  }
0xec: {  	v12 =	vadd.f32 v12, v16;
	v6 =	vadd.f32 v6, v9;
	v0 =	vmul.f32 $5.000000000e-01, v0  }
0xed: {  	[tilespmem:s12+$0x10220] =	vst v10;
	v1 =	vadd.f32 v13, v1;
	v2 =	vmul.f32 v2, v2;
	v5 =	vadd.f32 v5, v8  }
0xee: {  	v4 =	vadd.f32 v4, v27;
	[tilespmem:s12+$0x10230] =	vst v20;
	v6 =	vmul.f32 $5.000000000e-01, v6;
	v8 =	vadd.f32 v12, v18  }
0xef: {  	[tilespmem:s12+$0x10210] =	vst v7;
	v0 =	vsel vm0, v21, v0;
	v1 =	vadd.f32 v1, v11;
	v2 =	vadd.f32 v5, v2  }
0xf0: {  	[tilespmem:s12+$0x10200] =	vst v0;
	v0 =	vmul.f32 $5.000000000e-01, v8  }
0xf1: {  	v3 =	vadd.f32 v4, v3;
	[tilespmem:s13+$0x10230] =	vst v6;
	v1 =	vmul.f32 $5.000000000e-01, v1;
	v2 =	vmul.f32 $5.000000000e-01, v2  }
0xf2: {  	[tilespmem:s13+$0x10220] =	vst v0  }
0xf3: {  	[tilespmem:s13+$0x10210] =	vst v1;
	v0 =	vsel vm0, v3, v2  }
0xf4: {  	s15 =	rddreg [dreg:$0xa];
	s12 =	simm.s32 $0x0;
	[tilespmem:s13+$0x10200] =	vst v0  }
0xf5: {  	[hbm4b:s15+s12] =	stream.linear.scatter [tilespmem:s10], [sflag:$0x2], $0x4000, $0x38;
	[tilespmem:$0x14200] =	vst v63  }
0xf6: {  	_ =	swait.ge [sflag:s31], $0x4000  }
0xf7: {  	[sflag:s31] =	ssyncset.done $0x0  }
0xf8: {  	s14 =	rddreg [dreg:$0xb];
	[sflag:s31] =	ssyncadd.s32 $0xFFFFC000  }
0xf9: {  	[tilespmem:s12], [sflag:$0x2] =	stream.linear.gather [hbm4b:s14+s12], $0x80, $0x38;
	[tilespmem:$0x14200] =	vst v63  }
0xfa: {  	_ =	swait.ge [sflag:s31], $0x80  }
0xfb: {  	[sflag:s31] =	ssyncset.done $0x0  }
0xfc: {  	s15 =	rddreg [dreg:$0xc];
	[sflag:s31] =	ssyncadd.s32 $0xFFFFFF80  }
0xfd: {  	[tilespmem:s1], [sflag:$0x2] =	stream.linear.gather [hbm4b:s15+s12], $0x80, $0x38;
	[tilespmem:$0x14200] =	vst v63  }
0xfe: {  	_ =	swait.ge [sflag:s31], $0x80  }
0xff: {  	[sflag:s31] =	ssyncset.done $0x0  }
0x100: {  	[sflag:s31] =	ssyncadd.s32 $0xFFFFFF80  }
0x101: {  	[tilespmem:s0], [sflag:$0x2] =	stream.linear.gather [hbm4b:s16+s12], $0x80, $0x38;
	[tilespmem:$0x14200] =	vst v63  }
0x102: {  	_ =	swait.ge [sflag:s31], $0x80  }
0x103: {  	[sflag:s31] =	ssyncset.done $0x0  }
0x104: {  	[sflag:s31] =	ssyncadd.s32 $0xFFFFFF80  }
0x105: {  	[tilespmem:s5], [sflag:$0x1] =	stream.indirect.gather [hbm4b:s2+s1], $0x80, s12, s1, $0xb8;
	[tilespmem:$0x14200] =	vst v63  }
0x106: {  	_ = 	snop  }
0x107: {  	[tilespmem:s6], [sflag:$0x1] =	stream.indirect.gather [hbm4b:s2+s1], $0x80, s1, s1, $0xb8;
	[tilespmem:$0x14200] =	vst v63  }
0x108: {  	_ = 	snop  }
0x109: {  	[tilespmem:s7], [sflag:$0x1] =	stream.indirect.gather [hbm4b:s2+s1], $0x80, s0, s1, $0xb8;
	[tilespmem:$0x14200] =	vst v63  }
0x10a: {  	_ = 	snop  }
0x10b: {  	[tilespmem:s8], [sflag:$0x2] =	stream.linear.gather [hbm4b:s17+s12], $0x4000, $0x38;
	[tilespmem:$0x14200] =	vst v63  }
0x10c: {  	_ =	swait.ge [sflag:s31], $0x4000  }
0x10d: {  	[sflag:s31] =	ssyncset.done $0x0  }
0x10e: {  	[sflag:s31] =	ssyncadd.s32 $0xFFFFC000  }
0x10f: {  	_ =	swait.ge [sflag:s9], $0x4000  }
0x110: {  	[sflag:s9] =	ssyncset.done $0x0  }
0x111: {  	[sflag:s9] =	ssyncadd.s32 $0xFFFFC000  }
0x112: {  	_ =	swait.ge [sflag:s9], $0x4000  }
0x113: {  	[sflag:s9] =	ssyncset.done $0x0  }
0x114: {  	[sflag:s9] =	ssyncadd.s32 $0xFFFFC000  }
0x115: {  	_ =	swait.ge [sflag:s9], $0x4000  }
0x116: {  	[sflag:s9] =	ssyncset.done $0x0  }
0x117: {  	s12 =	simm.s32 $0x0;
	[sflag:s9] =	ssyncadd.s32 $0xFFFFC000  }
0x118: {  	v3 =	vld [tilespmem:s12+$0xC200]  }
0x119: {  	v0 =	vld [tilespmem:s12+$0x8200]  }
0x11a: {  	v5 =	vld [tilespmem:s12+$0x8210]  }
0x11b: {  	v9 =	vld [tilespmem:s12+$0x4230]  }
0x11c: {  	v7 =	vld [tilespmem:s12+$0x4210]  }
0x11d: {  	v2 =	vld [tilespmem:s12+$0x4200]  }
0x11e: {  	v10 =	vld [tilespmem:s12+$0x210]  }
0x11f: {  	v12 =	vld [tilespmem:s12+$0x230]  }
0x120: {  	v14 =	vld [tilespmem:s12+$0x4220]  }
0x121: {  	v1 =	vld [tilespmem:s12+$0x200]  }
0x122: {  	v15 =	vld [tilespmem:s12+$0x220]  }
0x123: {  	v4 =	vld [tilespmem:s12+$0x8230]  }
0x124: {  	v16 =	vld [tilespmem:s12+$0x8220];
	v6 =	vadd.f32 v7, v10;
	v11 =	vadd.f32 v9, v12  }
0x125: {  	s13 =	simm.s32 $0x80;
	v13 =	vsub.f32 v3, v2;
	v18 =	vsub.f32 v3, v0  }
0x126: {  	v28 =	vld [tilespmem:s13+$0xC200];
	v3 =	vsub.f32 v3, v1;
	v6 =	vadd.f32 v5, v6  }
0x127: {  	v8 =	vld [tilespmem:s13+$0x8200];
	v17 =	vadd.f32 v14, v15;
	v22 =	vmul.f32 v13, v13  }
0x128: {  	v20 =	vadd.f32 v4, v11;
	v11 =	vld [tilespmem:s13+$0x8210];
	v26 =	vmul.f32 v3, v3;
	v19 =	vmul.f32 $3.333333430e-01, v6  }
0x129: {  	v21 =	vadd.f32 v2, v1;
	v17 =	vadd.f32 v16, v17;
	v13 =	vld [tilespmem:s13+$0x4210]  }
0x12a: {  	v6 =	vld [tilespmem:s13+$0x4230];
	v20 =	vmul.f32 $3.333333430e-01, v20;
	v22 =	vadd.f32 v22, v26;
	v25 =	vsub.f32 v10, v19  }
0x12b: {  	v23 =	vsub.f32 v5, v19;
	v10 =	vadd.f32 v0, v21;
	v21 =	vmul.f32 $3.333333430e-01, v17;
	v5 =	vld [tilespmem:s13+$0x4200]  }
0x12c: {  	v19 =	vsub.f32 v7, v19;
	v3 =	vsub.f32 v12, v20;
	v17 =	vld [tilespmem:s13+$0x210]  }
0x12d: {  	v12 =	vld [tilespmem:s13+$0x4220];
	v7 =	vmul.f32 v23, v23;
	v23 =	vsub.f32 v15, v21;
	v14 =	vsub.f32 v14, v21  }
0x12e: {  	v9 =	vsub.f32 v9, v20;
	v31 =	vsub.f32 v4, v20;
	v15 =	vld [tilespmem:s13+$0x230];
	v24 =	vmul.f32 v3, v3  }
0x12f: {  	v21 =	vsub.f32 v16, v21;
	v16 =	vld [tilespmem:s13+$0x220];
	v23 =	vmul.f32 v23, v23;
	v27 =	vmul.f32 v14, v14  }
0x130: {  	v3 =	vsub.f32 v28, v8;
	v4 =	vmul.f32 v9, v9;
	v14 =	vld [tilespmem:s13+$0x200];
	v29 =	vsub.f32 v28, v5  }
0x131: {  	v9 =	vld [tilespmem:s13+$0x8230];
	v30 =	vmul.f32 v21, v21;
	v23 =	vadd.f32 v27, v23;
	v27 =	vadd.f32 v13, v17  }
0x132: {  	v20 =	vadd.f32 v4, v24;
	v21 =	vmul.f32 v18, v18;
	v4 =	vmul.f32 v29, v29  }
0x133: {  	v18 =	vadd.f32 v23, v30;
	v29 =	vadd.f32 v11, v27;
	v23 =	vmul.f32 v19, v19;
	v19 =	vld [tilespmem:s13+$0x8220]  }
0x134: {  	v32 =	vadd.f32 v6, v15;
	v24 =	vadd.f32 v12, v16  }
0x135: {  	v27 =	vmul.f32 v25, v25;
	v26 =	vadd.f32 v5, v14;
	v25 =	vmul.f32 $3.333333430e-01, v29  }
0x136: {  	s14 =	simm.s32 $0x400;
	v30 =	vsub.f32 v28, v14;
	v28 =	vmul.f32 v31, v31;
	v29 =	vadd.f32 v9, v32  }
.LBB2_6:
0x137: {  	s15 =	sshra.s32 s14, $0x2;
	p0 =	sne.s32 s14, $0xFE00;
	s14 =	sadd.s32 $0x200, s14;
	v31 =	vsub.f32 v17, v25;
	v11 =	vsub.f32 v11, v25;
	v17 =	vmul.f32 $3.333333430e-01, v10  }
0x138: {  	v23 =	vadd.f32 v23, v27;
	v32 =	vld [tilespmem:s15+$0xC200];
	v30 =	vmul.f32 v30, v30;
	v24 =	vadd.f32 v19, v24  }
0x139: {  	v10 =	vadd.f32 v8, v26;
	v25 =	vsub.f32 v13, v25;
	v27 =	vld [tilespmem:s15+$0x8230];
	v26 =	vmul.f32 v11, v11  }
0x13a: {  	v34 =	vadd.f32 v22, v21;
	v29 =	vmul.f32 $3.333333430e-01, v29;
	v13 =	vadd.f32 v20, v28;
	v33 =	vld [tilespmem:s15+$0x8200]  }
0x13b: {  	v21 =	vsub.f32 v2, v17;
	v22 =	vsub.f32 v0, v17;
	v0 =	vmovc v8;
	v2 =	vmovc v5;
	v20 =	vmul.f32 $3.333333430e-01, v24;
	v11 =	vld [tilespmem:s15+$0x8210]  }
0x13c: {  	v8 =	vsub.f32 v15, v29;
	v24 =	vsub.f32 v6, v29;
	v15 =	vmul.f32 $5.000000000e-01, v13;
	v6 =	vld [tilespmem:s15+$0x4230]  }
0x13d: {  	v18 =	vmul.f32 $5.000000000e-01, v18;
	v28 =	vsub.f32 v1, v17;
	v1 =	vmovc v14;
	v16 =	vsub.f32 v16, v20;
	v13 =	vld [tilespmem:s15+$0x4210]  }
0x13e: {  	v14 =	vsub.f32 v12, v20;
	v19 =	vsub.f32 v19, v20;
	v8 =	vmul.f32 v8, v8;
	v5 =	vld [tilespmem:s15+$0x4200]  }
0x13f: {  	v28 =	vmul.f32 v28, v28;
	v36 =	vmul.f32 v16, v16;
	v35 =	vsub.f32 v32, v33;
	v17 =	vld [tilespmem:s15+$0x210];
	[tilespmem:s12+$0x10230] =	vst v15  }
0x140: {  	v37 =	vsub.f32 v9, v29;
	v21 =	vmul.f32 v21, v21;
	v20 =	vmul.f32 v24, v24;
	v15 =	vld [tilespmem:s15+$0x230];
	[tilespmem:s12+$0x10220] =	vst v18  }
0x141: {  	v23 =	vadd.f32 v23, v7;
	v19 =	vmul.f32 v19, v19;
	v9 =	vmovc v27;
	v18 =	vmul.f32 v14, v14;
	v12 =	vld [tilespmem:s15+$0x4220]  }
0x142: {  	v22 =	vmul.f32 v22, v22;
	v7 =	vmovc v26;
	v24 =	vadd.f32 v21, v28;
	v20 =	vadd.f32 v20, v8;
	v16 =	vld [tilespmem:s15+$0x220]  }
0x143: {  	v23 =	vmul.f32 $5.000000000e-01, v23;
	v8 =	vmovc v33;
	v18 =	vadd.f32 v18, v36;
	v14 =	vld [tilespmem:s15+$0x200];
	v26 =	vsub.f32 v32, v5  }
0x144: {  	v21 =	vmul.f32 v3, v3;
	v22 =	vadd.f32 v24, v22;
	v3 =	vmovc v35;
	v27 =	vadd.f32 v13, v17  }
.Ltmp2:
0x145: {  	v18 =	vadd.f32 v18, v19;
	v26 =	vmul.f32 v26, v26;
	v28 =	vadd.f32 v6, v15;
	[tilespmem:s12+$0x10210] =	vst v23;
	(pc) =	sbr.rel @p0 .LBB2_6-.Ltmp2, $4  }
0x146: {  	v33 =	vmul.f32 $5.000000000e-01, v22;
	v23 =	vmul.f32 v25, v25;
	v29 =	vadd.f32 v11, v27;
	v19 =	vld [tilespmem:s15+$0x8220]  }
0x147: {  	v22 =	vadd.f32 v4, v30;
	v27 =	vmul.f32 v31, v31;
	v24 =	vadd.f32 v12, v16;
	v4 =	vmovc v26  }
0x148: {  	v31 =	vsel vm0, v34, v33;
	v26 =	vadd.f32 v5, v14;
	v25 =	vmul.f32 $3.333333430e-01, v29  }
0x149: {  	v30 =	vsub.f32 v32, v14;
	v29 =	vadd.f32 v9, v28;
	v28 =	vmul.f32 v37, v37;
	[tilespmem:s12+$0x10200] =	vst v31;
	s12 =	smov.u32 s13;
	s13 =	smov.u32 s15  }
0x14a: {  	v17 =	vsub.f32 v17, v25  }
0x14b: {  	v11 =	vsub.f32 v11, v25;
	v23 =	vadd.f32 v23, v27  }
0x14c: {  	v10 =	vmul.f32 $3.333333430e-01, v10;
	v26 =	vadd.f32 v8, v26;
	v13 =	vsub.f32 v13, v25  }
0x14d: {  	v21 =	vadd.f32 v22, v21;
	v3 =	vmul.f32 v3, v3;
	v24 =	vadd.f32 v19, v24  }
0x14e: {  	v27 =	vmul.f32 v30, v30;
	v25 =	vmul.f32 $3.333333430e-01, v29;
	v20 =	vadd.f32 v20, v28  }
0x14f: {  	v2 =	vsub.f32 v2, v10;
	v0 =	vsub.f32 v0, v10;
	v11 =	vmul.f32 v11, v11  }
0x150: {  	v1 =	vsub.f32 v1, v10;
	v10 =	vmul.f32 $5.000000000e-01, v18;
	v7 =	vadd.f32 v23, v7  }
0x151: {  	v13 =	vmul.f32 v13, v13;
	v22 =	vmul.f32 $3.333333430e-01, v24;
	v15 =	vsub.f32 v15, v25  }
0x152: {  	v6 =	vsub.f32 v6, v25;
	v20 =	vmul.f32 $5.000000000e-01, v20;
	v1 =	vmul.f32 v1, v1  }
0x153: {  	v9 =	vsub.f32 v9, v25;
	v2 =	vmul.f32 v2, v2;
	v0 =	vmul.f32 v0, v0  }
0x154: {  	v7 =	vmul.f32 $5.000000000e-01, v7;
	v16 =	vsub.f32 v16, v22;
	v12 =	vsub.f32 v12, v22  }
0x155: {  	v15 =	vmul.f32 v15, v15;
	v18 =	vsub.f32 v19, v22;
	v6 =	vmul.f32 v6, v6  }
0x156: {  	v9 =	vmul.f32 v9, v9;
	v1 =	vadd.f32 v2, v1;
	v2 =	vmul.f32 $3.333333430e-01, v26  }
0x157: {  	v16 =	vmul.f32 v16, v16;
	v12 =	vmul.f32 v12, v12  }
0x158: {  	v18 =	vmul.f32 v18, v18;
	v5 =	vsub.f32 v5, v2;
	v14 =	vsub.f32 v14, v2  }
0x159: {  	v6 =	vadd.f32 v6, v15;
	v0 =	vadd.f32 v1, v0;
	v1 =	vmul.f32 v17, v17  }
0x15a: {  	v2 =	vsub.f32 v8, v2;
	v8 =	vmul.f32 v14, v14;
	v5 =	vmul.f32 v5, v5  }
0x15b: {  	v12 =	vadd.f32 v12, v16;
	v6 =	vadd.f32 v6, v9;
	v0 =	vmul.f32 $5.000000000e-01, v0  }
0x15c: {  	[tilespmem:s12+$0x10220] =	vst v10;
	v1 =	vadd.f32 v13, v1;
	v2 =	vmul.f32 v2, v2;
	v5 =	vadd.f32 v5, v8  }
0x15d: {  	v4 =	vadd.f32 v4, v27;
	[tilespmem:s12+$0x10230] =	vst v20;
	v6 =	vmul.f32 $5.000000000e-01, v6;
	v8 =	vadd.f32 v12, v18  }
0x15e: {  	[tilespmem:s12+$0x10210] =	vst v7;
	v0 =	vsel vm0, v21, v0;
	v1 =	vadd.f32 v1, v11;
	v2 =	vadd.f32 v5, v2  }
0x15f: {  	[tilespmem:s12+$0x10200] =	vst v0;
	v0 =	vmul.f32 $5.000000000e-01, v8  }
0x160: {  	v3 =	vadd.f32 v4, v3;
	[tilespmem:s13+$0x10230] =	vst v6;
	v1 =	vmul.f32 $5.000000000e-01, v1;
	v2 =	vmul.f32 $5.000000000e-01, v2  }
0x161: {  	[tilespmem:s13+$0x10220] =	vst v0  }
0x162: {  	[tilespmem:s13+$0x10210] =	vst v1;
	v0 =	vsel vm0, v3, v2  }
0x163: {  	s15 =	simm.s32 $0x0;
	[tilespmem:s13+$0x10200] =	vst v0  }
0x164: {  	[hbm4b:s18+s15] =	stream.linear.scatter [tilespmem:s10], [sflag:$0x2], $0x4000, $0x38;
	[tilespmem:$0x14200] =	vst v63  }
0x165: {  	_ =	swait.ge [sflag:s31], $0x4000  }
0x166: {  	[sflag:s31] =	ssyncset.done $0x0  }
0x167: {  	[sflag:s31] =	ssyncadd.s32 $0xFFFFC000  }
0x168: {  	[tilespmem:s15], [sflag:$0x2] =	stream.linear.gather [hbm4b:s19+s15], $0x80, $0x38;
	[tilespmem:$0x14200] =	vst v63  }
0x169: {  	_ =	swait.ge [sflag:s31], $0x80  }
0x16a: {  	[sflag:s31] =	ssyncset.done $0x0  }
0x16b: {  	[sflag:s31] =	ssyncadd.s32 $0xFFFFFF80  }
0x16c: {  	[tilespmem:s1], [sflag:$0x2] =	stream.linear.gather [hbm4b:s26+s15], $0x80, $0x38;
	[tilespmem:$0x14200] =	vst v63  }
0x16d: {  	_ =	swait.ge [sflag:s31], $0x80  }
0x16e: {  	[sflag:s31] =	ssyncset.done $0x0  }
0x16f: {  	[sflag:s31] =	ssyncadd.s32 $0xFFFFFF80  }
0x170: {  	[tilespmem:s0], [sflag:$0x2] =	stream.linear.gather [hbm4b:s28+s15], $0x80, $0x38;
	[tilespmem:$0x14200] =	vst v63  }
0x171: {  	_ =	swait.ge [sflag:s31], $0x80  }
0x172: {  	[sflag:s31] =	ssyncset.done $0x0  }
0x173: {  	[sflag:s31] =	ssyncadd.s32 $0xFFFFFF80  }
0x174: {  	[tilespmem:s5], [sflag:$0x1] =	stream.indirect.gather [hbm4b:s2+s1], $0x80, s15, s1, $0xb8;
	[tilespmem:$0x14200] =	vst v63  }
0x175: {  	_ = 	snop  }
0x176: {  	[tilespmem:s6], [sflag:$0x1] =	stream.indirect.gather [hbm4b:s2+s1], $0x80, s1, s1, $0xb8;
	[tilespmem:$0x14200] =	vst v63  }
0x177: {  	_ = 	snop  }
0x178: {  	[tilespmem:s7], [sflag:$0x1] =	stream.indirect.gather [hbm4b:s2+s1], $0x80, s0, s1, $0xb8;
	[tilespmem:$0x14200] =	vst v63  }
0x179: {  	_ = 	snop  }
0x17a: {  	[tilespmem:s8], [sflag:$0x2] =	stream.linear.gather [hbm4b:s21+s15], $0x4000, $0x38;
	[tilespmem:$0x14200] =	vst v63  }
0x17b: {  	_ =	swait.ge [sflag:s31], $0x4000  }
0x17c: {  	[sflag:s31] =	ssyncset.done $0x0  }
0x17d: {  	[sflag:s31] =	ssyncadd.s32 $0xFFFFC000  }
0x17e: {  	_ =	swait.ge [sflag:s9], $0x4000  }
0x17f: {  	[sflag:s9] =	ssyncset.done $0x0  }
0x180: {  	[sflag:s9] =	ssyncadd.s32 $0xFFFFC000  }
0x181: {  	_ =	swait.ge [sflag:s9], $0x4000  }
0x182: {  	[sflag:s9] =	ssyncset.done $0x0  }
0x183: {  	[sflag:s9] =	ssyncadd.s32 $0xFFFFC000  }
0x184: {  	_ =	swait.ge [sflag:s9], $0x4000  }
0x185: {  	[sflag:s9] =	ssyncset.done $0x0  }
0x186: {  	s12 =	simm.s32 $0x0;
	[sflag:s9] =	ssyncadd.s32 $0xFFFFC000  }
0x187: {  	v3 =	vld [tilespmem:s12+$0xC200]  }
0x188: {  	v0 =	vld [tilespmem:s12+$0x8200]  }
0x189: {  	v5 =	vld [tilespmem:s12+$0x8210]  }
0x18a: {  	v9 =	vld [tilespmem:s12+$0x4230]  }
0x18b: {  	v7 =	vld [tilespmem:s12+$0x4210]  }
0x18c: {  	v2 =	vld [tilespmem:s12+$0x4200]  }
0x18d: {  	v10 =	vld [tilespmem:s12+$0x210]  }
0x18e: {  	v12 =	vld [tilespmem:s12+$0x230]  }
0x18f: {  	v14 =	vld [tilespmem:s12+$0x4220]  }
0x190: {  	v1 =	vld [tilespmem:s12+$0x200]  }
0x191: {  	v15 =	vld [tilespmem:s12+$0x220]  }
0x192: {  	v4 =	vld [tilespmem:s12+$0x8230]  }
0x193: {  	v16 =	vld [tilespmem:s12+$0x8220];
	v6 =	vadd.f32 v7, v10;
	v11 =	vadd.f32 v9, v12  }
0x194: {  	s13 =	simm.s32 $0x80;
	v13 =	vsub.f32 v3, v2;
	v18 =	vsub.f32 v3, v0  }
0x195: {  	v28 =	vld [tilespmem:s13+$0xC200];
	v3 =	vsub.f32 v3, v1;
	v6 =	vadd.f32 v5, v6  }
0x196: {  	v8 =	vld [tilespmem:s13+$0x8200];
	v17 =	vadd.f32 v14, v15;
	v22 =	vmul.f32 v13, v13  }
0x197: {  	v20 =	vadd.f32 v4, v11;
	v11 =	vld [tilespmem:s13+$0x8210];
	v26 =	vmul.f32 v3, v3;
	v19 =	vmul.f32 $3.333333430e-01, v6  }
0x198: {  	v21 =	vadd.f32 v2, v1;
	v17 =	vadd.f32 v16, v17;
	v13 =	vld [tilespmem:s13+$0x4210]  }
0x199: {  	v6 =	vld [tilespmem:s13+$0x4230];
	v20 =	vmul.f32 $3.333333430e-01, v20;
	v22 =	vadd.f32 v22, v26;
	v25 =	vsub.f32 v10, v19  }
0x19a: {  	v23 =	vsub.f32 v5, v19;
	v10 =	vadd.f32 v0, v21;
	v21 =	vmul.f32 $3.333333430e-01, v17;
	v5 =	vld [tilespmem:s13+$0x4200]  }
0x19b: {  	v19 =	vsub.f32 v7, v19;
	v3 =	vsub.f32 v12, v20;
	v17 =	vld [tilespmem:s13+$0x210]  }
0x19c: {  	v12 =	vld [tilespmem:s13+$0x4220];
	v7 =	vmul.f32 v23, v23;
	v23 =	vsub.f32 v15, v21;
	v14 =	vsub.f32 v14, v21  }
0x19d: {  	v9 =	vsub.f32 v9, v20;
	v31 =	vsub.f32 v4, v20;
	v15 =	vld [tilespmem:s13+$0x230];
	v24 =	vmul.f32 v3, v3  }
0x19e: {  	v21 =	vsub.f32 v16, v21;
	v16 =	vld [tilespmem:s13+$0x220];
	v23 =	vmul.f32 v23, v23;
	v27 =	vmul.f32 v14, v14  }
0x19f: {  	v3 =	vsub.f32 v28, v8;
	v4 =	vmul.f32 v9, v9;
	v14 =	vld [tilespmem:s13+$0x200];
	v29 =	vsub.f32 v28, v5  }
0x1a0: {  	v9 =	vld [tilespmem:s13+$0x8230];
	v30 =	vmul.f32 v21, v21;
	v23 =	vadd.f32 v27, v23;
	v27 =	vadd.f32 v13, v17  }
0x1a1: {  	v20 =	vadd.f32 v4, v24;
	v21 =	vmul.f32 v18, v18;
	v4 =	vmul.f32 v29, v29  }
0x1a2: {  	v18 =	vadd.f32 v23, v30;
	v29 =	vadd.f32 v11, v27;
	v23 =	vmul.f32 v19, v19;
	v19 =	vld [tilespmem:s13+$0x8220]  }
0x1a3: {  	v32 =	vadd.f32 v6, v15;
	v24 =	vadd.f32 v12, v16  }
0x1a4: {  	v27 =	vmul.f32 v25, v25;
	v26 =	vadd.f32 v5, v14;
	v25 =	vmul.f32 $3.333333430e-01, v29  }
0x1a5: {  	s14 =	simm.s32 $0x400;
	v30 =	vsub.f32 v28, v14;
	v28 =	vmul.f32 v31, v31;
	v29 =	vadd.f32 v9, v32  }
.LBB2_8:
0x1a6: {  	s15 =	sshra.s32 s14, $0x2;
	p0 =	sne.s32 s14, $0xFE00;
	s14 =	sadd.s32 $0x200, s14;
	v31 =	vsub.f32 v17, v25;
	v11 =	vsub.f32 v11, v25;
	v17 =	vmul.f32 $3.333333430e-01, v10  }
0x1a7: {  	v23 =	vadd.f32 v23, v27;
	v32 =	vld [tilespmem:s15+$0xC200];
	v30 =	vmul.f32 v30, v30;
	v24 =	vadd.f32 v19, v24  }
0x1a8: {  	v10 =	vadd.f32 v8, v26;
	v25 =	vsub.f32 v13, v25;
	v27 =	vld [tilespmem:s15+$0x8230];
	v26 =	vmul.f32 v11, v11  }
0x1a9: {  	v34 =	vadd.f32 v22, v21;
	v29 =	vmul.f32 $3.333333430e-01, v29;
	v13 =	vadd.f32 v20, v28;
	v33 =	vld [tilespmem:s15+$0x8200]  }
0x1aa: {  	v21 =	vsub.f32 v2, v17;
	v22 =	vsub.f32 v0, v17;
	v0 =	vmovc v8;
	v2 =	vmovc v5;
	v20 =	vmul.f32 $3.333333430e-01, v24;
	v11 =	vld [tilespmem:s15+$0x8210]  }
0x1ab: {  	v8 =	vsub.f32 v15, v29;
	v24 =	vsub.f32 v6, v29;
	v15 =	vmul.f32 $5.000000000e-01, v13;
	v6 =	vld [tilespmem:s15+$0x4230]  }
0x1ac: {  	v18 =	vmul.f32 $5.000000000e-01, v18;
	v28 =	vsub.f32 v1, v17;
	v1 =	vmovc v14;
	v16 =	vsub.f32 v16, v20;
	v13 =	vld [tilespmem:s15+$0x4210]  }
0x1ad: {  	v14 =	vsub.f32 v12, v20;
	v19 =	vsub.f32 v19, v20;
	v8 =	vmul.f32 v8, v8;
	v5 =	vld [tilespmem:s15+$0x4200]  }
0x1ae: {  	v28 =	vmul.f32 v28, v28;
	v36 =	vmul.f32 v16, v16;
	v35 =	vsub.f32 v32, v33;
	v17 =	vld [tilespmem:s15+$0x210];
	[tilespmem:s12+$0x10230] =	vst v15  }
0x1af: {  	v37 =	vsub.f32 v9, v29;
	v21 =	vmul.f32 v21, v21;
	v20 =	vmul.f32 v24, v24;
	v15 =	vld [tilespmem:s15+$0x230];
	[tilespmem:s12+$0x10220] =	vst v18  }
0x1b0: {  	v23 =	vadd.f32 v23, v7;
	v19 =	vmul.f32 v19, v19;
	v9 =	vmovc v27;
	v18 =	vmul.f32 v14, v14;
	v12 =	vld [tilespmem:s15+$0x4220]  }
0x1b1: {  	v22 =	vmul.f32 v22, v22;
	v7 =	vmovc v26;
	v24 =	vadd.f32 v21, v28;
	v20 =	vadd.f32 v20, v8;
	v16 =	vld [tilespmem:s15+$0x220]  }
0x1b2: {  	v23 =	vmul.f32 $5.000000000e-01, v23;
	v8 =	vmovc v33;
	v18 =	vadd.f32 v18, v36;
	v14 =	vld [tilespmem:s15+$0x200];
	v26 =	vsub.f32 v32, v5  }
0x1b3: {  	v21 =	vmul.f32 v3, v3;
	v22 =	vadd.f32 v24, v22;
	v3 =	vmovc v35;
	v27 =	vadd.f32 v13, v17  }
.Ltmp3:
0x1b4: {  	v18 =	vadd.f32 v18, v19;
	v26 =	vmul.f32 v26, v26;
	v28 =	vadd.f32 v6, v15;
	[tilespmem:s12+$0x10210] =	vst v23;
	(pc) =	sbr.rel @p0 .LBB2_8-.Ltmp3, $4  }
0x1b5: {  	v33 =	vmul.f32 $5.000000000e-01, v22;
	v23 =	vmul.f32 v25, v25;
	v29 =	vadd.f32 v11, v27;
	v19 =	vld [tilespmem:s15+$0x8220]  }
0x1b6: {  	v22 =	vadd.f32 v4, v30;
	v27 =	vmul.f32 v31, v31;
	v24 =	vadd.f32 v12, v16;
	v4 =	vmovc v26  }
0x1b7: {  	v31 =	vsel vm0, v34, v33;
	v26 =	vadd.f32 v5, v14;
	v25 =	vmul.f32 $3.333333430e-01, v29  }
0x1b8: {  	v30 =	vsub.f32 v32, v14;
	v29 =	vadd.f32 v9, v28;
	v28 =	vmul.f32 v37, v37;
	[tilespmem:s12+$0x10200] =	vst v31;
	s12 =	smov.u32 s13;
	s13 =	smov.u32 s15  }
0x1b9: {  	v17 =	vsub.f32 v17, v25  }
0x1ba: {  	v11 =	vsub.f32 v11, v25;
	v23 =	vadd.f32 v23, v27  }
0x1bb: {  	v10 =	vmul.f32 $3.333333430e-01, v10;
	v26 =	vadd.f32 v8, v26;
	v13 =	vsub.f32 v13, v25  }
0x1bc: {  	v21 =	vadd.f32 v22, v21;
	v3 =	vmul.f32 v3, v3;
	v24 =	vadd.f32 v19, v24  }
0x1bd: {  	v27 =	vmul.f32 v30, v30;
	v25 =	vmul.f32 $3.333333430e-01, v29;
	v20 =	vadd.f32 v20, v28  }
0x1be: {  	v2 =	vsub.f32 v2, v10;
	v0 =	vsub.f32 v0, v10;
	v11 =	vmul.f32 v11, v11  }
0x1bf: {  	v1 =	vsub.f32 v1, v10;
	v10 =	vmul.f32 $5.000000000e-01, v18;
	v7 =	vadd.f32 v23, v7  }
0x1c0: {  	v13 =	vmul.f32 v13, v13;
	v22 =	vmul.f32 $3.333333430e-01, v24;
	v15 =	vsub.f32 v15, v25  }
0x1c1: {  	v6 =	vsub.f32 v6, v25;
	v20 =	vmul.f32 $5.000000000e-01, v20;
	v1 =	vmul.f32 v1, v1  }
0x1c2: {  	v9 =	vsub.f32 v9, v25;
	v2 =	vmul.f32 v2, v2;
	v0 =	vmul.f32 v0, v0  }
0x1c3: {  	v7 =	vmul.f32 $5.000000000e-01, v7;
	v16 =	vsub.f32 v16, v22;
	v12 =	vsub.f32 v12, v22  }
0x1c4: {  	v15 =	vmul.f32 v15, v15;
	v18 =	vsub.f32 v19, v22;
	v6 =	vmul.f32 v6, v6  }
0x1c5: {  	v9 =	vmul.f32 v9, v9;
	v1 =	vadd.f32 v2, v1;
	v2 =	vmul.f32 $3.333333430e-01, v26  }
0x1c6: {  	v16 =	vmul.f32 v16, v16;
	v12 =	vmul.f32 v12, v12  }
0x1c7: {  	v18 =	vmul.f32 v18, v18;
	v5 =	vsub.f32 v5, v2;
	v14 =	vsub.f32 v14, v2  }
0x1c8: {  	v6 =	vadd.f32 v6, v15;
	v0 =	vadd.f32 v1, v0;
	v1 =	vmul.f32 v17, v17  }
0x1c9: {  	v2 =	vsub.f32 v8, v2;
	v8 =	vmul.f32 v14, v14;
	v5 =	vmul.f32 v5, v5  }
0x1ca: {  	v12 =	vadd.f32 v12, v16;
	v6 =	vadd.f32 v6, v9;
	v0 =	vmul.f32 $5.000000000e-01, v0  }
0x1cb: {  	[tilespmem:s12+$0x10220] =	vst v10;
	v1 =	vadd.f32 v13, v1;
	v2 =	vmul.f32 v2, v2;
	v5 =	vadd.f32 v5, v8  }
0x1cc: {  	v4 =	vadd.f32 v4, v27;
	[tilespmem:s12+$0x10230] =	vst v20;
	v6 =	vmul.f32 $5.000000000e-01, v6;
	v8 =	vadd.f32 v12, v18  }
0x1cd: {  	[tilespmem:s12+$0x10210] =	vst v7;
	v0 =	vsel vm0, v21, v0;
	v1 =	vadd.f32 v1, v11;
	v2 =	vadd.f32 v5, v2  }
0x1ce: {  	[tilespmem:s12+$0x10200] =	vst v0;
	v0 =	vmul.f32 $5.000000000e-01, v8  }
0x1cf: {  	v3 =	vadd.f32 v4, v3;
	[tilespmem:s13+$0x10230] =	vst v6;
	v1 =	vmul.f32 $5.000000000e-01, v1;
	v2 =	vmul.f32 $5.000000000e-01, v2  }
0x1d0: {  	[tilespmem:s13+$0x10220] =	vst v0  }
0x1d1: {  	[tilespmem:s13+$0x10210] =	vst v1;
	v0 =	vsel vm0, v3, v2  }
0x1d2: {  	s15 =	simm.s32 $0x0;
	[tilespmem:s13+$0x10200] =	vst v0  }
0x1d3: {  	[hbm4b:s22+s15] =	stream.linear.scatter [tilespmem:s10], [sflag:$0x2], $0x4000, $0x38;
	[tilespmem:$0x14200] =	vst v63  }
0x1d4: {  	_ =	swait.ge [sflag:s31], $0x4000  }
0x1d5: {  	[sflag:s31] =	ssyncset.done $0x0  }
0x1d6: {  	[sflag:s31] =	ssyncadd.s32 $0xFFFFC000  }
0x1d7: {  	[tilespmem:s15], [sflag:$0x2] =	stream.linear.gather [hbm4b:s20+s15], $0x80, $0x38;
	[tilespmem:$0x14200] =	vst v63  }
0x1d8: {  	_ =	swait.ge [sflag:s31], $0x80  }
0x1d9: {  	[sflag:s31] =	ssyncset.done $0x0  }
0x1da: {  	[sflag:s31] =	ssyncadd.s32 $0xFFFFFF80  }
0x1db: {  	[tilespmem:s1], [sflag:$0x2] =	stream.linear.gather [hbm4b:s29+s15], $0x80, $0x38;
	[tilespmem:$0x14200] =	vst v63  }
0x1dc: {  	_ =	swait.ge [sflag:s31], $0x80  }
0x1dd: {  	[sflag:s31] =	ssyncset.done $0x0  }
0x1de: {  	[sflag:s31] =	ssyncadd.s32 $0xFFFFFF80  }
0x1df: {  	[tilespmem:s0], [sflag:$0x2] =	stream.linear.gather [hbm4b:s30+s15], $0x80, $0x38;
	[tilespmem:$0x14200] =	vst v63  }
0x1e0: {  	_ =	swait.ge [sflag:s31], $0x80  }
0x1e1: {  	[sflag:s31] =	ssyncset.done $0x0  }
0x1e2: {  	[sflag:s31] =	ssyncadd.s32 $0xFFFFFF80  }
0x1e3: {  	[tilespmem:s5], [sflag:$0x1] =	stream.indirect.gather [hbm4b:s2+s1], $0x80, s15, s1, $0xb8;
	[tilespmem:$0x14200] =	vst v63  }
0x1e4: {  	_ = 	snop  }
0x1e5: {  	[tilespmem:s6], [sflag:$0x1] =	stream.indirect.gather [hbm4b:s2+s1], $0x80, s1, s1, $0xb8;
	[tilespmem:$0x14200] =	vst v63  }
0x1e6: {  	_ = 	snop  }
0x1e7: {  	[tilespmem:s7], [sflag:$0x1] =	stream.indirect.gather [hbm4b:s2+s1], $0x80, s0, s1, $0xb8;
	[tilespmem:$0x14200] =	vst v63  }
0x1e8: {  	_ = 	snop  }
0x1e9: {  	[tilespmem:s8], [sflag:$0x2] =	stream.linear.gather [hbm4b:s24+s15], $0x4000, $0x38;
	[tilespmem:$0x14200] =	vst v63  }
0x1ea: {  	_ =	swait.ge [sflag:s31], $0x4000  }
0x1eb: {  	[sflag:s31] =	ssyncset.done $0x0  }
0x1ec: {  	[sflag:s31] =	ssyncadd.s32 $0xFFFFC000  }
0x1ed: {  	_ =	swait.ge [sflag:s9], $0x4000  }
0x1ee: {  	[sflag:s9] =	ssyncset.done $0x0  }
0x1ef: {  	[sflag:s9] =	ssyncadd.s32 $0xFFFFC000  }
0x1f0: {  	_ =	swait.ge [sflag:s9], $0x4000  }
0x1f1: {  	[sflag:s9] =	ssyncset.done $0x0  }
0x1f2: {  	[sflag:s9] =	ssyncadd.s32 $0xFFFFC000  }
0x1f3: {  	_ =	swait.ge [sflag:s9], $0x4000  }
0x1f4: {  	[sflag:s9] =	ssyncset.done $0x0  }
0x1f5: {  	s12 =	simm.s32 $0x0;
	[sflag:s9] =	ssyncadd.s32 $0xFFFFC000  }
0x1f6: {  	v3 =	vld [tilespmem:s12+$0xC200]  }
0x1f7: {  	v0 =	vld [tilespmem:s12+$0x8200]  }
0x1f8: {  	v5 =	vld [tilespmem:s12+$0x8210]  }
0x1f9: {  	v9 =	vld [tilespmem:s12+$0x4230]  }
0x1fa: {  	v7 =	vld [tilespmem:s12+$0x4210]  }
0x1fb: {  	v2 =	vld [tilespmem:s12+$0x4200]  }
0x1fc: {  	v10 =	vld [tilespmem:s12+$0x210]  }
0x1fd: {  	v12 =	vld [tilespmem:s12+$0x230]  }
0x1fe: {  	v14 =	vld [tilespmem:s12+$0x4220]  }
0x1ff: {  	v1 =	vld [tilespmem:s12+$0x200]  }
0x200: {  	v15 =	vld [tilespmem:s12+$0x220]  }
0x201: {  	v4 =	vld [tilespmem:s12+$0x8230]  }
0x202: {  	v16 =	vld [tilespmem:s12+$0x8220];
	v6 =	vadd.f32 v7, v10;
	v11 =	vadd.f32 v9, v12  }
0x203: {  	s13 =	simm.s32 $0x80;
	v13 =	vsub.f32 v3, v2;
	v18 =	vsub.f32 v3, v0  }
0x204: {  	v28 =	vld [tilespmem:s13+$0xC200];
	v3 =	vsub.f32 v3, v1;
	v6 =	vadd.f32 v5, v6  }
0x205: {  	v8 =	vld [tilespmem:s13+$0x8200];
	v17 =	vadd.f32 v14, v15;
	v22 =	vmul.f32 v13, v13  }
0x206: {  	v20 =	vadd.f32 v4, v11;
	v11 =	vld [tilespmem:s13+$0x8210];
	v26 =	vmul.f32 v3, v3;
	v19 =	vmul.f32 $3.333333430e-01, v6  }
0x207: {  	v21 =	vadd.f32 v2, v1;
	v17 =	vadd.f32 v16, v17;
	v13 =	vld [tilespmem:s13+$0x4210]  }
0x208: {  	v6 =	vld [tilespmem:s13+$0x4230];
	v20 =	vmul.f32 $3.333333430e-01, v20;
	v22 =	vadd.f32 v22, v26;
	v25 =	vsub.f32 v10, v19  }
0x209: {  	v23 =	vsub.f32 v5, v19;
	v10 =	vadd.f32 v0, v21;
	v21 =	vmul.f32 $3.333333430e-01, v17;
	v5 =	vld [tilespmem:s13+$0x4200]  }
0x20a: {  	v19 =	vsub.f32 v7, v19;
	v3 =	vsub.f32 v12, v20;
	v17 =	vld [tilespmem:s13+$0x210]  }
0x20b: {  	v12 =	vld [tilespmem:s13+$0x4220];
	v7 =	vmul.f32 v23, v23;
	v23 =	vsub.f32 v15, v21;
	v14 =	vsub.f32 v14, v21  }
0x20c: {  	v9 =	vsub.f32 v9, v20;
	v31 =	vsub.f32 v4, v20;
	v15 =	vld [tilespmem:s13+$0x230];
	v24 =	vmul.f32 v3, v3  }
0x20d: {  	v21 =	vsub.f32 v16, v21;
	v16 =	vld [tilespmem:s13+$0x220];
	v23 =	vmul.f32 v23, v23;
	v27 =	vmul.f32 v14, v14  }
0x20e: {  	v3 =	vsub.f32 v28, v8;
	v4 =	vmul.f32 v9, v9;
	v14 =	vld [tilespmem:s13+$0x200];
	v29 =	vsub.f32 v28, v5  }
0x20f: {  	v9 =	vld [tilespmem:s13+$0x8230];
	v30 =	vmul.f32 v21, v21;
	v23 =	vadd.f32 v27, v23;
	v27 =	vadd.f32 v13, v17  }
0x210: {  	v20 =	vadd.f32 v4, v24;
	v21 =	vmul.f32 v18, v18;
	v4 =	vmul.f32 v29, v29  }
0x211: {  	v18 =	vadd.f32 v23, v30;
	v29 =	vadd.f32 v11, v27;
	v23 =	vmul.f32 v19, v19;
	v19 =	vld [tilespmem:s13+$0x8220]  }
0x212: {  	v32 =	vadd.f32 v6, v15;
	v24 =	vadd.f32 v12, v16  }
0x213: {  	v27 =	vmul.f32 v25, v25;
	v26 =	vadd.f32 v5, v14;
	v25 =	vmul.f32 $3.333333430e-01, v29  }
0x214: {  	s14 =	simm.s32 $0x400;
	v30 =	vsub.f32 v28, v14;
	v28 =	vmul.f32 v31, v31;
	v29 =	vadd.f32 v9, v32  }
.LBB2_10:
0x215: {  	s15 =	sshra.s32 s14, $0x2;
	p0 =	sne.s32 s14, $0xFE00;
	s14 =	sadd.s32 $0x200, s14;
	v31 =	vsub.f32 v17, v25;
	v11 =	vsub.f32 v11, v25;
	v17 =	vmul.f32 $3.333333430e-01, v10  }
0x216: {  	v23 =	vadd.f32 v23, v27;
	v32 =	vld [tilespmem:s15+$0xC200];
	v30 =	vmul.f32 v30, v30;
	v24 =	vadd.f32 v19, v24  }
0x217: {  	v10 =	vadd.f32 v8, v26;
	v25 =	vsub.f32 v13, v25;
	v27 =	vld [tilespmem:s15+$0x8230];
	v26 =	vmul.f32 v11, v11  }
0x218: {  	v34 =	vadd.f32 v22, v21;
	v29 =	vmul.f32 $3.333333430e-01, v29;
	v13 =	vadd.f32 v20, v28;
	v33 =	vld [tilespmem:s15+$0x8200]  }
0x219: {  	v21 =	vsub.f32 v2, v17;
	v22 =	vsub.f32 v0, v17;
	v0 =	vmovc v8;
	v2 =	vmovc v5;
	v20 =	vmul.f32 $3.333333430e-01, v24;
	v11 =	vld [tilespmem:s15+$0x8210]  }
0x21a: {  	v8 =	vsub.f32 v15, v29;
	v24 =	vsub.f32 v6, v29;
	v15 =	vmul.f32 $5.000000000e-01, v13;
	v6 =	vld [tilespmem:s15+$0x4230]  }
0x21b: {  	v18 =	vmul.f32 $5.000000000e-01, v18;
	v28 =	vsub.f32 v1, v17;
	v1 =	vmovc v14;
	v16 =	vsub.f32 v16, v20;
	v13 =	vld [tilespmem:s15+$0x4210]  }
0x21c: {  	v14 =	vsub.f32 v12, v20;
	v19 =	vsub.f32 v19, v20;
	v8 =	vmul.f32 v8, v8;
	v5 =	vld [tilespmem:s15+$0x4200]  }
0x21d: {  	v28 =	vmul.f32 v28, v28;
	v36 =	vmul.f32 v16, v16;
	v35 =	vsub.f32 v32, v33;
	v17 =	vld [tilespmem:s15+$0x210];
	[tilespmem:s12+$0x10230] =	vst v15  }
0x21e: {  	v37 =	vsub.f32 v9, v29;
	v21 =	vmul.f32 v21, v21;
	v20 =	vmul.f32 v24, v24;
	v15 =	vld [tilespmem:s15+$0x230];
	[tilespmem:s12+$0x10220] =	vst v18  }
0x21f: {  	v23 =	vadd.f32 v23, v7;
	v19 =	vmul.f32 v19, v19;
	v9 =	vmovc v27;
	v18 =	vmul.f32 v14, v14;
	v12 =	vld [tilespmem:s15+$0x4220]  }
0x220: {  	v22 =	vmul.f32 v22, v22;
	v7 =	vmovc v26;
	v24 =	vadd.f32 v21, v28;
	v20 =	vadd.f32 v20, v8;
	v16 =	vld [tilespmem:s15+$0x220]  }
0x221: {  	v23 =	vmul.f32 $5.000000000e-01, v23;
	v8 =	vmovc v33;
	v18 =	vadd.f32 v18, v36;
	v14 =	vld [tilespmem:s15+$0x200];
	v26 =	vsub.f32 v32, v5  }
0x222: {  	v21 =	vmul.f32 v3, v3;
	v22 =	vadd.f32 v24, v22;
	v3 =	vmovc v35;
	v27 =	vadd.f32 v13, v17  }
.Ltmp4:
0x223: {  	v18 =	vadd.f32 v18, v19;
	v26 =	vmul.f32 v26, v26;
	v28 =	vadd.f32 v6, v15;
	[tilespmem:s12+$0x10210] =	vst v23;
	(pc) =	sbr.rel @p0 .LBB2_10-.Ltmp4, $4  }
0x224: {  	v33 =	vmul.f32 $5.000000000e-01, v22;
	v23 =	vmul.f32 v25, v25;
	v29 =	vadd.f32 v11, v27;
	v19 =	vld [tilespmem:s15+$0x8220]  }
0x225: {  	v22 =	vadd.f32 v4, v30;
	v27 =	vmul.f32 v31, v31;
	v24 =	vadd.f32 v12, v16;
	v4 =	vmovc v26  }
0x226: {  	v31 =	vsel vm0, v34, v33;
	v26 =	vadd.f32 v5, v14;
	v25 =	vmul.f32 $3.333333430e-01, v29  }
0x227: {  	v30 =	vsub.f32 v32, v14;
	v29 =	vadd.f32 v9, v28;
	v28 =	vmul.f32 v37, v37;
	[tilespmem:s12+$0x10200] =	vst v31;
	s12 =	smov.u32 s13;
	s13 =	smov.u32 s15  }
0x228: {  	v17 =	vsub.f32 v17, v25;
	v11 =	vsub.f32 v11, v25  }
0x229: {  	v10 =	vmul.f32 $3.333333430e-01, v10;
	v23 =	vadd.f32 v23, v27;
	v26 =	vadd.f32 v8, v26  }
0x22a: {  	v13 =	vsub.f32 v13, v25;
	v21 =	vadd.f32 v22, v21;
	v56 =	vmul.f32 $5.000000000e-01, v18  }
0x22b: {  	v24 =	vadd.f32 v19, v24;
	v53 =	vmul.f32 v30, v30;
	v20 =	vadd.f32 v20, v28  }
0x22c: {  	v54 =	vmul.f32 $3.333333430e-01, v29;
	v2 =	vsub.f32 v2, v10;
	v0 =	vsub.f32 v0, v10  }
0x22d: {  	v11 =	vmul.f32 v11, v11;
	v1 =	vsub.f32 v1, v10;
	v58 =	vmul.f32 $3.333333430e-01, v26  }
0x22e: {  	v7 =	vadd.f32 v23, v7;
	v13 =	vmul.f32 v13, v13;
	v59 =	vmul.f32 v17, v17  }
0x22f: {  	v55 =	vmul.f32 $3.333333430e-01, v24;
	v15 =	vsub.f32 v15, v54;
	v6 =	vsub.f32 v6, v54  }
0x230: {  	v20 =	vmul.f32 $5.000000000e-01, v20;
	v9 =	vsub.f32 v9, v54;
	v1 =	vmul.f32 v1, v1  }
0x231: {  	v4 =	vadd.f32 v4, v53;
	v2 =	vmul.f32 v2, v2;
	v0 =	vmul.f32 v0, v0  }
0x232: {  	v7 =	vmul.f32 $5.000000000e-01, v7;
	v5 =	vsub.f32 v5, v58;
	v14 =	vsub.f32 v14, v58  }
0x233: {  	v16 =	vsub.f32 v16, v55;
	v12 =	vsub.f32 v12, v55;
	v15 =	vmul.f32 v15, v15  }
0x234: {  	v57 =	vsub.f32 v19, v55;
	v6 =	vmul.f32 v6, v6;
	v9 =	vmul.f32 v9, v9  }
0x235: {  	v1 =	vadd.f32 v2, v1;
	v60 =	vmul.f32 v14, v14;
	v5 =	vmul.f32 v5, v5  }
0x236: {  	v2 =	vsub.f32 v8, v58;
	v16 =	vmul.f32 v16, v16;
	v12 =	vmul.f32 v12, v12  }
0x237: {  	v18 =	vmul.f32 v57, v57;
	v6 =	vadd.f32 v6, v15;
	v0 =	vadd.f32 v1, v0  }
0x238: {  	v1 =	vadd.f32 v13, v59;
	v5 =	vadd.f32 v5, v60;
	v2 =	vmul.f32 v2, v2  }
0x239: {  	[tilespmem:s12+$0x10220] =	vst v56;
	v12 =	vadd.f32 v12, v16;
	v6 =	vadd.f32 v6, v9;
	v0 =	vmul.f32 $5.000000000e-01, v0  }
0x23a: {  	v3 =	vmul.f32 v3, v3;
	[tilespmem:s12+$0x10230] =	vst v20;
	v1 =	vadd.f32 v1, v11;
	v2 =	vadd.f32 v5, v2  }
0x23b: {  	[tilespmem:s12+$0x10210] =	vst v7;
	v61 =	vadd.f32 v12, v18;
	v6 =	vmul.f32 $5.000000000e-01, v6;
	v0 =	vsel vm0, v21, v0  }
0x23c: {  	v1 =	vmul.f32 $5.000000000e-01, v1;
	[tilespmem:s12+$0x10200] =	vst v0  }
0x23d: {  	v3 =	vadd.f32 v4, v3;
	v2 =	vmul.f32 $5.000000000e-01, v2;
	v62 =	vmul.f32 $5.000000000e-01, v61;
	[tilespmem:s13+$0x10230] =	vst v6  }
0x23e: {  	s11 =	sadd.s32 $0x1, s11;
	[tilespmem:s13+$0x10210] =	vst v1  }
0x23f: {  	p0 =	sne.s32 s11, s25;
	v63 =	vsel vm0, v3, v2;
	[tilespmem:s13+$0x10220] =	vst v62  }
.Ltmp5:
0x240: {  	[tilespmem:s13+$0x10200] =	vst v63;
	(pc) =	sbr.rel @p0 .LBB2_1-.Ltmp5, $4  }
0x241: {  	[hbm4b:s23+s3] =	stream.linear.scatter [tilespmem:s10], [sflag:$0x2], $0x4000, $0x38;
	[tilespmem:$0x14200] =	vst v63  }
0x242: {  	_ =	swait.ge [sflag:s31], $0x4000  }
0x243: {  	[sflag:s31] =	ssyncset.done $0x0  }
0x244: {  	[sflag:s31] =	ssyncadd.s32 $0xFFFFC000  }
0x245: {  	_ =	sfence.sel $0x180000  }
0x246: {  	[bflag:$0x0] =	sbarrier.arrive $0xFFFF  }
0x247: {  	_ =	strace $0x90000047  }
0x248: {  	s0 =	stileid.u32;
	[bflag:$0x2] =	sbarrier.arrive $0xFFFF  }
0x249: {  	p0 =	sne.s32 s0, $0x0;
	s0 =	rddreg [dreg:$0x1]  }
0x24a: {  	s0 =	sadd.s32 @!p0 $0x100000, s0  }
0x24b: {  	[sflag:s0] =	ssyncadd.tile.s32 @!p0 $0x1;
	_ =	shalt  }
.Lfunc_end2:
_tile_overlayer_lowered:
.L_overlay_start_2:
0x24c: {  	(tag) =	ssettag $0x2  }
0x24d: {  	s0 =	rddreg [dreg:$0x0];
	s2 =	stileid.u32  }
0x24e: {  	s1 =	rddreg [dreg:$0x1];
	p0 =	sne.s32 s2, $0x0  }
0x24f: {  	s3 =	rddreg [dreg:$0x2];
	[bflag:$0x3] =	sbarrier.arrive $0xFFFF;
	s2 =	simm.s32 @!p0 $0x1C02  }
0x250: {  	[timem:s3], [sflag:s2] =	dma.local @!p0 [hbm:s0], s1  }
0x251: {  	s0 =	simm.s32 @!p0 $0x2  }
0x252: {  	_ =	swait.ge @!p0 [sflag:s0], s1  }
0x253: {  	s1 =	ssub.s32 @!p0 $0x0, s1;
	[sflag:s0] =	ssyncset.done @!p0 $0x0  }
0x254: {  	[sflag:s0] =	ssyncadd.s32 @!p0 s1  }
0x255: {  	[bflag:$0x3] =	sbarrier.arrive $0xFFFF  }
0x256: {  	_ =	shalt  }

</sc_bundles>
